<compile_context>
chip_gen: v7x
topology: tpu7x:2x2x1
jax: 0.10.2.dev20260603
libtpu: 0.0.44.dev20260713+nightly
codegen_flags: <defaults>
</compile_context>

<pallas_src>
import functools

import jax
import jax.numpy as jnp
from jax import lax
from jax.experimental import pallas as pl
from jax.experimental.pallas import tpu as pltpu
from jax.experimental.pallas import tpu_sc as plsc

N_CB = 4
N_EMB = 8192
D = 64
BT = 128
LW = 128

try:
    _SC_INFO = plsc.get_sparse_core_info()
    _SC_NC, _SC_NS = _SC_INFO.num_cores, _SC_INFO.num_subcores
except Exception:
    _SC_NC, _SC_NS = 2, 16
_NW = _SC_NC * _SC_NS
_IDX_CHUNK = 128


def _argmin_body(first, res_ref, emb_ref, cbtm2_ref, cbsq_ref, ids_ref,
                 resout_ref):
    if first:
        res = res_ref[...]
    else:
        res = res_ref[...] - emb_ref[...]
        resout_ref[...] = res
    prodm2 = lax.dot_general(
        res, cbtm2_ref[...], (((1,), (0,)), ((), ())),
        preferred_element_type=jnp.float32)
    res_sq = jnp.sum(res * res, axis=1, keepdims=True)
    ncol = N_EMB // LW
    cbsq = cbsq_ref[...]

    def col(i):
        return (cbsq[:, i * LW:(i + 1) * LW] + res_sq) + prodm2[:, i * LW:(i + 1) * LW]

    runmin = col(0)
    runidx = jnp.zeros((BT, LW), jnp.float32)
    for i in range(1, ncol):
        d = col(i)
        m = d < runmin
        runidx = jnp.where(m, float(i), runidx)
        runmin = jnp.where(m, d, runmin)
    lane = lax.broadcasted_iota(jnp.int32, (BT, LW), 1).astype(jnp.float32)
    gidx = runidx * float(LW) + lane
    minv = jnp.min(runmin, axis=1, keepdims=True)
    idxf = jnp.min(
        jnp.where(runmin == minv, gidx, float(N_EMB)), axis=1, keepdims=True)
    ids_ref[...] = lax.transpose(idxf.astype(jnp.int32), (1, 0)).reshape(
        1, 1, BT)


def _tc_argmin(first, res, emb, cbtm2, cbsq):
    nb = res.shape[0] // BT
    n = res.shape[0]
    out_shape = [
        jax.ShapeDtypeStruct((nb, 1, BT), jnp.int32),
        jax.ShapeDtypeStruct((n, D), jnp.float32),
    ]
    ids, resout = pl.pallas_call(
        functools.partial(_argmin_body, first),
        grid=(nb,),
        in_specs=[
            pl.BlockSpec((BT, D), lambda i: (i, 0)),
            pl.BlockSpec((BT, D), lambda i: (i, 0)),
            pl.BlockSpec((D, N_EMB), lambda i: (0, 0)),
            pl.BlockSpec((1, N_EMB), lambda i: (0, 0)),
        ],
        out_specs=[
            pl.BlockSpec((1, 1, BT), lambda i: (i, 0, 0)),
            pl.BlockSpec((BT, D), lambda i: (i, 0)),
        ],
        out_shape=out_shape,
        compiler_params=pltpu.CompilerParams(
            dimension_semantics=("arbitrary",),
        ),
    )(res, emb, cbtm2, cbsq)
    return ids, resout


def _sc_gather_body(rpw, cb_hbm, ids_hbm, out_hbm, idx_v, emb_v, sem):
    wid = lax.axis_index("s") * _SC_NC + lax.axis_index("c")
    nchunk = rpw // _IDX_CHUNK
    base = wid * rpw
    pltpu.sync_copy(ids_hbm.at[pl.ds(wid * nchunk, nchunk)], idx_v)
    copies = []
    for k in range(nchunk):
        copies.append(pltpu.async_copy(
            cb_hbm.at[idx_v.at[k]],
            emb_v.at[pl.ds(k * _IDX_CHUNK, _IDX_CHUNK)], sem))
    for c in copies:
        c.wait()
    pltpu.sync_copy(emb_v, out_hbm.at[pl.ds(base, rpw)])


def _sc_gather(cb, ids2d, nrows):
    rpw = nrows // _NW
    mesh = plsc.VectorSubcoreMesh(
        core_axis_name="c", subcore_axis_name="s")
    fn = pl.kernel(
        functools.partial(_sc_gather_body, rpw),
        out_type=jax.ShapeDtypeStruct((nrows, D), jnp.float32),
        mesh=mesh,
        scratch_types=[
            pltpu.VMEM((rpw // _IDX_CHUNK, _IDX_CHUNK), jnp.int32),
            pltpu.VMEM((rpw, D), jnp.float32),
            pltpu.SemaphoreType.DMA,
        ],
        compiler_params=pltpu.CompilerParams(use_tc_tiling_on_sc=False),
    )
    return fn(cb, ids2d)


def _final_body(x_ref, res_ref, emb_ref, q_ref):
    x = x_ref[...]
    qtilde = x - (res_ref[...] - emb_ref[...])
    q_ref[...] = x + (qtilde - x)


BT_F = 2048


def _tc_final(x, res, emb):
    nb = x.shape[0] // BT_F
    return pl.pallas_call(
        _final_body,
        grid=(nb,),
        in_specs=[pl.BlockSpec((BT_F, D), lambda i: (i, 0))] * 3,
        out_specs=pl.BlockSpec((BT_F, D), lambda i: (i, 0)),
        out_shape=jax.ShapeDtypeStruct(x.shape, jnp.float32),
        compiler_params=pltpu.CompilerParams(
            dimension_semantics=("arbitrary",),
        ),
    )(x, res, emb)


@jax.jit
def _run(x, cbtm2, cbsq, codebooks):
    n = x.shape[0]
    res = x
    emb = x
    ids_levels = []
    for lvl in range(N_CB):
        ids, resout = _tc_argmin(
            lvl == 0, res, emb,
            cbtm2[lvl], cbsq[lvl : lvl + 1])
        if lvl > 0:
            res = resout
        ids_levels.append(ids)
        emb = _sc_gather(codebooks[lvl], ids.reshape(n // _IDX_CHUNK, _IDX_CHUNK), n)
    q = _tc_final(x, res, emb)
    ids_all = jnp.concatenate(
        [i.reshape(n, 1) for i in ids_levels], axis=1)
    return q, ids_all


def kernel(pcf_semantic, plm_semantic, codebooks):
    b = pcf_semantic.shape[0]
    x = jnp.concatenate([pcf_semantic, plm_semantic], axis=0)
    cbtm2 = (-2.0 * codebooks).transpose(0, 2, 1)
    cbsq = jnp.sum(codebooks ** 2, axis=2)
    q, ids = _run(x, cbtm2, cbsq, codebooks)
    return (q[:b], q[b:], ids[:b], ids[b:])

# --- scband reference (transcript-rebuilt; emitter-appended) ---
"""Pipeline reference for scband-drl-90074054132064 (READ-ONLY COPY).

The authoritative reference and input builder live on the scoring server;
editing this copy changes nothing except your own understanding.
"""

import jax, jax.numpy as jnp
import numpy as np

N_CODEBOOK = 4
N_EMB = 8192
D = 64
B = 4096


def setup_inputs(seed: int = 0) -> dict:
    key = jax.random.key(seed)
    k1, k2, k3 = jax.random.split(key, 3)
    pcf_semantic = jax.random.normal(k1, (B, D), dtype=jnp.float32)
    plm_semantic = jax.random.normal(k2, (B, D), dtype=jnp.float32)
    init_bound = 1.0 / 400.0
    codebooks = jax.random.uniform(k3, (N_CODEBOOK, N_EMB, D), minval=-init_bound, maxval=init_bound, dtype=jnp.float32)
    return {"pcf_semantic": pcf_semantic, "plm_semantic": plm_semantic, "codebooks": codebooks}


def _residual_vq(x, codebooks):
    # Faithful port of CrossQuant.pcf_vq_embedding / plm_vq_embedding:
    # residual quantization over n_codebook levels with straight-through estimator.
    res = jax.lax.stop_gradient(x)
    embs = []
    ids = []
    residuals = []
    for i in range(codebooks.shape[0]):
        residuals.append(res)
        cb = codebooks[i]
        # torch.addmm(sum(cb^2) + sum(res^2, keepdim), res, cb.T, alpha=-2, beta=1)
        dist = jnp.sum(cb ** 2, axis=1)[None, :] + jnp.sum(res ** 2, axis=1, keepdims=True) - 2.0 * (res @ cb.T)
        idx = jnp.argmin(dist, axis=-1)
        emb = jnp.take(cb, idx, axis=0)  # F.embedding -> gather (SparseCore friendly)
        res = res - emb
        ids.append(idx)
        embs.append(emb)
    embeddings = jnp.stack(embs, axis=-1)
    quantized = embeddings.sum(axis=-1)
    # straight-through: x + sg(q - x)
    quantized = x + jax.lax.stop_gradient(quantized - x)
    residuals = jnp.stack(residuals, axis=-1)
    sem_ids = jnp.stack(ids, axis=-1)
    return quantized, residuals, sem_ids


def reference(pcf_semantic, plm_semantic, codebooks):
    pcf_quantized, pcf_residuals, pcf_sem_ids = _residual_vq(pcf_semantic, codebooks)
    plm_quantized, plm_residuals, plm_sem_ids = _residual_vq(plm_semantic, codebooks)
    return (pcf_quantized, plm_quantized, pcf_sem_ids, plm_sem_ids)

if __name__ == "__main__":
    import jax
    _d = setup_inputs()
    print(jax.jit(kernel)(*tuple(_d.values())))

</pallas_src>

<mosaic_0001>
#map = affine_map<(d0, d1) -> (0, 0)>
module attributes {stable_mosaic.version = 14 : i64} {
  func.func @_sc_gather_body(%arg0: i32, %arg1: i32, %arg2: memref<8192x64xf32, #tpu.memory_space<hbm>>, %arg3: memref<64x128xi32, #tpu.memory_space<hbm>>, %arg4: memref<8192x64xf32, #tpu.memory_space<hbm>>, %arg5: memref<2x128xi32, #tpu.memory_space<vmem>>, %arg6: memref<256x64xf32, #tpu.memory_space<vmem>>, %arg7: memref<!tpu.dma_semaphore, #tpu.memory_space<semaphore_mem>>) attributes {dimension_semantics = [#tpu.dimension_semantics<core_parallel>, #tpu.dimension_semantics<subcore_parallel>], iteration_bounds = array<i64: 2, 16>, scalar_prefetch = 0 : i64, scratch_operands = 3 : i64, tpu.core_type = #tpu.core_type<sc_vector_subcore>, window_params = [{transform_indices = #map}, {transform_indices = #map}, {transform_indices = #map}]} {
    %mul3A = arith.constant 2 : i32
    %mul3A_0 = arith.muli %arg1, %mul3A : i32
    %add3A = arith.addi %mul3A_0, %arg0 : i32
    %mul3A_1 = arith.constant 256 : i32
    %mul3A_2 = arith.muli %add3A, %mul3A_1 : i32
    %mul3A_3 = arith.constant 2 : i32
    %mul3A_4 = arith.muli %add3A, %mul3A_3 : i32
    "tpu.region"() ({
      %run_scoped3A = tpu.sem_alloc : memref<!tpu.dma_semaphore, #tpu.memory_space<semaphore_mem>>
      %dma_start3A_43 = arith.constant 0 : i32
      %dma_start3A_44 = tpu.memref_slice %arg3[%mul3A_4, %dma_start3A_43] : memref<64x128xi32, #tpu.memory_space<hbm>> -> memref<2x128xi32, #tpu.memory_space<hbm>>
      %dma_start3A_45 = arith.constant 0 : i32
      %dma_start3A_46 = tpu.memref_slice %arg3[%mul3A_4, %dma_start3A_45] : memref<64x128xi32, #tpu.memory_space<hbm>> -> memref<2x128xi32, #tpu.memory_space<hbm>>
      tpu.enqueue_dma source(%dma_start3A_46 : memref<2x128xi32, #tpu.memory_space<hbm>>) target(%arg5 : memref<2x128xi32, #tpu.memory_space<vmem>>) target_semaphore(%run_scoped3A : memref<!tpu.dma_semaphore, #tpu.memory_space<semaphore_mem>>)
      %dma_wait3A_47 = arith.constant 0 : i32
      %dma_wait3A_48 = tpu.memref_slice %arg3[%mul3A_4, %dma_wait3A_47] : memref<64x128xi32, #tpu.memory_space<hbm>> -> memref<2x128xi32, #tpu.memory_space<hbm>>
      %dma_wait3A_49 = arith.constant 0 : i32
      %dma_wait3A_50 = tpu.memref_slice %arg3[%mul3A_4, %dma_wait3A_49] : memref<64x128xi32, #tpu.memory_space<hbm>> -> memref<2x128xi32, #tpu.memory_space<hbm>>
      tpu.wait_dma2 semaphore(%run_scoped3A : memref<!tpu.dma_semaphore, #tpu.memory_space<semaphore_mem>>) src(%dma_wait3A_50 : memref<2x128xi32, #tpu.memory_space<hbm>>) dst(%arg5 : memref<2x128xi32, #tpu.memory_space<vmem>>)
      tpu.yield
    }) : () -> ()
    %dma_start3A = arith.constant 0 : i32
    %dma_start3A_5 = arith.constant 0 : i32
    %dma_start3A_6 = arith.constant 0 : i32
    %dma_start3A_7 = tpu.memref_slice %arg6[%dma_start3A_5, %dma_start3A_6] : memref<256x64xf32, #tpu.memory_space<vmem>> -> memref<128x64xf32, #tpu.memory_space<vmem>>
    %dma_start3A_8 = arith.constant 0 : i32
    %dma_start3A_9 = tpu.memref_slice %arg5[%dma_start3A, %dma_start3A_8] : memref<2x128xi32, #tpu.memory_space<vmem>> -> memref<1x128xi32, #tpu.memory_space<vmem>>
    %dma_start3A_10 = tpu.memref_squeeze %dma_start3A_9 : memref<1x128xi32, #tpu.memory_space<vmem>> -> memref<128xi32, #tpu.memory_space<vmem>>
    %dma_start3A_11 = arith.constant 0 : i32
    %dma_start3A_12 = arith.constant 0 : i32
    %dma_start3A_13 = tpu.memref_slice %arg2[%dma_start3A_11, %dma_start3A_12] : memref<8192x64xf32, #tpu.memory_space<hbm>> -> memref<8192x64xf32, #tpu.memory_space<hbm>>
    tpu.enqueue_indirect_dma source(%dma_start3A_13 : memref<8192x64xf32, #tpu.memory_space<hbm>>) target(%dma_start3A_7 : memref<128x64xf32, #tpu.memory_space<vmem>>) offsets(%dma_start3A_10 : memref<128xi32, #tpu.memory_space<vmem>>) semaphore(%arg7 : memref<!tpu.dma_semaphore, #tpu.memory_space<semaphore_mem>>)
    %dma_start3A_14 = arith.constant 1 : i32
    %dma_start3A_15 = arith.constant 128 : i32
    %dma_start3A_16 = arith.constant 0 : i32
    %dma_start3A_17 = tpu.memref_slice %arg6[%dma_start3A_15, %dma_start3A_16] : memref<256x64xf32, #tpu.memory_space<vmem>> -> memref<128x64xf32, #tpu.memory_space<vmem>>
    %dma_start3A_18 = arith.constant 0 : i32
    %dma_start3A_19 = tpu.memref_slice %arg5[%dma_start3A_14, %dma_start3A_18] : memref<2x128xi32, #tpu.memory_space<vmem>> -> memref<1x128xi32, #tpu.memory_space<vmem>>
    %dma_start3A_20 = tpu.memref_squeeze %dma_start3A_19 : memref<1x128xi32, #tpu.memory_space<vmem>> -> memref<128xi32, #tpu.memory_space<vmem>>
    %dma_start3A_21 = arith.constant 0 : i32
    %dma_start3A_22 = arith.constant 0 : i32
    %dma_start3A_23 = tpu.memref_slice %arg2[%dma_start3A_21, %dma_start3A_22] : memref<8192x64xf32, #tpu.memory_space<hbm>> -> memref<8192x64xf32, #tpu.memory_space<hbm>>
    tpu.enqueue_indirect_dma source(%dma_start3A_23 : memref<8192x64xf32, #tpu.memory_space<hbm>>) target(%dma_start3A_17 : memref<128x64xf32, #tpu.memory_space<vmem>>) offsets(%dma_start3A_20 : memref<128xi32, #tpu.memory_space<vmem>>) semaphore(%arg7 : memref<!tpu.dma_semaphore, #tpu.memory_space<semaphore_mem>>)
    %dma_wait3A = arith.constant 0 : i32
    %dma_wait3A_24 = arith.constant 0 : i32
    %dma_wait3A_25 = arith.constant 0 : i32
    %dma_wait3A_26 = tpu.memref_slice %arg6[%dma_wait3A_24, %dma_wait3A_25] : memref<256x64xf32, #tpu.memory_space<vmem>> -> memref<128x64xf32, #tpu.memory_space<vmem>>
    %dma_wait3A_27 = arith.constant 0 : i32
    %dma_wait3A_28 = tpu.memref_slice %arg5[%dma_wait3A, %dma_wait3A_27] : memref<2x128xi32, #tpu.memory_space<vmem>> -> memref<1x128xi32, #tpu.memory_space<vmem>>
    %dma_wait3A_29 = tpu.memref_squeeze %dma_wait3A_28 : memref<1x128xi32, #tpu.memory_space<vmem>> -> memref<128xi32, #tpu.memory_space<vmem>>
    %dma_wait3A_30 = arith.constant 0 : i32
    %dma_wait3A_31 = arith.constant 0 : i32
    %dma_wait3A_32 = tpu.memref_slice %arg2[%dma_wait3A_30, %dma_wait3A_31] : memref<8192x64xf32, #tpu.memory_space<hbm>> -> memref<8192x64xf32, #tpu.memory_space<hbm>>
    tpu.wait_indirect_dma semaphore(%arg7 : memref<!tpu.dma_semaphore, #tpu.memory_space<semaphore_mem>>) src(%dma_wait3A_32 : memref<8192x64xf32, #tpu.memory_space<hbm>>) dst(%dma_wait3A_26 : memref<128x64xf32, #tpu.memory_space<vmem>>)
    %dma_wait3A_33 = arith.constant 1 : i32
    %dma_wait3A_34 = arith.constant 128 : i32
    %dma_wait3A_35 = arith.constant 0 : i32
    %dma_wait3A_36 = tpu.memref_slice %arg6[%dma_wait3A_34, %dma_wait3A_35] : memref<256x64xf32, #tpu.memory_space<vmem>> -> memref<128x64xf32, #tpu.memory_space<vmem>>
    %dma_wait3A_37 = arith.constant 0 : i32
    %dma_wait3A_38 = tpu.memref_slice %arg5[%dma_wait3A_33, %dma_wait3A_37] : memref<2x128xi32, #tpu.memory_space<vmem>> -> memref<1x128xi32, #tpu.memory_space<vmem>>
    %dma_wait3A_39 = tpu.memref_squeeze %dma_wait3A_38 : memref<1x128xi32, #tpu.memory_space<vmem>> -> memref<128xi32, #tpu.memory_space<vmem>>
    %dma_wait3A_40 = arith.constant 0 : i32
    %dma_wait3A_41 = arith.constant 0 : i32
    %dma_wait3A_42 = tpu.memref_slice %arg2[%dma_wait3A_40, %dma_wait3A_41] : memref<8192x64xf32, #tpu.memory_space<hbm>> -> memref<8192x64xf32, #tpu.memory_space<hbm>>
    tpu.wait_indirect_dma semaphore(%arg7 : memref<!tpu.dma_semaphore, #tpu.memory_space<semaphore_mem>>) src(%dma_wait3A_42 : memref<8192x64xf32, #tpu.memory_space<hbm>>) dst(%dma_wait3A_36 : memref<128x64xf32, #tpu.memory_space<vmem>>)
    "tpu.region"() ({
      %run_scoped3A = tpu.sem_alloc : memref<!tpu.dma_semaphore, #tpu.memory_space<semaphore_mem>>
      %dma_start3A_43 = arith.constant 0 : i32
      %dma_start3A_44 = tpu.memref_slice %arg4[%mul3A_2, %dma_start3A_43] : memref<8192x64xf32, #tpu.memory_space<hbm>> -> memref<256x64xf32, #tpu.memory_space<hbm>>
      %dma_start3A_45 = arith.constant 0 : i32
      %dma_start3A_46 = tpu.memref_slice %arg4[%mul3A_2, %dma_start3A_45] : memref<8192x64xf32, #tpu.memory_space<hbm>> -> memref<256x64xf32, #tpu.memory_space<hbm>>
      tpu.enqueue_dma source(%arg6 : memref<256x64xf32, #tpu.memory_space<vmem>>) target(%dma_start3A_46 : memref<256x64xf32, #tpu.memory_space<hbm>>) target_semaphore(%run_scoped3A : memref<!tpu.dma_semaphore, #tpu.memory_space<semaphore_mem>>)
      %dma_wait3A_47 = arith.constant 0 : i32
      %dma_wait3A_48 = tpu.memref_slice %arg4[%mul3A_2, %dma_wait3A_47] : memref<8192x64xf32, #tpu.memory_space<hbm>> -> memref<256x64xf32, #tpu.memory_space<hbm>>
      %dma_wait3A_49 = arith.constant 0 : i32
      %dma_wait3A_50 = tpu.memref_slice %arg4[%mul3A_2, %dma_wait3A_49] : memref<8192x64xf32, #tpu.memory_space<hbm>> -> memref<256x64xf32, #tpu.memory_space<hbm>>
      tpu.wait_dma2 semaphore(%run_scoped3A : memref<!tpu.dma_semaphore, #tpu.memory_space<semaphore_mem>>) src(%arg6 : memref<256x64xf32, #tpu.memory_space<vmem>>) dst(%dma_wait3A_50 : memref<256x64xf32, #tpu.memory_space<hbm>>)
      tpu.yield
    }) : () -> ()
    return
  }
}

#map = affine_map<(d0, d1) -> (0, 0)>
module attributes {stable_mosaic.version = 14 : i64} {
  func.func @_sc_gather_body(%arg0: i32, %arg1: i32, %arg2: memref<8192x64xf32, #tpu.memory_space<hbm>>, %arg3: memref<64x128xi32, #tpu.memory_space<hbm>>, %arg4: memref<8192x64xf32, #tpu.memory_space<hbm>>, %arg5: memref<2x128xi32, #tpu.memory_space<vmem>>, %arg6: memref<256x64xf32, #tpu.memory_space<vmem>>, %arg7: memref<!tpu.dma_semaphore, #tpu.memory_space<semaphore_mem>>) attributes {dimension_semantics = [#tpu.dimension_semantics<core_parallel>, #tpu.dimension_semantics<subcore_parallel>], iteration_bounds = array<i64: 2, 16>, scalar_prefetch = 0 : i64, scratch_operands = 3 : i64, tpu.core_type = #tpu.core_type<sc_vector_subcore>, window_params = [{transform_indices = #map}, {transform_indices = #map}, {transform_indices = #map}]} {
    %mul3A = arith.constant 2 : i32
    %mul3A_0 = arith.muli %arg1, %mul3A : i32
    %add3A = arith.addi %mul3A_0, %arg0 : i32
    %mul3A_1 = arith.constant 256 : i32
    %mul3A_2 = arith.muli %add3A, %mul3A_1 : i32
    %mul3A_3 = arith.constant 2 : i32
    %mul3A_4 = arith.muli %add3A, %mul3A_3 : i32
    "tpu.region"() ({
      %run_scoped3A = tpu.sem_alloc : memref<!tpu.dma_semaphore, #tpu.memory_space<semaphore_mem>>
      %dma_start3A_43 = arith.constant 0 : i32
      %dma_start3A_44 = tpu.memref_slice %arg3[%mul3A_4, %dma_start3A_43] : memref<64x128xi32, #tpu.memory_space<hbm>> -> memref<2x128xi32, #tpu.memory_space<hbm>>
      %dma_start3A_45 = arith.constant 0 : i32
      %dma_start3A_46 = tpu.memref_slice %arg3[%mul3A_4, %dma_start3A_45] : memref<64x128xi32, #tpu.memory_space<hbm>> -> memref<2x128xi32, #tpu.memory_space<hbm>>
      tpu.enqueue_dma source(%dma_start3A_46 : memref<2x128xi32, #tpu.memory_space<hbm>>) target(%arg5 : memref<2x128xi32, #tpu.memory_space<vmem>>) target_semaphore(%run_scoped3A : memref<!tpu.dma_semaphore, #tpu.memory_space<semaphore_mem>>)
      %dma_wait3A_47 = arith.constant 0 : i32
      %dma_wait3A_48 = tpu.memref_slice %arg3[%mul3A_4, %dma_wait3A_47] : memref<64x128xi32, #tpu.memory_space<hbm>> -> memref<2x128xi32, #tpu.memory_space<hbm>>
      %dma_wait3A_49 = arith.constant 0 : i32
      %dma_wait3A_50 = tpu.memref_slice %arg3[%mul3A_4, %dma_wait3A_49] : memref<64x128xi32, #tpu.memory_space<hbm>> -> memref<2x128xi32, #tpu.memory_space<hbm>>
      tpu.wait_dma2 semaphore(%run_scoped3A : memref<!tpu.dma_semaphore, #tpu.memory_space<semaphore_mem>>) src(%dma_wait3A_50 : memref<2x128xi32, #tpu.memory_space<hbm>>) dst(%arg5 : memref<2x128xi32, #tpu.memory_space<vmem>>)
      tpu.yield
    }) : () -> ()
    %dma_start3A = arith.constant 0 : i32
    %dma_start3A_5 = arith.constant 0 : i32
    %dma_start3A_6 = arith.constant 0 : i32
    %dma_start3A_7 = tpu.memref_slice %arg6[%dma_start3A_5, %dma_start3A_6] : memref<256x64xf32, #tpu.memory_space<vmem>> -> memref<128x64xf32, #tpu.memory_space<vmem>>
    %dma_start3A_8 = arith.constant 0 : i32
    %dma_start3A_9 = tpu.memref_slice %arg5[%dma_start3A, %dma_start3A_8] : memref<2x128xi32, #tpu.memory_space<vmem>> -> memref<1x128xi32, #tpu.memory_space<vmem>>
    %dma_start3A_10 = tpu.memref_squeeze %dma_start3A_9 : memref<1x128xi32, #tpu.memory_space<vmem>> -> memref<128xi32, #tpu.memory_space<vmem>>
    %dma_start3A_11 = arith.constant 0 : i32
    %dma_start3A_12 = arith.constant 0 : i32
    %dma_start3A_13 = tpu.memref_slice %arg2[%dma_start3A_11, %dma_start3A_12] : memref<8192x64xf32, #tpu.memory_space<hbm>> -> memref<8192x64xf32, #tpu.memory_space<hbm>>
    tpu.enqueue_indirect_dma source(%dma_start3A_13 : memref<8192x64xf32, #tpu.memory_space<hbm>>) target(%dma_start3A_7 : memref<128x64xf32, #tpu.memory_space<vmem>>) offsets(%dma_start3A_10 : memref<128xi32, #tpu.memory_space<vmem>>) semaphore(%arg7 : memref<!tpu.dma_semaphore, #tpu.memory_space<semaphore_mem>>)
    %dma_start3A_14 = arith.constant 1 : i32
    %dma_start3A_15 = arith.constant 128 : i32
    %dma_start3A_16 = arith.constant 0 : i32
    %dma_start3A_17 = tpu.memref_slice %arg6[%dma_start3A_15, %dma_start3A_16] : memref<256x64xf32, #tpu.memory_space<vmem>> -> memref<128x64xf32, #tpu.memory_space<vmem>>
    %dma_start3A_18 = arith.constant 0 : i32
    %dma_start3A_19 = tpu.memref_slice %arg5[%dma_start3A_14, %dma_start3A_18] : memref<2x128xi32, #tpu.memory_space<vmem>> -> memref<1x128xi32, #tpu.memory_space<vmem>>
    %dma_start3A_20 = tpu.memref_squeeze %dma_start3A_19 : memref<1x128xi32, #tpu.memory_space<vmem>> -> memref<128xi32, #tpu.memory_space<vmem>>
    %dma_start3A_21 = arith.constant 0 : i32
    %dma_start3A_22 = arith.constant 0 : i32
    %dma_start3A_23 = tpu.memref_slice %arg2[%dma_start3A_21, %dma_start3A_22] : memref<8192x64xf32, #tpu.memory_space<hbm>> -> memref<8192x64xf32, #tpu.memory_space<hbm>>
    tpu.enqueue_indirect_dma source(%dma_start3A_23 : memref<8192x64xf32, #tpu.memory_space<hbm>>) target(%dma_start3A_17 : memref<128x64xf32, #tpu.memory_space<vmem>>) offsets(%dma_start3A_20 : memref<128xi32, #tpu.memory_space<vmem>>) semaphore(%arg7 : memref<!tpu.dma_semaphore, #tpu.memory_space<semaphore_mem>>)
    %dma_wait3A = arith.constant 0 : i32
    %dma_wait3A_24 = arith.constant 0 : i32
    %dma_wait3A_25 = arith.constant 0 : i32
    %dma_wait3A_26 = tpu.memref_slice %arg6[%dma_wait3A_24, %dma_wait3A_25] : memref<256x64xf32, #tpu.memory_space<vmem>> -> memref<128x64xf32, #tpu.memory_space<vmem>>
    %dma_wait3A_27 = arith.constant 0 : i32
    %dma_wait3A_28 = tpu.memref_slice %arg5[%dma_wait3A, %dma_wait3A_27] : memref<2x128xi32, #tpu.memory_space<vmem>> -> memref<1x128xi32, #tpu.memory_space<vmem>>
    %dma_wait3A_29 = tpu.memref_squeeze %dma_wait3A_28 : memref<1x128xi32, #tpu.memory_space<vmem>> -> memref<128xi32, #tpu.memory_space<vmem>>
    %dma_wait3A_30 = arith.constant 0 : i32
    %dma_wait3A_31 = arith.constant 0 : i32
    %dma_wait3A_32 = tpu.memref_slice %arg2[%dma_wait3A_30, %dma_wait3A_31] : memref<8192x64xf32, #tpu.memory_space<hbm>> -> memref<8192x64xf32, #tpu.memory_space<hbm>>
    tpu.wait_indirect_dma semaphore(%arg7 : memref<!tpu.dma_semaphore, #tpu.memory_space<semaphore_mem>>) src(%dma_wait3A_32 : memref<8192x64xf32, #tpu.memory_space<hbm>>) dst(%dma_wait3A_26 : memref<128x64xf32, #tpu.memory_space<vmem>>)
    %dma_wait3A_33 = arith.constant 1 : i32
    %dma_wait3A_34 = arith.constant 128 : i32
    %dma_wait3A_35 = arith.constant 0 : i32
    %dma_wait3A_36 = tpu.memref_slice %arg6[%dma_wait3A_34, %dma_wait3A_35] : memref<256x64xf32, #tpu.memory_space<vmem>> -> memref<128x64xf32, #tpu.memory_space<vmem>>
    %dma_wait3A_37 = arith.constant 0 : i32
    %dma_wait3A_38 = tpu.memref_slice %arg5[%dma_wait3A_33, %dma_wait3A_37] : memref<2x128xi32, #tpu.memory_space<vmem>> -> memref<1x128xi32, #tpu.memory_space<vmem>>
    %dma_wait3A_39 = tpu.memref_squeeze %dma_wait3A_38 : memref<1x128xi32, #tpu.memory_space<vmem>> -> memref<128xi32, #tpu.memory_space<vmem>>
    %dma_wait3A_40 = arith.constant 0 : i32
    %dma_wait3A_41 = arith.constant 0 : i32
    %dma_wait3A_42 = tpu.memref_slice %arg2[%dma_wait3A_40, %dma_wait3A_41] : memref<8192x64xf32, #tpu.memory_space<hbm>> -> memref<8192x64xf32, #tpu.memory_space<hbm>>
    tpu.wait_indirect_dma semaphore(%arg7 : memref<!tpu.dma_semaphore, #tpu.memory_space<semaphore_mem>>) src(%dma_wait3A_42 : memref<8192x64xf32, #tpu.memory_space<hbm>>) dst(%dma_wait3A_36 : memref<128x64xf32, #tpu.memory_space<vmem>>)
    "tpu.region"() ({
      %run_scoped3A = tpu.sem_alloc : memref<!tpu.dma_semaphore, #tpu.memory_space<semaphore_mem>>
      %dma_start3A_43 = arith.constant 0 : i32
      %dma_start3A_44 = tpu.memref_slice %arg4[%mul3A_2, %dma_start3A_43] : memref<8192x64xf32, #tpu.memory_space<hbm>> -> memref<256x64xf32, #tpu.memory_space<hbm>>
      %dma_start3A_45 = arith.constant 0 : i32
      %dma_start3A_46 = tpu.memref_slice %arg4[%mul3A_2, %dma_start3A_45] : memref<8192x64xf32, #tpu.memory_space<hbm>> -> memref<256x64xf32, #tpu.memory_space<hbm>>
      tpu.enqueue_dma source(%arg6 : memref<256x64xf32, #tpu.memory_space<vmem>>) target(%dma_start3A_46 : memref<256x64xf32, #tpu.memory_space<hbm>>) target_semaphore(%run_scoped3A : memref<!tpu.dma_semaphore, #tpu.memory_space<semaphore_mem>>)
      %dma_wait3A_47 = arith.constant 0 : i32
      %dma_wait3A_48 = tpu.memref_slice %arg4[%mul3A_2, %dma_wait3A_47] : memref<8192x64xf32, #tpu.memory_space<hbm>> -> memref<256x64xf32, #tpu.memory_space<hbm>>
      %dma_wait3A_49 = arith.constant 0 : i32
      %dma_wait3A_50 = tpu.memref_slice %arg4[%mul3A_2, %dma_wait3A_49] : memref<8192x64xf32, #tpu.memory_space<hbm>> -> memref<256x64xf32, #tpu.memory_space<hbm>>
      tpu.wait_dma2 semaphore(%run_scoped3A : memref<!tpu.dma_semaphore, #tpu.memory_space<semaphore_mem>>) src(%arg6 : memref<256x64xf32, #tpu.memory_space<vmem>>) dst(%dma_wait3A_50 : memref<256x64xf32, #tpu.memory_space<hbm>>)
      tpu.yield
    }) : () -> ()
    return
  }
}

#map = affine_map<(d0, d1) -> (0, 0)>
module attributes {stable_mosaic.version = 14 : i64} {
  func.func @_sc_gather_body(%arg0: i32, %arg1: i32, %arg2: memref<8192x64xf32, #tpu.memory_space<hbm>>, %arg3: memref<64x128xi32, #tpu.memory_space<hbm>>, %arg4: memref<8192x64xf32, #tpu.memory_space<hbm>>, %arg5: memref<2x128xi32, #tpu.memory_space<vmem>>, %arg6: memref<256x64xf32, #tpu.memory_space<vmem>>, %arg7: memref<!tpu.dma_semaphore, #tpu.memory_space<semaphore_mem>>) attributes {dimension_semantics = [#tpu.dimension_semantics<core_parallel>, #tpu.dimension_semantics<subcore_parallel>], iteration_bounds = array<i64: 2, 16>, scalar_prefetch = 0 : i64, scratch_operands = 3 : i64, tpu.core_type = #tpu.core_type<sc_vector_subcore>, window_params = [{transform_indices = #map}, {transform_indices = #map}, {transform_indices = #map}]} {
    %mul3A = arith.constant 2 : i32
    %mul3A_0 = arith.muli %arg1, %mul3A : i32
    %add3A = arith.addi %mul3A_0, %arg0 : i32
    %mul3A_1 = arith.constant 256 : i32
    %mul3A_2 = arith.muli %add3A, %mul3A_1 : i32
    %mul3A_3 = arith.constant 2 : i32
    %mul3A_4 = arith.muli %add3A, %mul3A_3 : i32
    "tpu.region"() ({
      %run_scoped3A = tpu.sem_alloc : memref<!tpu.dma_semaphore, #tpu.memory_space<semaphore_mem>>
      %dma_start3A_43 = arith.constant 0 : i32
      %dma_start3A_44 = tpu.memref_slice %arg3[%mul3A_4, %dma_start3A_43] : memref<64x128xi32, #tpu.memory_space<hbm>> -> memref<2x128xi32, #tpu.memory_space<hbm>>
      %dma_start3A_45 = arith.constant 0 : i32
      %dma_start3A_46 = tpu.memref_slice %arg3[%mul3A_4, %dma_start3A_45] : memref<64x128xi32, #tpu.memory_space<hbm>> -> memref<2x128xi32, #tpu.memory_space<hbm>>
      tpu.enqueue_dma source(%dma_start3A_46 : memref<2x128xi32, #tpu.memory_space<hbm>>) target(%arg5 : memref<2x128xi32, #tpu.memory_space<vmem>>) target_semaphore(%run_scoped3A : memref<!tpu.dma_semaphore, #tpu.memory_space<semaphore_mem>>)
      %dma_wait3A_47 = arith.constant 0 : i32
      %dma_wait3A_48 = tpu.memref_slice %arg3[%mul3A_4, %dma_wait3A_47] : memref<64x128xi32, #tpu.memory_space<hbm>> -> memref<2x128xi32, #tpu.memory_space<hbm>>
      %dma_wait3A_49 = arith.constant 0 : i32
      %dma_wait3A_50 = tpu.memref_slice %arg3[%mul3A_4, %dma_wait3A_49] : memref<64x128xi32, #tpu.memory_space<hbm>> -> memref<2x128xi32, #tpu.memory_space<hbm>>
      tpu.wait_dma2 semaphore(%run_scoped3A : memref<!tpu.dma_semaphore, #tpu.memory_space<semaphore_mem>>) src(%dma_wait3A_50 : memref<2x128xi32, #tpu.memory_space<hbm>>) dst(%arg5 : memref<2x128xi32, #tpu.memory_space<vmem>>)
      tpu.yield
    }) : () -> ()
    %dma_start3A = arith.constant 0 : i32
    %dma_start3A_5 = arith.constant 0 : i32
    %dma_start3A_6 = arith.constant 0 : i32
    %dma_start3A_7 = tpu.memref_slice %arg6[%dma_start3A_5, %dma_start3A_6] : memref<256x64xf32, #tpu.memory_space<vmem>> -> memref<128x64xf32, #tpu.memory_space<vmem>>
    %dma_start3A_8 = arith.constant 0 : i32
    %dma_start3A_9 = tpu.memref_slice %arg5[%dma_start3A, %dma_start3A_8] : memref<2x128xi32, #tpu.memory_space<vmem>> -> memref<1x128xi32, #tpu.memory_space<vmem>>
    %dma_start3A_10 = tpu.memref_squeeze %dma_start3A_9 : memref<1x128xi32, #tpu.memory_space<vmem>> -> memref<128xi32, #tpu.memory_space<vmem>>
    %dma_start3A_11 = arith.constant 0 : i32
    %dma_start3A_12 = arith.constant 0 : i32
    %dma_start3A_13 = tpu.memref_slice %arg2[%dma_start3A_11, %dma_start3A_12] : memref<8192x64xf32, #tpu.memory_space<hbm>> -> memref<8192x64xf32, #tpu.memory_space<hbm>>
    tpu.enqueue_indirect_dma source(%dma_start3A_13 : memref<8192x64xf32, #tpu.memory_space<hbm>>) target(%dma_start3A_7 : memref<128x64xf32, #tpu.memory_space<vmem>>) offsets(%dma_start3A_10 : memref<128xi32, #tpu.memory_space<vmem>>) semaphore(%arg7 : memref<!tpu.dma_semaphore, #tpu.memory_space<semaphore_mem>>)
    %dma_start3A_14 = arith.constant 1 : i32
    %dma_start3A_15 = arith.constant 128 : i32
    %dma_start3A_16 = arith.constant 0 : i32
    %dma_start3A_17 = tpu.memref_slice %arg6[%dma_start3A_15, %dma_start3A_16] : memref<256x64xf32, #tpu.memory_space<vmem>> -> memref<128x64xf32, #tpu.memory_space<vmem>>
    %dma_start3A_18 = arith.constant 0 : i32
    %dma_start3A_19 = tpu.memref_slice %arg5[%dma_start3A_14, %dma_start3A_18] : memref<2x128xi32, #tpu.memory_space<vmem>> -> memref<1x128xi32, #tpu.memory_space<vmem>>
    %dma_start3A_20 = tpu.memref_squeeze %dma_start3A_19 : memref<1x128xi32, #tpu.memory_space<vmem>> -> memref<128xi32, #tpu.memory_space<vmem>>
    %dma_start3A_21 = arith.constant 0 : i32
    %dma_start3A_22 = arith.constant 0 : i32
    %dma_start3A_23 = tpu.memref_slice %arg2[%dma_start3A_21, %dma_start3A_22] : memref<8192x64xf32, #tpu.memory_space<hbm>> -> memref<8192x64xf32, #tpu.memory_space<hbm>>
    tpu.enqueue_indirect_dma source(%dma_start3A_23 : memref<8192x64xf32, #tpu.memory_space<hbm>>) target(%dma_start3A_17 : memref<128x64xf32, #tpu.memory_space<vmem>>) offsets(%dma_start3A_20 : memref<128xi32, #tpu.memory_space<vmem>>) semaphore(%arg7 : memref<!tpu.dma_semaphore, #tpu.memory_space<semaphore_mem>>)
    %dma_wait3A = arith.constant 0 : i32
    %dma_wait3A_24 = arith.constant 0 : i32
    %dma_wait3A_25 = arith.constant 0 : i32
    %dma_wait3A_26 = tpu.memref_slice %arg6[%dma_wait3A_24, %dma_wait3A_25] : memref<256x64xf32, #tpu.memory_space<vmem>> -> memref<128x64xf32, #tpu.memory_space<vmem>>
    %dma_wait3A_27 = arith.constant 0 : i32
    %dma_wait3A_28 = tpu.memref_slice %arg5[%dma_wait3A, %dma_wait3A_27] : memref<2x128xi32, #tpu.memory_space<vmem>> -> memref<1x128xi32, #tpu.memory_space<vmem>>
    %dma_wait3A_29 = tpu.memref_squeeze %dma_wait3A_28 : memref<1x128xi32, #tpu.memory_space<vmem>> -> memref<128xi32, #tpu.memory_space<vmem>>
    %dma_wait3A_30 = arith.constant 0 : i32
    %dma_wait3A_31 = arith.constant 0 : i32
    %dma_wait3A_32 = tpu.memref_slice %arg2[%dma_wait3A_30, %dma_wait3A_31] : memref<8192x64xf32, #tpu.memory_space<hbm>> -> memref<8192x64xf32, #tpu.memory_space<hbm>>
    tpu.wait_indirect_dma semaphore(%arg7 : memref<!tpu.dma_semaphore, #tpu.memory_space<semaphore_mem>>) src(%dma_wait3A_32 : memref<8192x64xf32, #tpu.memory_space<hbm>>) dst(%dma_wait3A_26 : memref<128x64xf32, #tpu.memory_space<vmem>>)
    %dma_wait3A_33 = arith.constant 1 : i32
    %dma_wait3A_34 = arith.constant 128 : i32
    %dma_wait3A_35 = arith.constant 0 : i32
    %dma_wait3A_36 = tpu.memref_slice %arg6[%dma_wait3A_34, %dma_wait3A_35] : memref<256x64xf32, #tpu.memory_space<vmem>> -> memref<128x64xf32, #tpu.memory_space<vmem>>
    %dma_wait3A_37 = arith.constant 0 : i32
    %dma_wait3A_38 = tpu.memref_slice %arg5[%dma_wait3A_33, %dma_wait3A_37] : memref<2x128xi32, #tpu.memory_space<vmem>> -> memref<1x128xi32, #tpu.memory_space<vmem>>
    %dma_wait3A_39 = tpu.memref_squeeze %dma_wait3A_38 : memref<1x128xi32, #tpu.memory_space<vmem>> -> memref<128xi32, #tpu.memory_space<vmem>>
    %dma_wait3A_40 = arith.constant 0 : i32
    %dma_wait3A_41 = arith.constant 0 : i32
    %dma_wait3A_42 = tpu.memref_slice %arg2[%dma_wait3A_40, %dma_wait3A_41] : memref<8192x64xf32, #tpu.memory_space<hbm>> -> memref<8192x64xf32, #tpu.memory_space<hbm>>
    tpu.wait_indirect_dma semaphore(%arg7 : memref<!tpu.dma_semaphore, #tpu.memory_space<semaphore_mem>>) src(%dma_wait3A_42 : memref<8192x64xf32, #tpu.memory_space<hbm>>) dst(%dma_wait3A_36 : memref<128x64xf32, #tpu.memory_space<vmem>>)
    "tpu.region"() ({
      %run_scoped3A = tpu.sem_alloc : memref<!tpu.dma_semaphore, #tpu.memory_space<semaphore_mem>>
      %dma_start3A_43 = arith.constant 0 : i32
      %dma_start3A_44 = tpu.memref_slice %arg4[%mul3A_2, %dma_start3A_43] : memref<8192x64xf32, #tpu.memory_space<hbm>> -> memref<256x64xf32, #tpu.memory_space<hbm>>
      %dma_start3A_45 = arith.constant 0 : i32
      %dma_start3A_46 = tpu.memref_slice %arg4[%mul3A_2, %dma_start3A_45] : memref<8192x64xf32, #tpu.memory_space<hbm>> -> memref<256x64xf32, #tpu.memory_space<hbm>>
      tpu.enqueue_dma source(%arg6 : memref<256x64xf32, #tpu.memory_space<vmem>>) target(%dma_start3A_46 : memref<256x64xf32, #tpu.memory_space<hbm>>) target_semaphore(%run_scoped3A : memref<!tpu.dma_semaphore, #tpu.memory_space<semaphore_mem>>)
      %dma_wait3A_47 = arith.constant 0 : i32
      %dma_wait3A_48 = tpu.memref_slice %arg4[%mul3A_2, %dma_wait3A_47] : memref<8192x64xf32, #tpu.memory_space<hbm>> -> memref<256x64xf32, #tpu.memory_space<hbm>>
      %dma_wait3A_49 = arith.constant 0 : i32
      %dma_wait3A_50 = tpu.memref_slice %arg4[%mul3A_2, %dma_wait3A_49] : memref<8192x64xf32, #tpu.memory_space<hbm>> -> memref<256x64xf32, #tpu.memory_space<hbm>>
      tpu.wait_dma2 semaphore(%run_scoped3A : memref<!tpu.dma_semaphore, #tpu.memory_space<semaphore_mem>>) src(%arg6 : memref<256x64xf32, #tpu.memory_space<vmem>>) dst(%dma_wait3A_50 : memref<256x64xf32, #tpu.memory_space<hbm>>)
      tpu.yield
    }) : () -> ()
    return
  }
}

#map = affine_map<(d0, d1) -> (0, 0)>
module attributes {stable_mosaic.version = 14 : i64} {
  func.func @_sc_gather_body(%arg0: i32, %arg1: i32, %arg2: memref<8192x64xf32, #tpu.memory_space<hbm>>, %arg3: memref<64x128xi32, #tpu.memory_space<hbm>>, %arg4: memref<8192x64xf32, #tpu.memory_space<hbm>>, %arg5: memref<2x128xi32, #tpu.memory_space<vmem>>, %arg6: memref<256x64xf32, #tpu.memory_space<vmem>>, %arg7: memref<!tpu.dma_semaphore, #tpu.memory_space<semaphore_mem>>) attributes {dimension_semantics = [#tpu.dimension_semantics<core_parallel>, #tpu.dimension_semantics<subcore_parallel>], iteration_bounds = array<i64: 2, 16>, scalar_prefetch = 0 : i64, scratch_operands = 3 : i64, tpu.core_type = #tpu.core_type<sc_vector_subcore>, window_params = [{transform_indices = #map}, {transform_indices = #map}, {transform_indices = #map}]} {
    %mul3A = arith.constant 2 : i32
    %mul3A_0 = arith.muli %arg1, %mul3A : i32
    %add3A = arith.addi %mul3A_0, %arg0 : i32
    %mul3A_1 = arith.constant 256 : i32
    %mul3A_2 = arith.muli %add3A, %mul3A_1 : i32
    %mul3A_3 = arith.constant 2 : i32
    %mul3A_4 = arith.muli %add3A, %mul3A_3 : i32
    "tpu.region"() ({
      %run_scoped3A = tpu.sem_alloc : memref<!tpu.dma_semaphore, #tpu.memory_space<semaphore_mem>>
      %dma_start3A_43 = arith.constant 0 : i32
      %dma_start3A_44 = tpu.memref_slice %arg3[%mul3A_4, %dma_start3A_43] : memref<64x128xi32, #tpu.memory_space<hbm>> -> memref<2x128xi32, #tpu.memory_space<hbm>>
      %dma_start3A_45 = arith.constant 0 : i32
      %dma_start3A_46 = tpu.memref_slice %arg3[%mul3A_4, %dma_start3A_45] : memref<64x128xi32, #tpu.memory_space<hbm>> -> memref<2x128xi32, #tpu.memory_space<hbm>>
      tpu.enqueue_dma source(%dma_start3A_46 : memref<2x128xi32, #tpu.memory_space<hbm>>) target(%arg5 : memref<2x128xi32, #tpu.memory_space<vmem>>) target_semaphore(%run_scoped3A : memref<!tpu.dma_semaphore, #tpu.memory_space<semaphore_mem>>)
      %dma_wait3A_47 = arith.constant 0 : i32
      %dma_wait3A_48 = tpu.memref_slice %arg3[%mul3A_4, %dma_wait3A_47] : memref<64x128xi32, #tpu.memory_space<hbm>> -> memref<2x128xi32, #tpu.memory_space<hbm>>
      %dma_wait3A_49 = arith.constant 0 : i32
      %dma_wait3A_50 = tpu.memref_slice %arg3[%mul3A_4, %dma_wait3A_49] : memref<64x128xi32, #tpu.memory_space<hbm>> -> memref<2x128xi32, #tpu.memory_space<hbm>>
      tpu.wait_dma2 semaphore(%run_scoped3A : memref<!tpu.dma_semaphore, #tpu.memory_space<semaphore_mem>>) src(%dma_wait3A_50 : memref<2x128xi32, #tpu.memory_space<hbm>>) dst(%arg5 : memref<2x128xi32, #tpu.memory_space<vmem>>)
      tpu.yield
    }) : () -> ()
    %dma_start3A = arith.constant 0 : i32
    %dma_start3A_5 = arith.constant 0 : i32
    %dma_start3A_6 = arith.constant 0 : i32
    %dma_start3A_7 = tpu.memref_slice %arg6[%dma_start3A_5, %dma_start3A_6] : memref<256x64xf32, #tpu.memory_space<vmem>> -> memref<128x64xf32, #tpu.memory_space<vmem>>
    %dma_start3A_8 = arith.constant 0 : i32
    %dma_start3A_9 = tpu.memref_slice %arg5[%dma_start3A, %dma_start3A_8] : memref<2x128xi32, #tpu.memory_space<vmem>> -> memref<1x128xi32, #tpu.memory_space<vmem>>
    %dma_start3A_10 = tpu.memref_squeeze %dma_start3A_9 : memref<1x128xi32, #tpu.memory_space<vmem>> -> memref<128xi32, #tpu.memory_space<vmem>>
    %dma_start3A_11 = arith.constant 0 : i32
    %dma_start3A_12 = arith.constant 0 : i32
    %dma_start3A_13 = tpu.memref_slice %arg2[%dma_start3A_11, %dma_start3A_12] : memref<8192x64xf32, #tpu.memory_space<hbm>> -> memref<8192x64xf32, #tpu.memory_space<hbm>>
    tpu.enqueue_indirect_dma source(%dma_start3A_13 : memref<8192x64xf32, #tpu.memory_space<hbm>>) target(%dma_start3A_7 : memref<128x64xf32, #tpu.memory_space<vmem>>) offsets(%dma_start3A_10 : memref<128xi32, #tpu.memory_space<vmem>>) semaphore(%arg7 : memref<!tpu.dma_semaphore, #tpu.memory_space<semaphore_mem>>)
    %dma_start3A_14 = arith.constant 1 : i32
    %dma_start3A_15 = arith.constant 128 : i32
    %dma_start3A_16 = arith.constant 0 : i32
    %dma_start3A_17 = tpu.memref_slice %arg6[%dma_start3A_15, %dma_start3A_16] : memref<256x64xf32, #tpu.memory_space<vmem>> -> memref<128x64xf32, #tpu.memory_space<vmem>>
    %dma_start3A_18 = arith.constant 0 : i32
    %dma_start3A_19 = tpu.memref_slice %arg5[%dma_start3A_14, %dma_start3A_18] : memref<2x128xi32, #tpu.memory_space<vmem>> -> memref<1x128xi32, #tpu.memory_space<vmem>>
    %dma_start3A_20 = tpu.memref_squeeze %dma_start3A_19 : memref<1x128xi32, #tpu.memory_space<vmem>> -> memref<128xi32, #tpu.memory_space<vmem>>
    %dma_start3A_21 = arith.constant 0 : i32
    %dma_start3A_22 = arith.constant 0 : i32
    %dma_start3A_23 = tpu.memref_slice %arg2[%dma_start3A_21, %dma_start3A_22] : memref<8192x64xf32, #tpu.memory_space<hbm>> -> memref<8192x64xf32, #tpu.memory_space<hbm>>
    tpu.enqueue_indirect_dma source(%dma_start3A_23 : memref<8192x64xf32, #tpu.memory_space<hbm>>) target(%dma_start3A_17 : memref<128x64xf32, #tpu.memory_space<vmem>>) offsets(%dma_start3A_20 : memref<128xi32, #tpu.memory_space<vmem>>) semaphore(%arg7 : memref<!tpu.dma_semaphore, #tpu.memory_space<semaphore_mem>>)
    %dma_wait3A = arith.constant 0 : i32
    %dma_wait3A_24 = arith.constant 0 : i32
    %dma_wait3A_25 = arith.constant 0 : i32
    %dma_wait3A_26 = tpu.memref_slice %arg6[%dma_wait3A_24, %dma_wait3A_25] : memref<256x64xf32, #tpu.memory_space<vmem>> -> memref<128x64xf32, #tpu.memory_space<vmem>>
    %dma_wait3A_27 = arith.constant 0 : i32
    %dma_wait3A_28 = tpu.memref_slice %arg5[%dma_wait3A, %dma_wait3A_27] : memref<2x128xi32, #tpu.memory_space<vmem>> -> memref<1x128xi32, #tpu.memory_space<vmem>>
    %dma_wait3A_29 = tpu.memref_squeeze %dma_wait3A_28 : memref<1x128xi32, #tpu.memory_space<vmem>> -> memref<128xi32, #tpu.memory_space<vmem>>
    %dma_wait3A_30 = arith.constant 0 : i32
    %dma_wait3A_31 = arith.constant 0 : i32
    %dma_wait3A_32 = tpu.memref_slice %arg2[%dma_wait3A_30, %dma_wait3A_31] : memref<8192x64xf32, #tpu.memory_space<hbm>> -> memref<8192x64xf32, #tpu.memory_space<hbm>>
    tpu.wait_indirect_dma semaphore(%arg7 : memref<!tpu.dma_semaphore, #tpu.memory_space<semaphore_mem>>) src(%dma_wait3A_32 : memref<8192x64xf32, #tpu.memory_space<hbm>>) dst(%dma_wait3A_26 : memref<128x64xf32, #tpu.memory_space<vmem>>)
    %dma_wait3A_33 = arith.constant 1 : i32
    %dma_wait3A_34 = arith.constant 128 : i32
    %dma_wait3A_35 = arith.constant 0 : i32
    %dma_wait3A_36 = tpu.memref_slice %arg6[%dma_wait3A_34, %dma_wait3A_35] : memref<256x64xf32, #tpu.memory_space<vmem>> -> memref<128x64xf32, #tpu.memory_space<vmem>>
    %dma_wait3A_37 = arith.constant 0 : i32
    %dma_wait3A_38 = tpu.memref_slice %arg5[%dma_wait3A_33, %dma_wait3A_37] : memref<2x128xi32, #tpu.memory_space<vmem>> -> memref<1x128xi32, #tpu.memory_space<vmem>>
    %dma_wait3A_39 = tpu.memref_squeeze %dma_wait3A_38 : memref<1x128xi32, #tpu.memory_space<vmem>> -> memref<128xi32, #tpu.memory_space<vmem>>
    %dma_wait3A_40 = arith.constant 0 : i32
    %dma_wait3A_41 = arith.constant 0 : i32
    %dma_wait3A_42 = tpu.memref_slice %arg2[%dma_wait3A_40, %dma_wait3A_41] : memref<8192x64xf32, #tpu.memory_space<hbm>> -> memref<8192x64xf32, #tpu.memory_space<hbm>>
    tpu.wait_indirect_dma semaphore(%arg7 : memref<!tpu.dma_semaphore, #tpu.memory_space<semaphore_mem>>) src(%dma_wait3A_42 : memref<8192x64xf32, #tpu.memory_space<hbm>>) dst(%dma_wait3A_36 : memref<128x64xf32, #tpu.memory_space<vmem>>)
    "tpu.region"() ({
      %run_scoped3A = tpu.sem_alloc : memref<!tpu.dma_semaphore, #tpu.memory_space<semaphore_mem>>
      %dma_start3A_43 = arith.constant 0 : i32
      %dma_start3A_44 = tpu.memref_slice %arg4[%mul3A_2, %dma_start3A_43] : memref<8192x64xf32, #tpu.memory_space<hbm>> -> memref<256x64xf32, #tpu.memory_space<hbm>>
      %dma_start3A_45 = arith.constant 0 : i32
      %dma_start3A_46 = tpu.memref_slice %arg4[%mul3A_2, %dma_start3A_45] : memref<8192x64xf32, #tpu.memory_space<hbm>> -> memref<256x64xf32, #tpu.memory_space<hbm>>
      tpu.enqueue_dma source(%arg6 : memref<256x64xf32, #tpu.memory_space<vmem>>) target(%dma_start3A_46 : memref<256x64xf32, #tpu.memory_space<hbm>>) target_semaphore(%run_scoped3A : memref<!tpu.dma_semaphore, #tpu.memory_space<semaphore_mem>>)
      %dma_wait3A_47 = arith.constant 0 : i32
      %dma_wait3A_48 = tpu.memref_slice %arg4[%mul3A_2, %dma_wait3A_47] : memref<8192x64xf32, #tpu.memory_space<hbm>> -> memref<256x64xf32, #tpu.memory_space<hbm>>
      %dma_wait3A_49 = arith.constant 0 : i32
      %dma_wait3A_50 = tpu.memref_slice %arg4[%mul3A_2, %dma_wait3A_49] : memref<8192x64xf32, #tpu.memory_space<hbm>> -> memref<256x64xf32, #tpu.memory_space<hbm>>
      tpu.wait_dma2 semaphore(%run_scoped3A : memref<!tpu.dma_semaphore, #tpu.memory_space<semaphore_mem>>) src(%arg6 : memref<256x64xf32, #tpu.memory_space<vmem>>) dst(%dma_wait3A_50 : memref<256x64xf32, #tpu.memory_space<hbm>>)
      tpu.yield
    }) : () -> ()
    return
  }
}

module attributes {stable_mosaic.version = 14 : i64} {
  func.func @_argmin_body(%arg0: i32, %arg1: memref<128x64xf32, #tpu.memory_space<vmem>>, %arg2: memref<128x64xf32, #tpu.memory_space<vmem>>, %arg3: memref<64x8192xf32, #tpu.memory_space<vmem>>, %arg4: memref<1x8192xf32, #tpu.memory_space<vmem>>, %arg5: memref<1x1x128xi32, #tpu.memory_space<vmem>>, %arg6: memref<128x64xf32, #tpu.memory_space<vmem>>) attributes {dimension_semantics = [#tpu.dimension_semantics<arbitrary>], iteration_bounds = array<i64: 64>, scalar_prefetch = 0 : i64, scratch_operands = 0 : i64, tpu.core_type = #tpu.core_type<tc>, window_params = [{transform_indices = @transform_0, window_bounds = array<i64: 128, 64>}, {transform_indices = @transform_1, window_bounds = array<i64: 128, 64>}, {pipeline_mode = #tpu.pipeline_mode<synchronous>, transform_indices = @transform_2, window_bounds = array<i64: 64, 8192>}, {pipeline_mode = #tpu.pipeline_mode<synchronous>, transform_indices = @transform_3, window_bounds = array<i64: 1, 8192>}, {transform_indices = @transform_4, window_bounds = array<i64: 1, 1, 128>}, {transform_indices = @transform_5, window_bounds = array<i64: 128, 64>}]} {
    %get3A = arith.constant 0 : index
    %get3A_0 = arith.constant 0 : index
    %get3A_1 = vector.load %arg1[%get3A, %get3A_0] : memref<128x64xf32, #tpu.memory_space<vmem>>, vector<128x64xf32>
    %get3A_2 = arith.constant 0 : index
    %get3A_3 = arith.constant 0 : index
    %get3A_4 = vector.load %arg3[%get3A_2, %get3A_3] : memref<64x8192xf32, #tpu.memory_space<vmem>>, vector<64x8192xf32>
    %dot_general3A = arith.constant dense<0.000000e+00> : vector<128x8192xf32>
    %dot_general3A_5 = tpu.matmul %get3A_1, %get3A_4, %dot_general3A {dimension_numbers = #tpu.dot_dimension_numbers<[1], [0], [0], [1], [0, 0, 1, 1], [], []>, transpose_lhs_hint = false} : vector<128x64xf32>, vector<64x8192xf32>, vector<128x8192xf32> -> vector<128x8192xf32>
    %mul3A = arith.mulf %get3A_1, %get3A_1 : vector<128x64xf32>
    %reduce_sum3A = arith.constant dense<0.000000e+00> : vector<128xf32>
    %reduce_sum3A_6 = vector.multi_reduction <add>, %mul3A, %reduce_sum3A [1] : vector<128x64xf32> to vector<128xf32>
    %broadcast_in_dim3A = vector.shape_cast %reduce_sum3A_6 : vector<128xf32> to vector<128x1xf32>
    %get3A_7 = arith.constant 0 : index
    %get3A_8 = arith.constant 0 : index
    %get3A_9 = vector.load %arg4[%get3A_7, %get3A_8] : memref<1x8192xf32, #tpu.memory_space<vmem>>, vector<1x8192xf32>
    %slice3A = vector.extract_strided_slice %get3A_9 {offsets = [0, 0], sizes = [1, 128], strides = [1, 1]} : vector<1x8192xf32> to vector<1x128xf32>
    %add3A = vector.broadcast %slice3A : vector<1x128xf32> to vector<128x128xf32>
    %add3A_10 = vector.broadcast %broadcast_in_dim3A : vector<128x1xf32> to vector<128x128xf32>
    %add3A_11 = arith.addf %add3A, %add3A_10 : vector<128x128xf32>
    %slice3A_12 = vector.extract_strided_slice %dot_general3A_5 {offsets = [0, 0], sizes = [128, 128], strides = [1, 1]} : vector<128x8192xf32> to vector<128x128xf32>
    %add3A_13 = arith.addf %add3A_11, %slice3A_12 : vector<128x128xf32>
    %broadcast_in_dim3A_14 = arith.constant 0.000000e+00 : f32
    %broadcast_in_dim3A_15 = vector.broadcast %broadcast_in_dim3A_14 : f32 to vector<128x128xf32>
    %slice3A_16 = vector.extract_strided_slice %get3A_9 {offsets = [0, 128], sizes = [1, 128], strides = [1, 1]} : vector<1x8192xf32> to vector<1x128xf32>
    %add3A_17 = vector.broadcast %slice3A_16 : vector<1x128xf32> to vector<128x128xf32>
    %add3A_18 = vector.broadcast %broadcast_in_dim3A : vector<128x1xf32> to vector<128x128xf32>
    %add3A_19 = arith.addf %add3A_17, %add3A_18 : vector<128x128xf32>
    %slice3A_20 = vector.extract_strided_slice %dot_general3A_5 {offsets = [0, 128], sizes = [128, 128], strides = [1, 1]} : vector<128x8192xf32> to vector<128x128xf32>
    %add3A_21 = arith.addf %add3A_19, %slice3A_20 : vector<128x128xf32>
    %lt3A = arith.cmpf olt, %add3A_21, %add3A_13 : vector<128x128xf32>
    %jit3A = arith.constant 1.000000e+00 : f32
    %broadcast_in_dim3A_22 = vector.broadcast %jit3A : f32 to vector<128x128xf32>
    %select_n3A = arith.select %lt3A, %broadcast_in_dim3A_22, %broadcast_in_dim3A_15 : vector<128x128xi1>, vector<128x128xf32>
    %select_n3A_23 = arith.select %lt3A, %add3A_21, %add3A_13 : vector<128x128xi1>, vector<128x128xf32>
    %slice3A_24 = vector.extract_strided_slice %get3A_9 {offsets = [0, 256], sizes = [1, 128], strides = [1, 1]} : vector<1x8192xf32> to vector<1x128xf32>
    %add3A_25 = vector.broadcast %slice3A_24 : vector<1x128xf32> to vector<128x128xf32>
    %add3A_26 = vector.broadcast %broadcast_in_dim3A : vector<128x1xf32> to vector<128x128xf32>
    %add3A_27 = arith.addf %add3A_25, %add3A_26 : vector<128x128xf32>
    %slice3A_28 = vector.extract_strided_slice %dot_general3A_5 {offsets = [0, 256], sizes = [128, 128], strides = [1, 1]} : vector<128x8192xf32> to vector<128x128xf32>
    %add3A_29 = arith.addf %add3A_27, %slice3A_28 : vector<128x128xf32>
    %lt3A_30 = arith.cmpf olt, %add3A_29, %select_n3A_23 : vector<128x128xf32>
    %jit3A_31 = arith.constant 2.000000e+00 : f32
    %broadcast_in_dim3A_32 = vector.broadcast %jit3A_31 : f32 to vector<128x128xf32>
    %select_n3A_33 = arith.select %lt3A_30, %broadcast_in_dim3A_32, %select_n3A : vector<128x128xi1>, vector<128x128xf32>
    %select_n3A_34 = arith.select %lt3A_30, %add3A_29, %select_n3A_23 : vector<128x128xi1>, vector<128x128xf32>
    %slice3A_35 = vector.extract_strided_slice %get3A_9 {offsets = [0, 384], sizes = [1, 128], strides = [1, 1]} : vector<1x8192xf32> to vector<1x128xf32>
    %add3A_36 = vector.broadcast %slice3A_35 : vector<1x128xf32> to vector<128x128xf32>
    %add3A_37 = vector.broadcast %broadcast_in_dim3A : vector<128x1xf32> to vector<128x128xf32>
    %add3A_38 = arith.addf %add3A_36, %add3A_37 : vector<128x128xf32>
    %slice3A_39 = vector.extract_strided_slice %dot_general3A_5 {offsets = [0, 384], sizes = [128, 128], strides = [1, 1]} : vector<128x8192xf32> to vector<128x128xf32>
    %add3A_40 = arith.addf %add3A_38, %slice3A_39 : vector<128x128xf32>
    %lt3A_41 = arith.cmpf olt, %add3A_40, %select_n3A_34 : vector<128x128xf32>
    %jit3A_42 = arith.constant 3.000000e+00 : f32
    %broadcast_in_dim3A_43 = vector.broadcast %jit3A_42 : f32 to vector<128x128xf32>
    %select_n3A_44 = arith.select %lt3A_41, %broadcast_in_dim3A_43, %select_n3A_33 : vector<128x128xi1>, vector<128x128xf32>
    %select_n3A_45 = arith.select %lt3A_41, %add3A_40, %select_n3A_34 : vector<128x128xi1>, vector<128x128xf32>
    %slice3A_46 = vector.extract_strided_slice %get3A_9 {offsets = [0, 512], sizes = [1, 128], strides = [1, 1]} : vector<1x8192xf32> to vector<1x128xf32>
    %add3A_47 = vector.broadcast %slice3A_46 : vector<1x128xf32> to vector<128x128xf32>
    %add3A_48 = vector.broadcast %broadcast_in_dim3A : vector<128x1xf32> to vector<128x128xf32>
    %add3A_49 = arith.addf %add3A_47, %add3A_48 : vector<128x128xf32>
    %slice3A_50 = vector.extract_strided_slice %dot_general3A_5 {offsets = [0, 512], sizes = [128, 128], strides = [1, 1]} : vector<128x8192xf32> to vector<128x128xf32>
    %add3A_51 = arith.addf %add3A_49, %slice3A_50 : vector<128x128xf32>
    %lt3A_52 = arith.cmpf olt, %add3A_51, %select_n3A_45 : vector<128x128xf32>
    %jit3A_53 = arith.constant 4.000000e+00 : f32
    %broadcast_in_dim3A_54 = vector.broadcast %jit3A_53 : f32 to vector<128x128xf32>
    %select_n3A_55 = arith.select %lt3A_52, %broadcast_in_dim3A_54, %select_n3A_44 : vector<128x128xi1>, vector<128x128xf32>
    %select_n3A_56 = arith.select %lt3A_52, %add3A_51, %select_n3A_45 : vector<128x128xi1>, vector<128x128xf32>
    %slice3A_57 = vector.extract_strided_slice %get3A_9 {offsets = [0, 640], sizes = [1, 128], strides = [1, 1]} : vector<1x8192xf32> to vector<1x128xf32>
    %add3A_58 = vector.broadcast %slice3A_57 : vector<1x128xf32> to vector<128x128xf32>
    %add3A_59 = vector.broadcast %broadcast_in_dim3A : vector<128x1xf32> to vector<128x128xf32>
    %add3A_60 = arith.addf %add3A_58, %add3A_59 : vector<128x128xf32>
    %slice3A_61 = vector.extract_strided_slice %dot_general3A_5 {offsets = [0, 640], sizes = [128, 128], strides = [1, 1]} : vector<128x8192xf32> to vector<128x128xf32>
    %add3A_62 = arith.addf %add3A_60, %slice3A_61 : vector<128x128xf32>
    %lt3A_63 = arith.cmpf olt, %add3A_62, %select_n3A_56 : vector<128x128xf32>
    %jit3A_64 = arith.constant 5.000000e+00 : f32
    %broadcast_in_dim3A_65 = vector.broadcast %jit3A_64 : f32 to vector<128x128xf32>
    %select_n3A_66 = arith.select %lt3A_63, %broadcast_in_dim3A_65, %select_n3A_55 : vector<128x128xi1>, vector<128x128xf32>
    %select_n3A_67 = arith.select %lt3A_63, %add3A_62, %select_n3A_56 : vector<128x128xi1>, vector<128x128xf32>
    %slice3A_68 = vector.extract_strided_slice %get3A_9 {offsets = [0, 768], sizes = [1, 128], strides = [1, 1]} : vector<1x8192xf32> to vector<1x128xf32>
    %add3A_69 = vector.broadcast %slice3A_68 : vector<1x128xf32> to vector<128x128xf32>
    %add3A_70 = vector.broadcast %broadcast_in_dim3A : vector<128x1xf32> to vector<128x128xf32>
    %add3A_71 = arith.addf %add3A_69, %add3A_70 : vector<128x128xf32>
    %slice3A_72 = vector.extract_strided_slice %dot_general3A_5 {offsets = [0, 768], sizes = [128, 128], strides = [1, 1]} : vector<128x8192xf32> to vector<128x128xf32>
    %add3A_73 = arith.addf %add3A_71, %slice3A_72 : vector<128x128xf32>
    %lt3A_74 = arith.cmpf olt, %add3A_73, %select_n3A_67 : vector<128x128xf32>
    %jit3A_75 = arith.constant 6.000000e+00 : f32
    %broadcast_in_dim3A_76 = vector.broadcast %jit3A_75 : f32 to vector<128x128xf32>
    %select_n3A_77 = arith.select %lt3A_74, %broadcast_in_dim3A_76, %select_n3A_66 : vector<128x128xi1>, vector<128x128xf32>
    %select_n3A_78 = arith.select %lt3A_74, %add3A_73, %select_n3A_67 : vector<128x128xi1>, vector<128x128xf32>
    %slice3A_79 = vector.extract_strided_slice %get3A_9 {offsets = [0, 896], sizes = [1, 128], strides = [1, 1]} : vector<1x8192xf32> to vector<1x128xf32>
    %add3A_80 = vector.broadcast %slice3A_79 : vector<1x128xf32> to vector<128x128xf32>
    %add3A_81 = vector.broadcast %broadcast_in_dim3A : vector<128x1xf32> to vector<128x128xf32>
    %add3A_82 = arith.addf %add3A_80, %add3A_81 : vector<128x128xf32>
    %slice3A_83 = vector.extract_strided_slice %dot_general3A_5 {offsets = [0, 896], sizes = [128, 128], strides = [1, 1]} : vector<128x8192xf32> to vector<128x128xf32>
    %add3A_84 = arith.addf %add3A_82, %slice3A_83 : vector<128x128xf32>
    %lt3A_85 = arith.cmpf olt, %add3A_84, %select_n3A_78 : vector<128x128xf32>
    %jit3A_86 = arith.constant 7.000000e+00 : f32
    %broadcast_in_dim3A_87 = vector.broadcast %jit3A_86 : f32 to vector<128x128xf32>
    %select_n3A_88 = arith.select %lt3A_85, %broadcast_in_dim3A_87, %select_n3A_77 : vector<128x128xi1>, vector<128x128xf32>
    %select_n3A_89 = arith.select %lt3A_85, %add3A_84, %select_n3A_78 : vector<128x128xi1>, vector<128x128xf32>
    %slice3A_90 = vector.extract_strided_slice %get3A_9 {offsets = [0, 1024], sizes = [1, 128], strides = [1, 1]} : vector<1x8192xf32> to vector<1x128xf32>
    %add3A_91 = vector.broadcast %slice3A_90 : vector<1x128xf32> to vector<128x128xf32>
    %add3A_92 = vector.broadcast %broadcast_in_dim3A : vector<128x1xf32> to vector<128x128xf32>
    %add3A_93 = arith.addf %add3A_91, %add3A_92 : vector<128x128xf32>
    %slice3A_94 = vector.extract_strided_slice %dot_general3A_5 {offsets = [0, 1024], sizes = [128, 128], strides = [1, 1]} : vector<128x8192xf32> to vector<128x128xf32>
    %add3A_95 = arith.addf %add3A_93, %slice3A_94 : vector<128x128xf32>
    %lt3A_96 = arith.cmpf olt, %add3A_95, %select_n3A_89 : vector<128x128xf32>
    %jit3A_97 = arith.constant 8.000000e+00 : f32
    %broadcast_in_dim3A_98 = vector.broadcast %jit3A_97 : f32 to vector<128x128xf32>
    %select_n3A_99 = arith.select %lt3A_96, %broadcast_in_dim3A_98, %select_n3A_88 : vector<128x128xi1>, vector<128x128xf32>
    %select_n3A_100 = arith.select %lt3A_96, %add3A_95, %select_n3A_89 : vector<128x128xi1>, vector<128x128xf32>
    %slice3A_101 = vector.extract_strided_slice %get3A_9 {offsets = [0, 1152], sizes = [1, 128], strides = [1, 1]} : vector<1x8192xf32> to vector<1x128xf32>
    %add3A_102 = vector.broadcast %slice3A_101 : vector<1x128xf32> to vector<128x128xf32>
    %add3A_103 = vector.broadcast %broadcast_in_dim3A : vector<128x1xf32> to vector<128x128xf32>
    %add3A_104 = arith.addf %add3A_102, %add3A_103 : vector<128x128xf32>
    %slice3A_105 = vector.extract_strided_slice %dot_general3A_5 {offsets = [0, 1152], sizes = [128, 128], strides = [1, 1]} : vector<128x8192xf32> to vector<128x128xf32>
    %add3A_106 = arith.addf %add3A_104, %slice3A_105 : vector<128x128xf32>
    %lt3A_107 = arith.cmpf olt, %add3A_106, %select_n3A_100 : vector<128x128xf32>
    %jit3A_108 = arith.constant 9.000000e+00 : f32
    %broadcast_in_dim3A_109 = vector.broadcast %jit3A_108 : f32 to vector<128x128xf32>
    %select_n3A_110 = arith.select %lt3A_107, %broadcast_in_dim3A_109, %select_n3A_99 : vector<128x128xi1>, vector<128x128xf32>
    %select_n3A_111 = arith.select %lt3A_107, %add3A_106, %select_n3A_100 : vector<128x128xi1>, vector<128x128xf32>
    %slice3A_112 = vector.extract_strided_slice %get3A_9 {offsets = [0, 1280], sizes = [1, 128], strides = [1, 1]} : vector<1x8192xf32> to vector<1x128xf32>
    %add3A_113 = vector.broadcast %slice3A_112 : vector<1x128xf32> to vector<128x128xf32>
    %add3A_114 = vector.broadcast %broadcast_in_dim3A : vector<128x1xf32> to vector<128x128xf32>
    %add3A_115 = arith.addf %add3A_113, %add3A_114 : vector<128x128xf32>
    %slice3A_116 = vector.extract_strided_slice %dot_general3A_5 {offsets = [0, 1280], sizes = [128, 128], strides = [1, 1]} : vector<128x8192xf32> to vector<128x128xf32>
    %add3A_117 = arith.addf %add3A_115, %slice3A_116 : vector<128x128xf32>
    %lt3A_118 = arith.cmpf olt, %add3A_117, %select_n3A_111 : vector<128x128xf32>
    %jit3A_119 = arith.constant 1.000000e+01 : f32
    %broadcast_in_dim3A_120 = vector.broadcast %jit3A_119 : f32 to vector<128x128xf32>
    %select_n3A_121 = arith.select %lt3A_118, %broadcast_in_dim3A_120, %select_n3A_110 : vector<128x128xi1>, vector<128x128xf32>
    %select_n3A_122 = arith.select %lt3A_118, %add3A_117, %select_n3A_111 : vector<128x128xi1>, vector<128x128xf32>
    %slice3A_123 = vector.extract_strided_slice %get3A_9 {offsets = [0, 1408], sizes = [1, 128], strides = [1, 1]} : vector<1x8192xf32> to vector<1x128xf32>
    %add3A_124 = vector.broadcast %slice3A_123 : vector<1x128xf32> to vector<128x128xf32>
    %add3A_125 = vector.broadcast %broadcast_in_dim3A : vector<128x1xf32> to vector<128x128xf32>
    %add3A_126 = arith.addf %add3A_124, %add3A_125 : vector<128x128xf32>
    %slice3A_127 = vector.extract_strided_slice %dot_general3A_5 {offsets = [0, 1408], sizes = [128, 128], strides = [1, 1]} : vector<128x8192xf32> to vector<128x128xf32>
    %add3A_128 = arith.addf %add3A_126, %slice3A_127 : vector<128x128xf32>
    %lt3A_129 = arith.cmpf olt, %add3A_128, %select_n3A_122 : vector<128x128xf32>
    %jit3A_130 = arith.constant 1.100000e+01 : f32
    %broadcast_in_dim3A_131 = vector.broadcast %jit3A_130 : f32 to vector<128x128xf32>
    %select_n3A_132 = arith.select %lt3A_129, %broadcast_in_dim3A_131, %select_n3A_121 : vector<128x128xi1>, vector<128x128xf32>
    %select_n3A_133 = arith.select %lt3A_129, %add3A_128, %select_n3A_122 : vector<128x128xi1>, vector<128x128xf32>
    %slice3A_134 = vector.extract_strided_slice %get3A_9 {offsets = [0, 1536], sizes = [1, 128], strides = [1, 1]} : vector<1x8192xf32> to vector<1x128xf32>
    %add3A_135 = vector.broadcast %slice3A_134 : vector<1x128xf32> to vector<128x128xf32>
    %add3A_136 = vector.broadcast %broadcast_in_dim3A : vector<128x1xf32> to vector<128x128xf32>
    %add3A_137 = arith.addf %add3A_135, %add3A_136 : vector<128x128xf32>
    %slice3A_138 = vector.extract_strided_slice %dot_general3A_5 {offsets = [0, 1536], sizes = [128, 128], strides = [1, 1]} : vector<128x8192xf32> to vector<128x128xf32>
    %add3A_139 = arith.addf %add3A_137, %slice3A_138 : vector<128x128xf32>
    %lt3A_140 = arith.cmpf olt, %add3A_139, %select_n3A_133 : vector<128x128xf32>
    %jit3A_141 = arith.constant 1.200000e+01 : f32
    %broadcast_in_dim3A_142 = vector.broadcast %jit3A_141 : f32 to vector<128x128xf32>
    %select_n3A_143 = arith.select %lt3A_140, %broadcast_in_dim3A_142, %select_n3A_132 : vector<128x128xi1>, vector<128x128xf32>
    %select_n3A_144 = arith.select %lt3A_140, %add3A_139, %select_n3A_133 : vector<128x128xi1>, vector<128x128xf32>
    %slice3A_145 = vector.extract_strided_slice %get3A_9 {offsets = [0, 1664], sizes = [1, 128], strides = [1, 1]} : vector<1x8192xf32> to vector<1x128xf32>
    %add3A_146 = vector.broadcast %slice3A_145 : vector<1x128xf32> to vector<128x128xf32>
    %add3A_147 = vector.broadcast %broadcast_in_dim3A : vector<128x1xf32> to vector<128x128xf32>
    %add3A_148 = arith.addf %add3A_146, %add3A_147 : vector<128x128xf32>
    %slice3A_149 = vector.extract_strided_slice %dot_general3A_5 {offsets = [0, 1664], sizes = [128, 128], strides = [1, 1]} : vector<128x8192xf32> to vector<128x128xf32>
    %add3A_150 = arith.addf %add3A_148, %slice3A_149 : vector<128x128xf32>
    %lt3A_151 = arith.cmpf olt, %add3A_150, %select_n3A_144 : vector<128x128xf32>
    %jit3A_152 = arith.constant 1.300000e+01 : f32
    %broadcast_in_dim3A_153 = vector.broadcast %jit3A_152 : f32 to vector<128x128xf32>
    %select_n3A_154 = arith.select %lt3A_151, %broadcast_in_dim3A_153, %select_n3A_143 : vector<128x128xi1>, vector<128x128xf32>
    %select_n3A_155 = arith.select %lt3A_151, %add3A_150, %select_n3A_144 : vector<128x128xi1>, vector<128x128xf32>
    %slice3A_156 = vector.extract_strided_slice %get3A_9 {offsets = [0, 1792], sizes = [1, 128], strides = [1, 1]} : vector<1x8192xf32> to vector<1x128xf32>
    %add3A_157 = vector.broadcast %slice3A_156 : vector<1x128xf32> to vector<128x128xf32>
    %add3A_158 = vector.broadcast %broadcast_in_dim3A : vector<128x1xf32> to vector<128x128xf32>
    %add3A_159 = arith.addf %add3A_157, %add3A_158 : vector<128x128xf32>
    %slice3A_160 = vector.extract_strided_slice %dot_general3A_5 {offsets = [0, 1792], sizes = [128, 128], strides = [1, 1]} : vector<128x8192xf32> to vector<128x128xf32>
    %add3A_161 = arith.addf %add3A_159, %slice3A_160 : vector<128x128xf32>
    %lt3A_162 = arith.cmpf olt, %add3A_161, %select_n3A_155 : vector<128x128xf32>
    %jit3A_163 = arith.constant 1.400000e+01 : f32
    %broadcast_in_dim3A_164 = vector.broadcast %jit3A_163 : f32 to vector<128x128xf32>
    %select_n3A_165 = arith.select %lt3A_162, %broadcast_in_dim3A_164, %select_n3A_154 : vector<128x128xi1>, vector<128x128xf32>
    %select_n3A_166 = arith.select %lt3A_162, %add3A_161, %select_n3A_155 : vector<128x128xi1>, vector<128x128xf32>
    %slice3A_167 = vector.extract_strided_slice %get3A_9 {offsets = [0, 1920], sizes = [1, 128], strides = [1, 1]} : vector<1x8192xf32> to vector<1x128xf32>
    %add3A_168 = vector.broadcast %slice3A_167 : vector<1x128xf32> to vector<128x128xf32>
    %add3A_169 = vector.broadcast %broadcast_in_dim3A : vector<128x1xf32> to vector<128x128xf32>
    %add3A_170 = arith.addf %add3A_168, %add3A_169 : vector<128x128xf32>
    %slice3A_171 = vector.extract_strided_slice %dot_general3A_5 {offsets = [0, 1920], sizes = [128, 128], strides = [1, 1]} : vector<128x8192xf32> to vector<128x128xf32>
    %add3A_172 = arith.addf %add3A_170, %slice3A_171 : vector<128x128xf32>
    %lt3A_173 = arith.cmpf olt, %add3A_172, %select_n3A_166 : vector<128x128xf32>
    %jit3A_174 = arith.constant 1.500000e+01 : f32
    %broadcast_in_dim3A_175 = vector.broadcast %jit3A_174 : f32 to vector<128x128xf32>
    %select_n3A_176 = arith.select %lt3A_173, %broadcast_in_dim3A_175, %select_n3A_165 : vector<128x128xi1>, vector<128x128xf32>
    %select_n3A_177 = arith.select %lt3A_173, %add3A_172, %select_n3A_166 : vector<128x128xi1>, vector<128x128xf32>
    %slice3A_178 = vector.extract_strided_slice %get3A_9 {offsets = [0, 2048], sizes = [1, 128], strides = [1, 1]} : vector<1x8192xf32> to vector<1x128xf32>
    %add3A_179 = vector.broadcast %slice3A_178 : vector<1x128xf32> to vector<128x128xf32>
    %add3A_180 = vector.broadcast %broadcast_in_dim3A : vector<128x1xf32> to vector<128x128xf32>
    %add3A_181 = arith.addf %add3A_179, %add3A_180 : vector<128x128xf32>
    %slice3A_182 = vector.extract_strided_slice %dot_general3A_5 {offsets = [0, 2048], sizes = [128, 128], strides = [1, 1]} : vector<128x8192xf32> to vector<128x128xf32>
    %add3A_183 = arith.addf %add3A_181, %slice3A_182 : vector<128x128xf32>
    %lt3A_184 = arith.cmpf olt, %add3A_183, %select_n3A_177 : vector<128x128xf32>
    %jit3A_185 = arith.constant 1.600000e+01 : f32
    %broadcast_in_dim3A_186 = vector.broadcast %jit3A_185 : f32 to vector<128x128xf32>
    %select_n3A_187 = arith.select %lt3A_184, %broadcast_in_dim3A_186, %select_n3A_176 : vector<128x128xi1>, vector<128x128xf32>
    %select_n3A_188 = arith.select %lt3A_184, %add3A_183, %select_n3A_177 : vector<128x128xi1>, vector<128x128xf32>
    %slice3A_189 = vector.extract_strided_slice %get3A_9 {offsets = [0, 2176], sizes = [1, 128], strides = [1, 1]} : vector<1x8192xf32> to vector<1x128xf32>
    %add3A_190 = vector.broadcast %slice3A_189 : vector<1x128xf32> to vector<128x128xf32>
    %add3A_191 = vector.broadcast %broadcast_in_dim3A : vector<128x1xf32> to vector<128x128xf32>
    %add3A_192 = arith.addf %add3A_190, %add3A_191 : vector<128x128xf32>
    %slice3A_193 = vector.extract_strided_slice %dot_general3A_5 {offsets = [0, 2176], sizes = [128, 128], strides = [1, 1]} : vector<128x8192xf32> to vector<128x128xf32>
    %add3A_194 = arith.addf %add3A_192, %slice3A_193 : vector<128x128xf32>
    %lt3A_195 = arith.cmpf olt, %add3A_194, %select_n3A_188 : vector<128x128xf32>
    %jit3A_196 = arith.constant 1.700000e+01 : f32
    %broadcast_in_dim3A_197 = vector.broadcast %jit3A_196 : f32 to vector<128x128xf32>
    %select_n3A_198 = arith.select %lt3A_195, %broadcast_in_dim3A_197, %select_n3A_187 : vector<128x128xi1>, vector<128x128xf32>
    %select_n3A_199 = arith.select %lt3A_195, %add3A_194, %select_n3A_188 : vector<128x128xi1>, vector<128x128xf32>
    %slice3A_200 = vector.extract_strided_slice %get3A_9 {offsets = [0, 2304], sizes = [1, 128], strides = [1, 1]} : vector<1x8192xf32> to vector<1x128xf32>
    %add3A_201 = vector.broadcast %slice3A_200 : vector<1x128xf32> to vector<128x128xf32>
    %add3A_202 = vector.broadcast %broadcast_in_dim3A : vector<128x1xf32> to vector<128x128xf32>
    %add3A_203 = arith.addf %add3A_201, %add3A_202 : vector<128x128xf32>
    %slice3A_204 = vector.extract_strided_slice %dot_general3A_5 {offsets = [0, 2304], sizes = [128, 128], strides = [1, 1]} : vector<128x8192xf32> to vector<128x128xf32>
    %add3A_205 = arith.addf %add3A_203, %slice3A_204 : vector<128x128xf32>
    %lt3A_206 = arith.cmpf olt, %add3A_205, %select_n3A_199 : vector<128x128xf32>
    %jit3A_207 = arith.constant 1.800000e+01 : f32
    %broadcast_in_dim3A_208 = vector.broadcast %jit3A_207 : f32 to vector<128x128xf32>
    %select_n3A_209 = arith.select %lt3A_206, %broadcast_in_dim3A_208, %select_n3A_198 : vector<128x128xi1>, vector<128x128xf32>
    %select_n3A_210 = arith.select %lt3A_206, %add3A_205, %select_n3A_199 : vector<128x128xi1>, vector<128x128xf32>
    %slice3A_211 = vector.extract_strided_slice %get3A_9 {offsets = [0, 2432], sizes = [1, 128], strides = [1, 1]} : vector<1x8192xf32> to vector<1x128xf32>
    %add3A_212 = vector.broadcast %slice3A_211 : vector<1x128xf32> to vector<128x128xf32>
    %add3A_213 = vector.broadcast %broadcast_in_dim3A : vector<128x1xf32> to vector<128x128xf32>
    %add3A_214 = arith.addf %add3A_212, %add3A_213 : vector<128x128xf32>
    %slice3A_215 = vector.extract_strided_slice %dot_general3A_5 {offsets = [0, 2432], sizes = [128, 128], strides = [1, 1]} : vector<128x8192xf32> to vector<128x128xf32>
    %add3A_216 = arith.addf %add3A_214, %slice3A_215 : vector<128x128xf32>
    %lt3A_217 = arith.cmpf olt, %add3A_216, %select_n3A_210 : vector<128x128xf32>
    %jit3A_218 = arith.constant 1.900000e+01 : f32
    %broadcast_in_dim3A_219 = vector.broadcast %jit3A_218 : f32 to vector<128x128xf32>
    %select_n3A_220 = arith.select %lt3A_217, %broadcast_in_dim3A_219, %select_n3A_209 : vector<128x128xi1>, vector<128x128xf32>
    %select_n3A_221 = arith.select %lt3A_217, %add3A_216, %select_n3A_210 : vector<128x128xi1>, vector<128x128xf32>
    %slice3A_222 = vector.extract_strided_slice %get3A_9 {offsets = [0, 2560], sizes = [1, 128], strides = [1, 1]} : vector<1x8192xf32> to vector<1x128xf32>
    %add3A_223 = vector.broadcast %slice3A_222 : vector<1x128xf32> to vector<128x128xf32>
    %add3A_224 = vector.broadcast %broadcast_in_dim3A : vector<128x1xf32> to vector<128x128xf32>
    %add3A_225 = arith.addf %add3A_223, %add3A_224 : vector<128x128xf32>
    %slice3A_226 = vector.extract_strided_slice %dot_general3A_5 {offsets = [0, 2560], sizes = [128, 128], strides = [1, 1]} : vector<128x8192xf32> to vector<128x128xf32>
    %add3A_227 = arith.addf %add3A_225, %slice3A_226 : vector<128x128xf32>
    %lt3A_228 = arith.cmpf olt, %add3A_227, %select_n3A_221 : vector<128x128xf32>
    %jit3A_229 = arith.constant 2.000000e+01 : f32
    %broadcast_in_dim3A_230 = vector.broadcast %jit3A_229 : f32 to vector<128x128xf32>
    %select_n3A_231 = arith.select %lt3A_228, %broadcast_in_dim3A_230, %select_n3A_220 : vector<128x128xi1>, vector<128x128xf32>
    %select_n3A_232 = arith.select %lt3A_228, %add3A_227, %select_n3A_221 : vector<128x128xi1>, vector<128x128xf32>
    %slice3A_233 = vector.extract_strided_slice %get3A_9 {offsets = [0, 2688], sizes = [1, 128], strides = [1, 1]} : vector<1x8192xf32> to vector<1x128xf32>
    %add3A_234 = vector.broadcast %slice3A_233 : vector<1x128xf32> to vector<128x128xf32>
    %add3A_235 = vector.broadcast %broadcast_in_dim3A : vector<128x1xf32> to vector<128x128xf32>
    %add3A_236 = arith.addf %add3A_234, %add3A_235 : vector<128x128xf32>
    %slice3A_237 = vector.extract_strided_slice %dot_general3A_5 {offsets = [0, 2688], sizes = [128, 128], strides = [1, 1]} : vector<128x8192xf32> to vector<128x128xf32>
    %add3A_238 = arith.addf %add3A_236, %slice3A_237 : vector<128x128xf32>
    %lt3A_239 = arith.cmpf olt, %add3A_238, %select_n3A_232 : vector<128x128xf32>
    %jit3A_240 = arith.constant 2.100000e+01 : f32
    %broadcast_in_dim3A_241 = vector.broadcast %jit3A_240 : f32 to vector<128x128xf32>
    %select_n3A_242 = arith.select %lt3A_239, %broadcast_in_dim3A_241, %select_n3A_231 : vector<128x128xi1>, vector<128x128xf32>
    %select_n3A_243 = arith.select %lt3A_239, %add3A_238, %select_n3A_232 : vector<128x128xi1>, vector<128x128xf32>
    %slice3A_244 = vector.extract_strided_slice %get3A_9 {offsets = [0, 2816], sizes = [1, 128], strides = [1, 1]} : vector<1x8192xf32> to vector<1x128xf32>
    %add3A_245 = vector.broadcast %slice3A_244 : vector<1x128xf32> to vector<128x128xf32>
    %add3A_246 = vector.broadcast %broadcast_in_dim3A : vector<128x1xf32> to vector<128x128xf32>
    %add3A_247 = arith.addf %add3A_245, %add3A_246 : vector<128x128xf32>
    %slice3A_248 = vector.extract_strided_slice %dot_general3A_5 {offsets = [0, 2816], sizes = [128, 128], strides = [1, 1]} : vector<128x8192xf32> to vector<128x128xf32>
    %add3A_249 = arith.addf %add3A_247, %slice3A_248 : vector<128x128xf32>
    %lt3A_250 = arith.cmpf olt, %add3A_249, %select_n3A_243 : vector<128x128xf32>
    %jit3A_251 = arith.constant 2.200000e+01 : f32
    %broadcast_in_dim3A_252 = vector.broadcast %jit3A_251 : f32 to vector<128x128xf32>
    %select_n3A_253 = arith.select %lt3A_250, %broadcast_in_dim3A_252, %select_n3A_242 : vector<128x128xi1>, vector<128x128xf32>
    %select_n3A_254 = arith.select %lt3A_250, %add3A_249, %select_n3A_243 : vector<128x128xi1>, vector<128x128xf32>
    %slice3A_255 = vector.extract_strided_slice %get3A_9 {offsets = [0, 2944], sizes = [1, 128], strides = [1, 1]} : vector<1x8192xf32> to vector<1x128xf32>
    %add3A_256 = vector.broadcast %slice3A_255 : vector<1x128xf32> to vector<128x128xf32>
    %add3A_257 = vector.broadcast %broadcast_in_dim3A : vector<128x1xf32> to vector<128x128xf32>
    %add3A_258 = arith.addf %add3A_256, %add3A_257 : vector<128x128xf32>
    %slice3A_259 = vector.extract_strided_slice %dot_general3A_5 {offsets = [0, 2944], sizes = [128, 128], strides = [1, 1]} : vector<128x8192xf32> to vector<128x128xf32>
    %add3A_260 = arith.addf %add3A_258, %slice3A_259 : vector<128x128xf32>
    %lt3A_261 = arith.cmpf olt, %add3A_260, %select_n3A_254 : vector<128x128xf32>
    %jit3A_262 = arith.constant 2.300000e+01 : f32
    %broadcast_in_dim3A_263 = vector.broadcast %jit3A_262 : f32 to vector<128x128xf32>
    %select_n3A_264 = arith.select %lt3A_261, %broadcast_in_dim3A_263, %select_n3A_253 : vector<128x128xi1>, vector<128x128xf32>
    %select_n3A_265 = arith.select %lt3A_261, %add3A_260, %select_n3A_254 : vector<128x128xi1>, vector<128x128xf32>
    %slice3A_266 = vector.extract_strided_slice %get3A_9 {offsets = [0, 3072], sizes = [1, 128], strides = [1, 1]} : vector<1x8192xf32> to vector<1x128xf32>
    %add3A_267 = vector.broadcast %slice3A_266 : vector<1x128xf32> to vector<128x128xf32>
    %add3A_268 = vector.broadcast %broadcast_in_dim3A : vector<128x1xf32> to vector<128x128xf32>
    %add3A_269 = arith.addf %add3A_267, %add3A_268 : vector<128x128xf32>
    %slice3A_270 = vector.extract_strided_slice %dot_general3A_5 {offsets = [0, 3072], sizes = [128, 128], strides = [1, 1]} : vector<128x8192xf32> to vector<128x128xf32>
    %add3A_271 = arith.addf %add3A_269, %slice3A_270 : vector<128x128xf32>
    %lt3A_272 = arith.cmpf olt, %add3A_271, %select_n3A_265 : vector<128x128xf32>
    %jit3A_273 = arith.constant 2.400000e+01 : f32
    %broadcast_in_dim3A_274 = vector.broadcast %jit3A_273 : f32 to vector<128x128xf32>
    %select_n3A_275 = arith.select %lt3A_272, %broadcast_in_dim3A_274, %select_n3A_264 : vector<128x128xi1>, vector<128x128xf32>
    %select_n3A_276 = arith.select %lt3A_272, %add3A_271, %select_n3A_265 : vector<128x128xi1>, vector<128x128xf32>
    %slice3A_277 = vector.extract_strided_slice %get3A_9 {offsets = [0, 3200], sizes = [1, 128], strides = [1, 1]} : vector<1x8192xf32> to vector<1x128xf32>
    %add3A_278 = vector.broadcast %slice3A_277 : vector<1x128xf32> to vector<128x128xf32>
    %add3A_279 = vector.broadcast %broadcast_in_dim3A : vector<128x1xf32> to vector<128x128xf32>
    %add3A_280 = arith.addf %add3A_278, %add3A_279 : vector<128x128xf32>
    %slice3A_281 = vector.extract_strided_slice %dot_general3A_5 {offsets = [0, 3200], sizes = [128, 128], strides = [1, 1]} : vector<128x8192xf32> to vector<128x128xf32>
    %add3A_282 = arith.addf %add3A_280, %slice3A_281 : vector<128x128xf32>
    %lt3A_283 = arith.cmpf olt, %add3A_282, %select_n3A_276 : vector<128x128xf32>
    %jit3A_284 = arith.constant 2.500000e+01 : f32
    %broadcast_in_dim3A_285 = vector.broadcast %jit3A_284 : f32 to vector<128x128xf32>
    %select_n3A_286 = arith.select %lt3A_283, %broadcast_in_dim3A_285, %select_n3A_275 : vector<128x128xi1>, vector<128x128xf32>
    %select_n3A_287 = arith.select %lt3A_283, %add3A_282, %select_n3A_276 : vector<128x128xi1>, vector<128x128xf32>
    %slice3A_288 = vector.extract_strided_slice %get3A_9 {offsets = [0, 3328], sizes = [1, 128], strides = [1, 1]} : vector<1x8192xf32> to vector<1x128xf32>
    %add3A_289 = vector.broadcast %slice3A_288 : vector<1x128xf32> to vector<128x128xf32>
    %add3A_290 = vector.broadcast %broadcast_in_dim3A : vector<128x1xf32> to vector<128x128xf32>
    %add3A_291 = arith.addf %add3A_289, %add3A_290 : vector<128x128xf32>
    %slice3A_292 = vector.extract_strided_slice %dot_general3A_5 {offsets = [0, 3328], sizes = [128, 128], strides = [1, 1]} : vector<128x8192xf32> to vector<128x128xf32>
    %add3A_293 = arith.addf %add3A_291, %slice3A_292 : vector<128x128xf32>
    %lt3A_294 = arith.cmpf olt, %add3A_293, %select_n3A_287 : vector<128x128xf32>
    %jit3A_295 = arith.constant 2.600000e+01 : f32
    %broadcast_in_dim3A_296 = vector.broadcast %jit3A_295 : f32 to vector<128x128xf32>
    %select_n3A_297 = arith.select %lt3A_294, %broadcast_in_dim3A_296, %select_n3A_286 : vector<128x128xi1>, vector<128x128xf32>
    %select_n3A_298 = arith.select %lt3A_294, %add3A_293, %select_n3A_287 : vector<128x128xi1>, vector<128x128xf32>
    %slice3A_299 = vector.extract_strided_slice %get3A_9 {offsets = [0, 3456], sizes = [1, 128], strides = [1, 1]} : vector<1x8192xf32> to vector<1x128xf32>
    %add3A_300 = vector.broadcast %slice3A_299 : vector<1x128xf32> to vector<128x128xf32>
    %add3A_301 = vector.broadcast %broadcast_in_dim3A : vector<128x1xf32> to vector<128x128xf32>
    %add3A_302 = arith.addf %add3A_300, %add3A_301 : vector<128x128xf32>
    %slice3A_303 = vector.extract_strided_slice %dot_general3A_5 {offsets = [0, 3456], sizes = [128, 128], strides = [1, 1]} : vector<128x8192xf32> to vector<128x128xf32>
    %add3A_304 = arith.addf %add3A_302, %slice3A_303 : vector<128x128xf32>
    %lt3A_305 = arith.cmpf olt, %add3A_304, %select_n3A_298 : vector<128x128xf32>
    %jit3A_306 = arith.constant 2.700000e+01 : f32
    %broadcast_in_dim3A_307 = vector.broadcast %jit3A_306 : f32 to vector<128x128xf32>
    %select_n3A_308 = arith.select %lt3A_305, %broadcast_in_dim3A_307, %select_n3A_297 : vector<128x128xi1>, vector<128x128xf32>
    %select_n3A_309 = arith.select %lt3A_305, %add3A_304, %select_n3A_298 : vector<128x128xi1>, vector<128x128xf32>
    %slice3A_310 = vector.extract_strided_slice %get3A_9 {offsets = [0, 3584], sizes = [1, 128], strides = [1, 1]} : vector<1x8192xf32> to vector<1x128xf32>
    %add3A_311 = vector.broadcast %slice3A_310 : vector<1x128xf32> to vector<128x128xf32>
    %add3A_312 = vector.broadcast %broadcast_in_dim3A : vector<128x1xf32> to vector<128x128xf32>
    %add3A_313 = arith.addf %add3A_311, %add3A_312 : vector<128x128xf32>
    %slice3A_314 = vector.extract_strided_slice %dot_general3A_5 {offsets = [0, 3584], sizes = [128, 128], strides = [1, 1]} : vector<128x8192xf32> to vector<128x128xf32>
    %add3A_315 = arith.addf %add3A_313, %slice3A_314 : vector<128x128xf32>
    %lt3A_316 = arith.cmpf olt, %add3A_315, %select_n3A_309 : vector<128x128xf32>
    %jit3A_317 = arith.constant 2.800000e+01 : f32
    %broadcast_in_dim3A_318 = vector.broadcast %jit3A_317 : f32 to vector<128x128xf32>
    %select_n3A_319 = arith.select %lt3A_316, %broadcast_in_dim3A_318, %select_n3A_308 : vector<128x128xi1>, vector<128x128xf32>
    %select_n3A_320 = arith.select %lt3A_316, %add3A_315, %select_n3A_309 : vector<128x128xi1>, vector<128x128xf32>
    %slice3A_321 = vector.extract_strided_slice %get3A_9 {offsets = [0, 3712], sizes = [1, 128], strides = [1, 1]} : vector<1x8192xf32> to vector<1x128xf32>
    %add3A_322 = vector.broadcast %slice3A_321 : vector<1x128xf32> to vector<128x128xf32>
    %add3A_323 = vector.broadcast %broadcast_in_dim3A : vector<128x1xf32> to vector<128x128xf32>
    %add3A_324 = arith.addf %add3A_322, %add3A_323 : vector<128x128xf32>
    %slice3A_325 = vector.extract_strided_slice %dot_general3A_5 {offsets = [0, 3712], sizes = [128, 128], strides = [1, 1]} : vector<128x8192xf32> to vector<128x128xf32>
    %add3A_326 = arith.addf %add3A_324, %slice3A_325 : vector<128x128xf32>
    %lt3A_327 = arith.cmpf olt, %add3A_326, %select_n3A_320 : vector<128x128xf32>
    %jit3A_328 = arith.constant 2.900000e+01 : f32
    %broadcast_in_dim3A_329 = vector.broadcast %jit3A_328 : f32 to vector<128x128xf32>
    %select_n3A_330 = arith.select %lt3A_327, %broadcast_in_dim3A_329, %select_n3A_319 : vector<128x128xi1>, vector<128x128xf32>
    %select_n3A_331 = arith.select %lt3A_327, %add3A_326, %select_n3A_320 : vector<128x128xi1>, vector<128x128xf32>
    %slice3A_332 = vector.extract_strided_slice %get3A_9 {offsets = [0, 3840], sizes = [1, 128], strides = [1, 1]} : vector<1x8192xf32> to vector<1x128xf32>
    %add3A_333 = vector.broadcast %slice3A_332 : vector<1x128xf32> to vector<128x128xf32>
    %add3A_334 = vector.broadcast %broadcast_in_dim3A : vector<128x1xf32> to vector<128x128xf32>
    %add3A_335 = arith.addf %add3A_333, %add3A_334 : vector<128x128xf32>
    %slice3A_336 = vector.extract_strided_slice %dot_general3A_5 {offsets = [0, 3840], sizes = [128, 128], strides = [1, 1]} : vector<128x8192xf32> to vector<128x128xf32>
    %add3A_337 = arith.addf %add3A_335, %slice3A_336 : vector<128x128xf32>
    %lt3A_338 = arith.cmpf olt, %add3A_337, %select_n3A_331 : vector<128x128xf32>
    %jit3A_339 = arith.constant 3.000000e+01 : f32
    %broadcast_in_dim3A_340 = vector.broadcast %jit3A_339 : f32 to vector<128x128xf32>
    %select_n3A_341 = arith.select %lt3A_338, %broadcast_in_dim3A_340, %select_n3A_330 : vector<128x128xi1>, vector<128x128xf32>
    %select_n3A_342 = arith.select %lt3A_338, %add3A_337, %select_n3A_331 : vector<128x128xi1>, vector<128x128xf32>
    %slice3A_343 = vector.extract_strided_slice %get3A_9 {offsets = [0, 3968], sizes = [1, 128], strides = [1, 1]} : vector<1x8192xf32> to vector<1x128xf32>
    %add3A_344 = vector.broadcast %slice3A_343 : vector<1x128xf32> to vector<128x128xf32>
    %add3A_345 = vector.broadcast %broadcast_in_dim3A : vector<128x1xf32> to vector<128x128xf32>
    %add3A_346 = arith.addf %add3A_344, %add3A_345 : vector<128x128xf32>
    %slice3A_347 = vector.extract_strided_slice %dot_general3A_5 {offsets = [0, 3968], sizes = [128, 128], strides = [1, 1]} : vector<128x8192xf32> to vector<128x128xf32>
    %add3A_348 = arith.addf %add3A_346, %slice3A_347 : vector<128x128xf32>
    %lt3A_349 = arith.cmpf olt, %add3A_348, %select_n3A_342 : vector<128x128xf32>
    %jit3A_350 = arith.constant 3.100000e+01 : f32
    %broadcast_in_dim3A_351 = vector.broadcast %jit3A_350 : f32 to vector<128x128xf32>
    %select_n3A_352 = arith.select %lt3A_349, %broadcast_in_dim3A_351, %select_n3A_341 : vector<128x128xi1>, vector<128x128xf32>
    %select_n3A_353 = arith.select %lt3A_349, %add3A_348, %select_n3A_342 : vector<128x128xi1>, vector<128x128xf32>
    %slice3A_354 = vector.extract_strided_slice %get3A_9 {offsets = [0, 4096], sizes = [1, 128], strides = [1, 1]} : vector<1x8192xf32> to vector<1x128xf32>
    %add3A_355 = vector.broadcast %slice3A_354 : vector<1x128xf32> to vector<128x128xf32>
    %add3A_356 = vector.broadcast %broadcast_in_dim3A : vector<128x1xf32> to vector<128x128xf32>
    %add3A_357 = arith.addf %add3A_355, %add3A_356 : vector<128x128xf32>
    %slice3A_358 = vector.extract_strided_slice %dot_general3A_5 {offsets = [0, 4096], sizes = [128, 128], strides = [1, 1]} : vector<128x8192xf32> to vector<128x128xf32>
    %add3A_359 = arith.addf %add3A_357, %slice3A_358 : vector<128x128xf32>
    %lt3A_360 = arith.cmpf olt, %add3A_359, %select_n3A_353 : vector<128x128xf32>
    %jit3A_361 = arith.constant 3.200000e+01 : f32
    %broadcast_in_dim3A_362 = vector.broadcast %jit3A_361 : f32 to vector<128x128xf32>
    %select_n3A_363 = arith.select %lt3A_360, %broadcast_in_dim3A_362, %select_n3A_352 : vector<128x128xi1>, vector<128x128xf32>
    %select_n3A_364 = arith.select %lt3A_360, %add3A_359, %select_n3A_353 : vector<128x128xi1>, vector<128x128xf32>
    %slice3A_365 = vector.extract_strided_slice %get3A_9 {offsets = [0, 4224], sizes = [1, 128], strides = [1, 1]} : vector<1x8192xf32> to vector<1x128xf32>
    %add3A_366 = vector.broadcast %slice3A_365 : vector<1x128xf32> to vector<128x128xf32>
    %add3A_367 = vector.broadcast %broadcast_in_dim3A : vector<128x1xf32> to vector<128x128xf32>
    %add3A_368 = arith.addf %add3A_366, %add3A_367 : vector<128x128xf32>
    %slice3A_369 = vector.extract_strided_slice %dot_general3A_5 {offsets = [0, 4224], sizes = [128, 128], strides = [1, 1]} : vector<128x8192xf32> to vector<128x128xf32>
    %add3A_370 = arith.addf %add3A_368, %slice3A_369 : vector<128x128xf32>
    %lt3A_371 = arith.cmpf olt, %add3A_370, %select_n3A_364 : vector<128x128xf32>
    %jit3A_372 = arith.constant 3.300000e+01 : f32
    %broadcast_in_dim3A_373 = vector.broadcast %jit3A_372 : f32 to vector<128x128xf32>
    %select_n3A_374 = arith.select %lt3A_371, %broadcast_in_dim3A_373, %select_n3A_363 : vector<128x128xi1>, vector<128x128xf32>
    %select_n3A_375 = arith.select %lt3A_371, %add3A_370, %select_n3A_364 : vector<128x128xi1>, vector<128x128xf32>
    %slice3A_376 = vector.extract_strided_slice %get3A_9 {offsets = [0, 4352], sizes = [1, 128], strides = [1, 1]} : vector<1x8192xf32> to vector<1x128xf32>
    %add3A_377 = vector.broadcast %slice3A_376 : vector<1x128xf32> to vector<128x128xf32>
    %add3A_378 = vector.broadcast %broadcast_in_dim3A : vector<128x1xf32> to vector<128x128xf32>
    %add3A_379 = arith.addf %add3A_377, %add3A_378 : vector<128x128xf32>
    %slice3A_380 = vector.extract_strided_slice %dot_general3A_5 {offsets = [0, 4352], sizes = [128, 128], strides = [1, 1]} : vector<128x8192xf32> to vector<128x128xf32>
    %add3A_381 = arith.addf %add3A_379, %slice3A_380 : vector<128x128xf32>
    %lt3A_382 = arith.cmpf olt, %add3A_381, %select_n3A_375 : vector<128x128xf32>
    %jit3A_383 = arith.constant 3.400000e+01 : f32
    %broadcast_in_dim3A_384 = vector.broadcast %jit3A_383 : f32 to vector<128x128xf32>
    %select_n3A_385 = arith.select %lt3A_382, %broadcast_in_dim3A_384, %select_n3A_374 : vector<128x128xi1>, vector<128x128xf32>
    %select_n3A_386 = arith.select %lt3A_382, %add3A_381, %select_n3A_375 : vector<128x128xi1>, vector<128x128xf32>
    %slice3A_387 = vector.extract_strided_slice %get3A_9 {offsets = [0, 4480], sizes = [1, 128], strides = [1, 1]} : vector<1x8192xf32> to vector<1x128xf32>
    %add3A_388 = vector.broadcast %slice3A_387 : vector<1x128xf32> to vector<128x128xf32>
    %add3A_389 = vector.broadcast %broadcast_in_dim3A : vector<128x1xf32> to vector<128x128xf32>
    %add3A_390 = arith.addf %add3A_388, %add3A_389 : vector<128x128xf32>
    %slice3A_391 = vector.extract_strided_slice %dot_general3A_5 {offsets = [0, 4480], sizes = [128, 128], strides = [1, 1]} : vector<128x8192xf32> to vector<128x128xf32>
    %add3A_392 = arith.addf %add3A_390, %slice3A_391 : vector<128x128xf32>
    %lt3A_393 = arith.cmpf olt, %add3A_392, %select_n3A_386 : vector<128x128xf32>
    %jit3A_394 = arith.constant 3.500000e+01 : f32
    %broadcast_in_dim3A_395 = vector.broadcast %jit3A_394 : f32 to vector<128x128xf32>
    %select_n3A_396 = arith.select %lt3A_393, %broadcast_in_dim3A_395, %select_n3A_385 : vector<128x128xi1>, vector<128x128xf32>
    %select_n3A_397 = arith.select %lt3A_393, %add3A_392, %select_n3A_386 : vector<128x128xi1>, vector<128x128xf32>
    %slice3A_398 = vector.extract_strided_slice %get3A_9 {offsets = [0, 4608], sizes = [1, 128], strides = [1, 1]} : vector<1x8192xf32> to vector<1x128xf32>
    %add3A_399 = vector.broadcast %slice3A_398 : vector<1x128xf32> to vector<128x128xf32>
    %add3A_400 = vector.broadcast %broadcast_in_dim3A : vector<128x1xf32> to vector<128x128xf32>
    %add3A_401 = arith.addf %add3A_399, %add3A_400 : vector<128x128xf32>
    %slice3A_402 = vector.extract_strided_slice %dot_general3A_5 {offsets = [0, 4608], sizes = [128, 128], strides = [1, 1]} : vector<128x8192xf32> to vector<128x128xf32>
    %add3A_403 = arith.addf %add3A_401, %slice3A_402 : vector<128x128xf32>
    %lt3A_404 = arith.cmpf olt, %add3A_403, %select_n3A_397 : vector<128x128xf32>
    %jit3A_405 = arith.constant 3.600000e+01 : f32
    %broadcast_in_dim3A_406 = vector.broadcast %jit3A_405 : f32 to vector<128x128xf32>
    %select_n3A_407 = arith.select %lt3A_404, %broadcast_in_dim3A_406, %select_n3A_396 : vector<128x128xi1>, vector<128x128xf32>
    %select_n3A_408 = arith.select %lt3A_404, %add3A_403, %select_n3A_397 : vector<128x128xi1>, vector<128x128xf32>
    %slice3A_409 = vector.extract_strided_slice %get3A_9 {offsets = [0, 4736], sizes = [1, 128], strides = [1, 1]} : vector<1x8192xf32> to vector<1x128xf32>
    %add3A_410 = vector.broadcast %slice3A_409 : vector<1x128xf32> to vector<128x128xf32>
    %add3A_411 = vector.broadcast %broadcast_in_dim3A : vector<128x1xf32> to vector<128x128xf32>
    %add3A_412 = arith.addf %add3A_410, %add3A_411 : vector<128x128xf32>
    %slice3A_413 = vector.extract_strided_slice %dot_general3A_5 {offsets = [0, 4736], sizes = [128, 128], strides = [1, 1]} : vector<128x8192xf32> to vector<128x128xf32>
    %add3A_414 = arith.addf %add3A_412, %slice3A_413 : vector<128x128xf32>
    %lt3A_415 = arith.cmpf olt, %add3A_414, %select_n3A_408 : vector<128x128xf32>
    %jit3A_416 = arith.constant 3.700000e+01 : f32
    %broadcast_in_dim3A_417 = vector.broadcast %jit3A_416 : f32 to vector<128x128xf32>
    %select_n3A_418 = arith.select %lt3A_415, %broadcast_in_dim3A_417, %select_n3A_407 : vector<128x128xi1>, vector<128x128xf32>
    %select_n3A_419 = arith.select %lt3A_415, %add3A_414, %select_n3A_408 : vector<128x128xi1>, vector<128x128xf32>
    %slice3A_420 = vector.extract_strided_slice %get3A_9 {offsets = [0, 4864], sizes = [1, 128], strides = [1, 1]} : vector<1x8192xf32> to vector<1x128xf32>
    %add3A_421 = vector.broadcast %slice3A_420 : vector<1x128xf32> to vector<128x128xf32>
    %add3A_422 = vector.broadcast %broadcast_in_dim3A : vector<128x1xf32> to vector<128x128xf32>
    %add3A_423 = arith.addf %add3A_421, %add3A_422 : vector<128x128xf32>
    %slice3A_424 = vector.extract_strided_slice %dot_general3A_5 {offsets = [0, 4864], sizes = [128, 128], strides = [1, 1]} : vector<128x8192xf32> to vector<128x128xf32>
    %add3A_425 = arith.addf %add3A_423, %slice3A_424 : vector<128x128xf32>
    %lt3A_426 = arith.cmpf olt, %add3A_425, %select_n3A_419 : vector<128x128xf32>
    %jit3A_427 = arith.constant 3.800000e+01 : f32
    %broadcast_in_dim3A_428 = vector.broadcast %jit3A_427 : f32 to vector<128x128xf32>
    %select_n3A_429 = arith.select %lt3A_426, %broadcast_in_dim3A_428, %select_n3A_418 : vector<128x128xi1>, vector<128x128xf32>
    %select_n3A_430 = arith.select %lt3A_426, %add3A_425, %select_n3A_419 : vector<128x128xi1>, vector<128x128xf32>
    %slice3A_431 = vector.extract_strided_slice %get3A_9 {offsets = [0, 4992], sizes = [1, 128], strides = [1, 1]} : vector<1x8192xf32> to vector<1x128xf32>
    %add3A_432 = vector.broadcast %slice3A_431 : vector<1x128xf32> to vector<128x128xf32>
    %add3A_433 = vector.broadcast %broadcast_in_dim3A : vector<128x1xf32> to vector<128x128xf32>
    %add3A_434 = arith.addf %add3A_432, %add3A_433 : vector<128x128xf32>
    %slice3A_435 = vector.extract_strided_slice %dot_general3A_5 {offsets = [0, 4992], sizes = [128, 128], strides = [1, 1]} : vector<128x8192xf32> to vector<128x128xf32>
    %add3A_436 = arith.addf %add3A_434, %slice3A_435 : vector<128x128xf32>
    %lt3A_437 = arith.cmpf olt, %add3A_436, %select_n3A_430 : vector<128x128xf32>
    %jit3A_438 = arith.constant 3.900000e+01 : f32
    %broadcast_in_dim3A_439 = vector.broadcast %jit3A_438 : f32 to vector<128x128xf32>
    %select_n3A_440 = arith.select %lt3A_437, %broadcast_in_dim3A_439, %select_n3A_429 : vector<128x128xi1>, vector<128x128xf32>
    %select_n3A_441 = arith.select %lt3A_437, %add3A_436, %select_n3A_430 : vector<128x128xi1>, vector<128x128xf32>
    %slice3A_442 = vector.extract_strided_slice %get3A_9 {offsets = [0, 5120], sizes = [1, 128], strides = [1, 1]} : vector<1x8192xf32> to vector<1x128xf32>
    %add3A_443 = vector.broadcast %slice3A_442 : vector<1x128xf32> to vector<128x128xf32>
    %add3A_444 = vector.broadcast %broadcast_in_dim3A : vector<128x1xf32> to vector<128x128xf32>
    %add3A_445 = arith.addf %add3A_443, %add3A_444 : vector<128x128xf32>
    %slice3A_446 = vector.extract_strided_slice %dot_general3A_5 {offsets = [0, 5120], sizes = [128, 128], strides = [1, 1]} : vector<128x8192xf32> to vector<128x128xf32>
    %add3A_447 = arith.addf %add3A_445, %slice3A_446 : vector<128x128xf32>
    %lt3A_448 = arith.cmpf olt, %add3A_447, %select_n3A_441 : vector<128x128xf32>
    %jit3A_449 = arith.constant 4.000000e+01 : f32
    %broadcast_in_dim3A_450 = vector.broadcast %jit3A_449 : f32 to vector<128x128xf32>
    %select_n3A_451 = arith.select %lt3A_448, %broadcast_in_dim3A_450, %select_n3A_440 : vector<128x128xi1>, vector<128x128xf32>
    %select_n3A_452 = arith.select %lt3A_448, %add3A_447, %select_n3A_441 : vector<128x128xi1>, vector<128x128xf32>
    %slice3A_453 = vector.extract_strided_slice %get3A_9 {offsets = [0, 5248], sizes = [1, 128], strides = [1, 1]} : vector<1x8192xf32> to vector<1x128xf32>
    %add3A_454 = vector.broadcast %slice3A_453 : vector<1x128xf32> to vector<128x128xf32>
    %add3A_455 = vector.broadcast %broadcast_in_dim3A : vector<128x1xf32> to vector<128x128xf32>
    %add3A_456 = arith.addf %add3A_454, %add3A_455 : vector<128x128xf32>
    %slice3A_457 = vector.extract_strided_slice %dot_general3A_5 {offsets = [0, 5248], sizes = [128, 128], strides = [1, 1]} : vector<128x8192xf32> to vector<128x128xf32>
    %add3A_458 = arith.addf %add3A_456, %slice3A_457 : vector<128x128xf32>
    %lt3A_459 = arith.cmpf olt, %add3A_458, %select_n3A_452 : vector<128x128xf32>
    %jit3A_460 = arith.constant 4.100000e+01 : f32
    %broadcast_in_dim3A_461 = vector.broadcast %jit3A_460 : f32 to vector<128x128xf32>
    %select_n3A_462 = arith.select %lt3A_459, %broadcast_in_dim3A_461, %select_n3A_451 : vector<128x128xi1>, vector<128x128xf32>
    %select_n3A_463 = arith.select %lt3A_459, %add3A_458, %select_n3A_452 : vector<128x128xi1>, vector<128x128xf32>
    %slice3A_464 = vector.extract_strided_slice %get3A_9 {offsets = [0, 5376], sizes = [1, 128], strides = [1, 1]} : vector<1x8192xf32> to vector<1x128xf32>
    %add3A_465 = vector.broadcast %slice3A_464 : vector<1x128xf32> to vector<128x128xf32>
    %add3A_466 = vector.broadcast %broadcast_in_dim3A : vector<128x1xf32> to vector<128x128xf32>
    %add3A_467 = arith.addf %add3A_465, %add3A_466 : vector<128x128xf32>
    %slice3A_468 = vector.extract_strided_slice %dot_general3A_5 {offsets = [0, 5376], sizes = [128, 128], strides = [1, 1]} : vector<128x8192xf32> to vector<128x128xf32>
    %add3A_469 = arith.addf %add3A_467, %slice3A_468 : vector<128x128xf32>
    %lt3A_470 = arith.cmpf olt, %add3A_469, %select_n3A_463 : vector<128x128xf32>
    %jit3A_471 = arith.constant 4.200000e+01 : f32
    %broadcast_in_dim3A_472 = vector.broadcast %jit3A_471 : f32 to vector<128x128xf32>
    %select_n3A_473 = arith.select %lt3A_470, %broadcast_in_dim3A_472, %select_n3A_462 : vector<128x128xi1>, vector<128x128xf32>
    %select_n3A_474 = arith.select %lt3A_470, %add3A_469, %select_n3A_463 : vector<128x128xi1>, vector<128x128xf32>
    %slice3A_475 = vector.extract_strided_slice %get3A_9 {offsets = [0, 5504], sizes = [1, 128], strides = [1, 1]} : vector<1x8192xf32> to vector<1x128xf32>
    %add3A_476 = vector.broadcast %slice3A_475 : vector<1x128xf32> to vector<128x128xf32>
    %add3A_477 = vector.broadcast %broadcast_in_dim3A : vector<128x1xf32> to vector<128x128xf32>
    %add3A_478 = arith.addf %add3A_476, %add3A_477 : vector<128x128xf32>
    %slice3A_479 = vector.extract_strided_slice %dot_general3A_5 {offsets = [0, 5504], sizes = [128, 128], strides = [1, 1]} : vector<128x8192xf32> to vector<128x128xf32>
    %add3A_480 = arith.addf %add3A_478, %slice3A_479 : vector<128x128xf32>
    %lt3A_481 = arith.cmpf olt, %add3A_480, %select_n3A_474 : vector<128x128xf32>
    %jit3A_482 = arith.constant 4.300000e+01 : f32
    %broadcast_in_dim3A_483 = vector.broadcast %jit3A_482 : f32 to vector<128x128xf32>
    %select_n3A_484 = arith.select %lt3A_481, %broadcast_in_dim3A_483, %select_n3A_473 : vector<128x128xi1>, vector<128x128xf32>
    %select_n3A_485 = arith.select %lt3A_481, %add3A_480, %select_n3A_474 : vector<128x128xi1>, vector<128x128xf32>
    %slice3A_486 = vector.extract_strided_slice %get3A_9 {offsets = [0, 5632], sizes = [1, 128], strides = [1, 1]} : vector<1x8192xf32> to vector<1x128xf32>
    %add3A_487 = vector.broadcast %slice3A_486 : vector<1x128xf32> to vector<128x128xf32>
    %add3A_488 = vector.broadcast %broadcast_in_dim3A : vector<128x1xf32> to vector<128x128xf32>
    %add3A_489 = arith.addf %add3A_487, %add3A_488 : vector<128x128xf32>
    %slice3A_490 = vector.extract_strided_slice %dot_general3A_5 {offsets = [0, 5632], sizes = [128, 128], strides = [1, 1]} : vector<128x8192xf32> to vector<128x128xf32>
    %add3A_491 = arith.addf %add3A_489, %slice3A_490 : vector<128x128xf32>
    %lt3A_492 = arith.cmpf olt, %add3A_491, %select_n3A_485 : vector<128x128xf32>
    %jit3A_493 = arith.constant 4.400000e+01 : f32
    %broadcast_in_dim3A_494 = vector.broadcast %jit3A_493 : f32 to vector<128x128xf32>
    %select_n3A_495 = arith.select %lt3A_492, %broadcast_in_dim3A_494, %select_n3A_484 : vector<128x128xi1>, vector<128x128xf32>
    %select_n3A_496 = arith.select %lt3A_492, %add3A_491, %select_n3A_485 : vector<128x128xi1>, vector<128x128xf32>
    %slice3A_497 = vector.extract_strided_slice %get3A_9 {offsets = [0, 5760], sizes = [1, 128], strides = [1, 1]} : vector<1x8192xf32> to vector<1x128xf32>
    %add3A_498 = vector.broadcast %slice3A_497 : vector<1x128xf32> to vector<128x128xf32>
    %add3A_499 = vector.broadcast %broadcast_in_dim3A : vector<128x1xf32> to vector<128x128xf32>
    %add3A_500 = arith.addf %add3A_498, %add3A_499 : vector<128x128xf32>
    %slice3A_501 = vector.extract_strided_slice %dot_general3A_5 {offsets = [0, 5760], sizes = [128, 128], strides = [1, 1]} : vector<128x8192xf32> to vector<128x128xf32>
    %add3A_502 = arith.addf %add3A_500, %slice3A_501 : vector<128x128xf32>
    %lt3A_503 = arith.cmpf olt, %add3A_502, %select_n3A_496 : vector<128x128xf32>
    %jit3A_504 = arith.constant 4.500000e+01 : f32
    %broadcast_in_dim3A_505 = vector.broadcast %jit3A_504 : f32 to vector<128x128xf32>
    %select_n3A_506 = arith.select %lt3A_503, %broadcast_in_dim3A_505, %select_n3A_495 : vector<128x128xi1>, vector<128x128xf32>
    %select_n3A_507 = arith.select %lt3A_503, %add3A_502, %select_n3A_496 : vector<128x128xi1>, vector<128x128xf32>
    %slice3A_508 = vector.extract_strided_slice %get3A_9 {offsets = [0, 5888], sizes = [1, 128], strides = [1, 1]} : vector<1x8192xf32> to vector<1x128xf32>
    %add3A_509 = vector.broadcast %slice3A_508 : vector<1x128xf32> to vector<128x128xf32>
    %add3A_510 = vector.broadcast %broadcast_in_dim3A : vector<128x1xf32> to vector<128x128xf32>
    %add3A_511 = arith.addf %add3A_509, %add3A_510 : vector<128x128xf32>
    %slice3A_512 = vector.extract_strided_slice %dot_general3A_5 {offsets = [0, 5888], sizes = [128, 128], strides = [1, 1]} : vector<128x8192xf32> to vector<128x128xf32>
    %add3A_513 = arith.addf %add3A_511, %slice3A_512 : vector<128x128xf32>
    %lt3A_514 = arith.cmpf olt, %add3A_513, %select_n3A_507 : vector<128x128xf32>
    %jit3A_515 = arith.constant 4.600000e+01 : f32
    %broadcast_in_dim3A_516 = vector.broadcast %jit3A_515 : f32 to vector<128x128xf32>
    %select_n3A_517 = arith.select %lt3A_514, %broadcast_in_dim3A_516, %select_n3A_506 : vector<128x128xi1>, vector<128x128xf32>
    %select_n3A_518 = arith.select %lt3A_514, %add3A_513, %select_n3A_507 : vector<128x128xi1>, vector<128x128xf32>
    %slice3A_519 = vector.extract_strided_slice %get3A_9 {offsets = [0, 6016], sizes = [1, 128], strides = [1, 1]} : vector<1x8192xf32> to vector<1x128xf32>
    %add3A_520 = vector.broadcast %slice3A_519 : vector<1x128xf32> to vector<128x128xf32>
    %add3A_521 = vector.broadcast %broadcast_in_dim3A : vector<128x1xf32> to vector<128x128xf32>
    %add3A_522 = arith.addf %add3A_520, %add3A_521 : vector<128x128xf32>
    %slice3A_523 = vector.extract_strided_slice %dot_general3A_5 {offsets = [0, 6016], sizes = [128, 128], strides = [1, 1]} : vector<128x8192xf32> to vector<128x128xf32>
    %add3A_524 = arith.addf %add3A_522, %slice3A_523 : vector<128x128xf32>
    %lt3A_525 = arith.cmpf olt, %add3A_524, %select_n3A_518 : vector<128x128xf32>
    %jit3A_526 = arith.constant 4.700000e+01 : f32
    %broadcast_in_dim3A_527 = vector.broadcast %jit3A_526 : f32 to vector<128x128xf32>
    %select_n3A_528 = arith.select %lt3A_525, %broadcast_in_dim3A_527, %select_n3A_517 : vector<128x128xi1>, vector<128x128xf32>
    %select_n3A_529 = arith.select %lt3A_525, %add3A_524, %select_n3A_518 : vector<128x128xi1>, vector<128x128xf32>
    %slice3A_530 = vector.extract_strided_slice %get3A_9 {offsets = [0, 6144], sizes = [1, 128], strides = [1, 1]} : vector<1x8192xf32> to vector<1x128xf32>
    %add3A_531 = vector.broadcast %slice3A_530 : vector<1x128xf32> to vector<128x128xf32>
    %add3A_532 = vector.broadcast %broadcast_in_dim3A : vector<128x1xf32> to vector<128x128xf32>
    %add3A_533 = arith.addf %add3A_531, %add3A_532 : vector<128x128xf32>
    %slice3A_534 = vector.extract_strided_slice %dot_general3A_5 {offsets = [0, 6144], sizes = [128, 128], strides = [1, 1]} : vector<128x8192xf32> to vector<128x128xf32>
    %add3A_535 = arith.addf %add3A_533, %slice3A_534 : vector<128x128xf32>
    %lt3A_536 = arith.cmpf olt, %add3A_535, %select_n3A_529 : vector<128x128xf32>
    %jit3A_537 = arith.constant 4.800000e+01 : f32
    %broadcast_in_dim3A_538 = vector.broadcast %jit3A_537 : f32 to vector<128x128xf32>
    %select_n3A_539 = arith.select %lt3A_536, %broadcast_in_dim3A_538, %select_n3A_528 : vector<128x128xi1>, vector<128x128xf32>
    %select_n3A_540 = arith.select %lt3A_536, %add3A_535, %select_n3A_529 : vector<128x128xi1>, vector<128x128xf32>
    %slice3A_541 = vector.extract_strided_slice %get3A_9 {offsets = [0, 6272], sizes = [1, 128], strides = [1, 1]} : vector<1x8192xf32> to vector<1x128xf32>
    %add3A_542 = vector.broadcast %slice3A_541 : vector<1x128xf32> to vector<128x128xf32>
    %add3A_543 = vector.broadcast %broadcast_in_dim3A : vector<128x1xf32> to vector<128x128xf32>
    %add3A_544 = arith.addf %add3A_542, %add3A_543 : vector<128x128xf32>
    %slice3A_545 = vector.extract_strided_slice %dot_general3A_5 {offsets = [0, 6272], sizes = [128, 128], strides = [1, 1]} : vector<128x8192xf32> to vector<128x128xf32>
    %add3A_546 = arith.addf %add3A_544, %slice3A_545 : vector<128x128xf32>
    %lt3A_547 = arith.cmpf olt, %add3A_546, %select_n3A_540 : vector<128x128xf32>
    %jit3A_548 = arith.constant 4.900000e+01 : f32
    %broadcast_in_dim3A_549 = vector.broadcast %jit3A_548 : f32 to vector<128x128xf32>
    %select_n3A_550 = arith.select %lt3A_547, %broadcast_in_dim3A_549, %select_n3A_539 : vector<128x128xi1>, vector<128x128xf32>
    %select_n3A_551 = arith.select %lt3A_547, %add3A_546, %select_n3A_540 : vector<128x128xi1>, vector<128x128xf32>
    %slice3A_552 = vector.extract_strided_slice %get3A_9 {offsets = [0, 6400], sizes = [1, 128], strides = [1, 1]} : vector<1x8192xf32> to vector<1x128xf32>
    %add3A_553 = vector.broadcast %slice3A_552 : vector<1x128xf32> to vector<128x128xf32>
    %add3A_554 = vector.broadcast %broadcast_in_dim3A : vector<128x1xf32> to vector<128x128xf32>
    %add3A_555 = arith.addf %add3A_553, %add3A_554 : vector<128x128xf32>
    %slice3A_556 = vector.extract_strided_slice %dot_general3A_5 {offsets = [0, 6400], sizes = [128, 128], strides = [1, 1]} : vector<128x8192xf32> to vector<128x128xf32>
    %add3A_557 = arith.addf %add3A_555, %slice3A_556 : vector<128x128xf32>
    %lt3A_558 = arith.cmpf olt, %add3A_557, %select_n3A_551 : vector<128x128xf32>
    %jit3A_559 = arith.constant 5.000000e+01 : f32
    %broadcast_in_dim3A_560 = vector.broadcast %jit3A_559 : f32 to vector<128x128xf32>
    %select_n3A_561 = arith.select %lt3A_558, %broadcast_in_dim3A_560, %select_n3A_550 : vector<128x128xi1>, vector<128x128xf32>
    %select_n3A_562 = arith.select %lt3A_558, %add3A_557, %select_n3A_551 : vector<128x128xi1>, vector<128x128xf32>
    %slice3A_563 = vector.extract_strided_slice %get3A_9 {offsets = [0, 6528], sizes = [1, 128], strides = [1, 1]} : vector<1x8192xf32> to vector<1x128xf32>
    %add3A_564 = vector.broadcast %slice3A_563 : vector<1x128xf32> to vector<128x128xf32>
    %add3A_565 = vector.broadcast %broadcast_in_dim3A : vector<128x1xf32> to vector<128x128xf32>
    %add3A_566 = arith.addf %add3A_564, %add3A_565 : vector<128x128xf32>
    %slice3A_567 = vector.extract_strided_slice %dot_general3A_5 {offsets = [0, 6528], sizes = [128, 128], strides = [1, 1]} : vector<128x8192xf32> to vector<128x128xf32>
    %add3A_568 = arith.addf %add3A_566, %slice3A_567 : vector<128x128xf32>
    %lt3A_569 = arith.cmpf olt, %add3A_568, %select_n3A_562 : vector<128x128xf32>
    %jit3A_570 = arith.constant 5.100000e+01 : f32
    %broadcast_in_dim3A_571 = vector.broadcast %jit3A_570 : f32 to vector<128x128xf32>
    %select_n3A_572 = arith.select %lt3A_569, %broadcast_in_dim3A_571, %select_n3A_561 : vector<128x128xi1>, vector<128x128xf32>
    %select_n3A_573 = arith.select %lt3A_569, %add3A_568, %select_n3A_562 : vector<128x128xi1>, vector<128x128xf32>
    %slice3A_574 = vector.extract_strided_slice %get3A_9 {offsets = [0, 6656], sizes = [1, 128], strides = [1, 1]} : vector<1x8192xf32> to vector<1x128xf32>
    %add3A_575 = vector.broadcast %slice3A_574 : vector<1x128xf32> to vector<128x128xf32>
    %add3A_576 = vector.broadcast %broadcast_in_dim3A : vector<128x1xf32> to vector<128x128xf32>
    %add3A_577 = arith.addf %add3A_575, %add3A_576 : vector<128x128xf32>
    %slice3A_578 = vector.extract_strided_slice %dot_general3A_5 {offsets = [0, 6656], sizes = [128, 128], strides = [1, 1]} : vector<128x8192xf32> to vector<128x128xf32>
    %add3A_579 = arith.addf %add3A_577, %slice3A_578 : vector<128x128xf32>
    %lt3A_580 = arith.cmpf olt, %add3A_579, %select_n3A_573 : vector<128x128xf32>
    %jit3A_581 = arith.constant 5.200000e+01 : f32
    %broadcast_in_dim3A_582 = vector.broadcast %jit3A_581 : f32 to vector<128x128xf32>
    %select_n3A_583 = arith.select %lt3A_580, %broadcast_in_dim3A_582, %select_n3A_572 : vector<128x128xi1>, vector<128x128xf32>
    %select_n3A_584 = arith.select %lt3A_580, %add3A_579, %select_n3A_573 : vector<128x128xi1>, vector<128x128xf32>
    %slice3A_585 = vector.extract_strided_slice %get3A_9 {offsets = [0, 6784], sizes = [1, 128], strides = [1, 1]} : vector<1x8192xf32> to vector<1x128xf32>
    %add3A_586 = vector.broadcast %slice3A_585 : vector<1x128xf32> to vector<128x128xf32>
    %add3A_587 = vector.broadcast %broadcast_in_dim3A : vector<128x1xf32> to vector<128x128xf32>
    %add3A_588 = arith.addf %add3A_586, %add3A_587 : vector<128x128xf32>
    %slice3A_589 = vector.extract_strided_slice %dot_general3A_5 {offsets = [0, 6784], sizes = [128, 128], strides = [1, 1]} : vector<128x8192xf32> to vector<128x128xf32>
    %add3A_590 = arith.addf %add3A_588, %slice3A_589 : vector<128x128xf32>
    %lt3A_591 = arith.cmpf olt, %add3A_590, %select_n3A_584 : vector<128x128xf32>
    %jit3A_592 = arith.constant 5.300000e+01 : f32
    %broadcast_in_dim3A_593 = vector.broadcast %jit3A_592 : f32 to vector<128x128xf32>
    %select_n3A_594 = arith.select %lt3A_591, %broadcast_in_dim3A_593, %select_n3A_583 : vector<128x128xi1>, vector<128x128xf32>
    %select_n3A_595 = arith.select %lt3A_591, %add3A_590, %select_n3A_584 : vector<128x128xi1>, vector<128x128xf32>
    %slice3A_596 = vector.extract_strided_slice %get3A_9 {offsets = [0, 6912], sizes = [1, 128], strides = [1, 1]} : vector<1x8192xf32> to vector<1x128xf32>
    %add3A_597 = vector.broadcast %slice3A_596 : vector<1x128xf32> to vector<128x128xf32>
    %add3A_598 = vector.broadcast %broadcast_in_dim3A : vector<128x1xf32> to vector<128x128xf32>
    %add3A_599 = arith.addf %add3A_597, %add3A_598 : vector<128x128xf32>
    %slice3A_600 = vector.extract_strided_slice %dot_general3A_5 {offsets = [0, 6912], sizes = [128, 128], strides = [1, 1]} : vector<128x8192xf32> to vector<128x128xf32>
    %add3A_601 = arith.addf %add3A_599, %slice3A_600 : vector<128x128xf32>
    %lt3A_602 = arith.cmpf olt, %add3A_601, %select_n3A_595 : vector<128x128xf32>
    %jit3A_603 = arith.constant 5.400000e+01 : f32
    %broadcast_in_dim3A_604 = vector.broadcast %jit3A_603 : f32 to vector<128x128xf32>
    %select_n3A_605 = arith.select %lt3A_602, %broadcast_in_dim3A_604, %select_n3A_594 : vector<128x128xi1>, vector<128x128xf32>
    %select_n3A_606 = arith.select %lt3A_602, %add3A_601, %select_n3A_595 : vector<128x128xi1>, vector<128x128xf32>
    %slice3A_607 = vector.extract_strided_slice %get3A_9 {offsets = [0, 7040], sizes = [1, 128], strides = [1, 1]} : vector<1x8192xf32> to vector<1x128xf32>
    %add3A_608 = vector.broadcast %slice3A_607 : vector<1x128xf32> to vector<128x128xf32>
    %add3A_609 = vector.broadcast %broadcast_in_dim3A : vector<128x1xf32> to vector<128x128xf32>
    %add3A_610 = arith.addf %add3A_608, %add3A_609 : vector<128x128xf32>
    %slice3A_611 = vector.extract_strided_slice %dot_general3A_5 {offsets = [0, 7040], sizes = [128, 128], strides = [1, 1]} : vector<128x8192xf32> to vector<128x128xf32>
    %add3A_612 = arith.addf %add3A_610, %slice3A_611 : vector<128x128xf32>
    %lt3A_613 = arith.cmpf olt, %add3A_612, %select_n3A_606 : vector<128x128xf32>
    %jit3A_614 = arith.constant 5.500000e+01 : f32
    %broadcast_in_dim3A_615 = vector.broadcast %jit3A_614 : f32 to vector<128x128xf32>
    %select_n3A_616 = arith.select %lt3A_613, %broadcast_in_dim3A_615, %select_n3A_605 : vector<128x128xi1>, vector<128x128xf32>
    %select_n3A_617 = arith.select %lt3A_613, %add3A_612, %select_n3A_606 : vector<128x128xi1>, vector<128x128xf32>
    %slice3A_618 = vector.extract_strided_slice %get3A_9 {offsets = [0, 7168], sizes = [1, 128], strides = [1, 1]} : vector<1x8192xf32> to vector<1x128xf32>
    %add3A_619 = vector.broadcast %slice3A_618 : vector<1x128xf32> to vector<128x128xf32>
    %add3A_620 = vector.broadcast %broadcast_in_dim3A : vector<128x1xf32> to vector<128x128xf32>
    %add3A_621 = arith.addf %add3A_619, %add3A_620 : vector<128x128xf32>
    %slice3A_622 = vector.extract_strided_slice %dot_general3A_5 {offsets = [0, 7168], sizes = [128, 128], strides = [1, 1]} : vector<128x8192xf32> to vector<128x128xf32>
    %add3A_623 = arith.addf %add3A_621, %slice3A_622 : vector<128x128xf32>
    %lt3A_624 = arith.cmpf olt, %add3A_623, %select_n3A_617 : vector<128x128xf32>
    %jit3A_625 = arith.constant 5.600000e+01 : f32
    %broadcast_in_dim3A_626 = vector.broadcast %jit3A_625 : f32 to vector<128x128xf32>
    %select_n3A_627 = arith.select %lt3A_624, %broadcast_in_dim3A_626, %select_n3A_616 : vector<128x128xi1>, vector<128x128xf32>
    %select_n3A_628 = arith.select %lt3A_624, %add3A_623, %select_n3A_617 : vector<128x128xi1>, vector<128x128xf32>
    %slice3A_629 = vector.extract_strided_slice %get3A_9 {offsets = [0, 7296], sizes = [1, 128], strides = [1, 1]} : vector<1x8192xf32> to vector<1x128xf32>
    %add3A_630 = vector.broadcast %slice3A_629 : vector<1x128xf32> to vector<128x128xf32>
    %add3A_631 = vector.broadcast %broadcast_in_dim3A : vector<128x1xf32> to vector<128x128xf32>
    %add3A_632 = arith.addf %add3A_630, %add3A_631 : vector<128x128xf32>
    %slice3A_633 = vector.extract_strided_slice %dot_general3A_5 {offsets = [0, 7296], sizes = [128, 128], strides = [1, 1]} : vector<128x8192xf32> to vector<128x128xf32>
    %add3A_634 = arith.addf %add3A_632, %slice3A_633 : vector<128x128xf32>
    %lt3A_635 = arith.cmpf olt, %add3A_634, %select_n3A_628 : vector<128x128xf32>
    %jit3A_636 = arith.constant 5.700000e+01 : f32
    %broadcast_in_dim3A_637 = vector.broadcast %jit3A_636 : f32 to vector<128x128xf32>
    %select_n3A_638 = arith.select %lt3A_635, %broadcast_in_dim3A_637, %select_n3A_627 : vector<128x128xi1>, vector<128x128xf32>
    %select_n3A_639 = arith.select %lt3A_635, %add3A_634, %select_n3A_628 : vector<128x128xi1>, vector<128x128xf32>
    %slice3A_640 = vector.extract_strided_slice %get3A_9 {offsets = [0, 7424], sizes = [1, 128], strides = [1, 1]} : vector<1x8192xf32> to vector<1x128xf32>
    %add3A_641 = vector.broadcast %slice3A_640 : vector<1x128xf32> to vector<128x128xf32>
    %add3A_642 = vector.broadcast %broadcast_in_dim3A : vector<128x1xf32> to vector<128x128xf32>
    %add3A_643 = arith.addf %add3A_641, %add3A_642 : vector<128x128xf32>
    %slice3A_644 = vector.extract_strided_slice %dot_general3A_5 {offsets = [0, 7424], sizes = [128, 128], strides = [1, 1]} : vector<128x8192xf32> to vector<128x128xf32>
    %add3A_645 = arith.addf %add3A_643, %slice3A_644 : vector<128x128xf32>
    %lt3A_646 = arith.cmpf olt, %add3A_645, %select_n3A_639 : vector<128x128xf32>
    %jit3A_647 = arith.constant 5.800000e+01 : f32
    %broadcast_in_dim3A_648 = vector.broadcast %jit3A_647 : f32 to vector<128x128xf32>
    %select_n3A_649 = arith.select %lt3A_646, %broadcast_in_dim3A_648, %select_n3A_638 : vector<128x128xi1>, vector<128x128xf32>
    %select_n3A_650 = arith.select %lt3A_646, %add3A_645, %select_n3A_639 : vector<128x128xi1>, vector<128x128xf32>
    %slice3A_651 = vector.extract_strided_slice %get3A_9 {offsets = [0, 7552], sizes = [1, 128], strides = [1, 1]} : vector<1x8192xf32> to vector<1x128xf32>
    %add3A_652 = vector.broadcast %slice3A_651 : vector<1x128xf32> to vector<128x128xf32>
    %add3A_653 = vector.broadcast %broadcast_in_dim3A : vector<128x1xf32> to vector<128x128xf32>
    %add3A_654 = arith.addf %add3A_652, %add3A_653 : vector<128x128xf32>
    %slice3A_655 = vector.extract_strided_slice %dot_general3A_5 {offsets = [0, 7552], sizes = [128, 128], strides = [1, 1]} : vector<128x8192xf32> to vector<128x128xf32>
    %add3A_656 = arith.addf %add3A_654, %slice3A_655 : vector<128x128xf32>
    %lt3A_657 = arith.cmpf olt, %add3A_656, %select_n3A_650 : vector<128x128xf32>
    %jit3A_658 = arith.constant 5.900000e+01 : f32
    %broadcast_in_dim3A_659 = vector.broadcast %jit3A_658 : f32 to vector<128x128xf32>
    %select_n3A_660 = arith.select %lt3A_657, %broadcast_in_dim3A_659, %select_n3A_649 : vector<128x128xi1>, vector<128x128xf32>
    %select_n3A_661 = arith.select %lt3A_657, %add3A_656, %select_n3A_650 : vector<128x128xi1>, vector<128x128xf32>
    %slice3A_662 = vector.extract_strided_slice %get3A_9 {offsets = [0, 7680], sizes = [1, 128], strides = [1, 1]} : vector<1x8192xf32> to vector<1x128xf32>
    %add3A_663 = vector.broadcast %slice3A_662 : vector<1x128xf32> to vector<128x128xf32>
    %add3A_664 = vector.broadcast %broadcast_in_dim3A : vector<128x1xf32> to vector<128x128xf32>
    %add3A_665 = arith.addf %add3A_663, %add3A_664 : vector<128x128xf32>
    %slice3A_666 = vector.extract_strided_slice %dot_general3A_5 {offsets = [0, 7680], sizes = [128, 128], strides = [1, 1]} : vector<128x8192xf32> to vector<128x128xf32>
    %add3A_667 = arith.addf %add3A_665, %slice3A_666 : vector<128x128xf32>
    %lt3A_668 = arith.cmpf olt, %add3A_667, %select_n3A_661 : vector<128x128xf32>
    %jit3A_669 = arith.constant 6.000000e+01 : f32
    %broadcast_in_dim3A_670 = vector.broadcast %jit3A_669 : f32 to vector<128x128xf32>
    %select_n3A_671 = arith.select %lt3A_668, %broadcast_in_dim3A_670, %select_n3A_660 : vector<128x128xi1>, vector<128x128xf32>
    %select_n3A_672 = arith.select %lt3A_668, %add3A_667, %select_n3A_661 : vector<128x128xi1>, vector<128x128xf32>
    %slice3A_673 = vector.extract_strided_slice %get3A_9 {offsets = [0, 7808], sizes = [1, 128], strides = [1, 1]} : vector<1x8192xf32> to vector<1x128xf32>
    %add3A_674 = vector.broadcast %slice3A_673 : vector<1x128xf32> to vector<128x128xf32>
    %add3A_675 = vector.broadcast %broadcast_in_dim3A : vector<128x1xf32> to vector<128x128xf32>
    %add3A_676 = arith.addf %add3A_674, %add3A_675 : vector<128x128xf32>
    %slice3A_677 = vector.extract_strided_slice %dot_general3A_5 {offsets = [0, 7808], sizes = [128, 128], strides = [1, 1]} : vector<128x8192xf32> to vector<128x128xf32>
    %add3A_678 = arith.addf %add3A_676, %slice3A_677 : vector<128x128xf32>
    %lt3A_679 = arith.cmpf olt, %add3A_678, %select_n3A_672 : vector<128x128xf32>
    %jit3A_680 = arith.constant 6.100000e+01 : f32
    %broadcast_in_dim3A_681 = vector.broadcast %jit3A_680 : f32 to vector<128x128xf32>
    %select_n3A_682 = arith.select %lt3A_679, %broadcast_in_dim3A_681, %select_n3A_671 : vector<128x128xi1>, vector<128x128xf32>
    %select_n3A_683 = arith.select %lt3A_679, %add3A_678, %select_n3A_672 : vector<128x128xi1>, vector<128x128xf32>
    %slice3A_684 = vector.extract_strided_slice %get3A_9 {offsets = [0, 7936], sizes = [1, 128], strides = [1, 1]} : vector<1x8192xf32> to vector<1x128xf32>
    %add3A_685 = vector.broadcast %slice3A_684 : vector<1x128xf32> to vector<128x128xf32>
    %add3A_686 = vector.broadcast %broadcast_in_dim3A : vector<128x1xf32> to vector<128x128xf32>
    %add3A_687 = arith.addf %add3A_685, %add3A_686 : vector<128x128xf32>
    %slice3A_688 = vector.extract_strided_slice %dot_general3A_5 {offsets = [0, 7936], sizes = [128, 128], strides = [1, 1]} : vector<128x8192xf32> to vector<128x128xf32>
    %add3A_689 = arith.addf %add3A_687, %slice3A_688 : vector<128x128xf32>
    %lt3A_690 = arith.cmpf olt, %add3A_689, %select_n3A_683 : vector<128x128xf32>
    %jit3A_691 = arith.constant 6.200000e+01 : f32
    %broadcast_in_dim3A_692 = vector.broadcast %jit3A_691 : f32 to vector<128x128xf32>
    %select_n3A_693 = arith.select %lt3A_690, %broadcast_in_dim3A_692, %select_n3A_682 : vector<128x128xi1>, vector<128x128xf32>
    %select_n3A_694 = arith.select %lt3A_690, %add3A_689, %select_n3A_683 : vector<128x128xi1>, vector<128x128xf32>
    %slice3A_695 = vector.extract_strided_slice %get3A_9 {offsets = [0, 8064], sizes = [1, 128], strides = [1, 1]} : vector<1x8192xf32> to vector<1x128xf32>
    %add3A_696 = vector.broadcast %slice3A_695 : vector<1x128xf32> to vector<128x128xf32>
    %add3A_697 = vector.broadcast %broadcast_in_dim3A : vector<128x1xf32> to vector<128x128xf32>
    %add3A_698 = arith.addf %add3A_696, %add3A_697 : vector<128x128xf32>
    %slice3A_699 = vector.extract_strided_slice %dot_general3A_5 {offsets = [0, 8064], sizes = [128, 128], strides = [1, 1]} : vector<128x8192xf32> to vector<128x128xf32>
    %add3A_700 = arith.addf %add3A_698, %slice3A_699 : vector<128x128xf32>
    %lt3A_701 = arith.cmpf olt, %add3A_700, %select_n3A_694 : vector<128x128xf32>
    %jit3A_702 = arith.constant 6.300000e+01 : f32
    %broadcast_in_dim3A_703 = vector.broadcast %jit3A_702 : f32 to vector<128x128xf32>
    %select_n3A_704 = arith.select %lt3A_701, %broadcast_in_dim3A_703, %select_n3A_693 : vector<128x128xi1>, vector<128x128xf32>
    %select_n3A_705 = arith.select %lt3A_701, %add3A_700, %select_n3A_694 : vector<128x128xi1>, vector<128x128xf32>
    %iota3A = tpu.iota {dimensions = array<i32: 1>} : vector<128x128xi32>
    %convert_element_type3A = arith.sitofp %iota3A : vector<128x128xi32> to vector<128x128xf32>
    %mul3A_706 = arith.constant 1.280000e+02 : f32
    %mul3A_707 = vector.broadcast %mul3A_706 : f32 to vector<128x128xf32>
    %mul3A_708 = arith.mulf %select_n3A_704, %mul3A_707 : vector<128x128xf32>
    %add3A_709 = arith.addf %mul3A_708, %convert_element_type3A : vector<128x128xf32>
    %reduce_min3A = arith.constant dense<0x7F800000> : vector<128xf32>
    %reduce_min3A_710 = vector.multi_reduction <minimumf>, %select_n3A_705, %reduce_min3A [1] : vector<128x128xf32> to vector<128xf32>
    %broadcast_in_dim3A_711 = vector.shape_cast %reduce_min3A_710 : vector<128xf32> to vector<128x1xf32>
    %eq3A = vector.broadcast %broadcast_in_dim3A_711 : vector<128x1xf32> to vector<128x128xf32>
    %eq3A_712 = arith.cmpf oeq, %select_n3A_705, %eq3A : vector<128x128xf32>
    %jit3A_713 = arith.constant 8.192000e+03 : f32
    %broadcast_in_dim3A_714 = vector.broadcast %jit3A_713 : f32 to vector<128x128xf32>
    %select_n3A_715 = arith.select %eq3A_712, %add3A_709, %broadcast_in_dim3A_714 : vector<128x128xi1>, vector<128x128xf32>
    %reduce_min3A_716 = arith.constant dense<0x7F800000> : vector<128xf32>
    %reduce_min3A_717 = vector.multi_reduction <minimumf>, %select_n3A_715, %reduce_min3A_716 [1] : vector<128x128xf32> to vector<128xf32>
    %broadcast_in_dim3A_718 = vector.shape_cast %reduce_min3A_717 : vector<128xf32> to vector<128x1xf32>
    %convert_element_type3A_719 = arith.fptosi %broadcast_in_dim3A_718 : vector<128x1xf32> to vector<128x1xi32>
    %transpose3A = tpu.transpose %convert_element_type3A_719, [1, 0] : vector<128x1xi32> -> vector<1x128xi32>
    %reshape3A = vector.shape_cast %transpose3A : vector<1x128xi32> to vector<1x1x128xi32>
    %swap3A = arith.constant 0 : index
    %swap3A_720 = arith.constant 0 : index
    %swap3A_721 = arith.constant 0 : index
    %swap3A_722 = vector.load %arg5[%swap3A, %swap3A_720, %swap3A_721] : memref<1x1x128xi32, #tpu.memory_space<vmem>>, vector<1x1x128xi32>
    tpu.vector_store %arg5[%swap3A, %swap3A_720, %swap3A_721], %reshape3A {strides = array<i32>} : memref<1x1x128xi32, #tpu.memory_space<vmem>>, vector<1x1x128xi32>,
    return
  }
  func.func @transform_0(%arg0: i32) -> (i32, i32) {
    %c0_i32 = arith.constant 0 : i32
    %c0_i32_0 = arith.constant 0 : i32
    return %arg0, %c0_i32 : i32, i32
  }
  func.func @transform_1(%arg0: i32) -> (i32, i32) {
    %c0_i32 = arith.constant 0 : i32
    %c0_i32_0 = arith.constant 0 : i32
    return %arg0, %c0_i32 : i32, i32
  }
  func.func @transform_2(%arg0: i32) -> (i32, i32) {
    %c0_i32 = arith.constant 0 : i32
    %c0_i32_0 = arith.constant 0 : i32
    %c0_i32_1 = arith.constant 0 : i32
    return %c0_i32, %c0_i32_0 : i32, i32
  }
  func.func @transform_3(%arg0: i32) -> (i32, i32) {
    %c0_i32 = arith.constant 0 : i32
    %c0_i32_0 = arith.constant 0 : i32
    %c0_i32_1 = arith.constant 0 : i32
    return %c0_i32, %c0_i32_0 : i32, i32
  }
  func.func @transform_4(%arg0: i32) -> (i32, i32, i32) {
    %c0_i32 = arith.constant 0 : i32
    %c0_i32_0 = arith.constant 0 : i32
    %c0_i32_1 = arith.constant 0 : i32
    return %arg0, %c0_i32, %c0_i32_0 : i32, i32, i32
  }
  func.func @transform_5(%arg0: i32) -> (i32, i32) {
    %c0_i32 = arith.constant 0 : i32
    %c0_i32_0 = arith.constant 0 : i32
    return %arg0, %c0_i32 : i32, i32
  }
}

module attributes {stable_mosaic.version = 14 : i64} {
  func.func @_argmin_body(%arg0: i32, %arg1: memref<128x64xf32, #tpu.memory_space<vmem>>, %arg2: memref<128x64xf32, #tpu.memory_space<vmem>>, %arg3: memref<64x8192xf32, #tpu.memory_space<vmem>>, %arg4: memref<1x8192xf32, #tpu.memory_space<vmem>>, %arg5: memref<1x1x128xi32, #tpu.memory_space<vmem>>, %arg6: memref<128x64xf32, #tpu.memory_space<vmem>>) attributes {dimension_semantics = [#tpu.dimension_semantics<arbitrary>], iteration_bounds = array<i64: 64>, scalar_prefetch = 0 : i64, scratch_operands = 0 : i64, tpu.core_type = #tpu.core_type<tc>, window_params = [{transform_indices = @transform_0, window_bounds = array<i64: 128, 64>}, {transform_indices = @transform_1, window_bounds = array<i64: 128, 64>}, {pipeline_mode = #tpu.pipeline_mode<synchronous>, transform_indices = @transform_2, window_bounds = array<i64: 64, 8192>}, {pipeline_mode = #tpu.pipeline_mode<synchronous>, transform_indices = @transform_3, window_bounds = array<i64: 1, 8192>}, {transform_indices = @transform_4, window_bounds = array<i64: 1, 1, 128>}, {transform_indices = @transform_5, window_bounds = array<i64: 128, 64>}]} {
    %get3A = arith.constant 0 : index
    %get3A_0 = arith.constant 0 : index
    %get3A_1 = vector.load %arg1[%get3A, %get3A_0] : memref<128x64xf32, #tpu.memory_space<vmem>>, vector<128x64xf32>
    %get3A_2 = arith.constant 0 : index
    %get3A_3 = arith.constant 0 : index
    %get3A_4 = vector.load %arg2[%get3A_2, %get3A_3] : memref<128x64xf32, #tpu.memory_space<vmem>>, vector<128x64xf32>
    %sub3A = arith.subf %get3A_1, %get3A_4 : vector<128x64xf32>
    %swap3A = arith.constant 0 : index
    %swap3A_5 = arith.constant 0 : index
    %swap3A_6 = vector.load %arg6[%swap3A, %swap3A_5] : memref<128x64xf32, #tpu.memory_space<vmem>>, vector<128x64xf32>
    tpu.vector_store %arg6[%swap3A, %swap3A_5], %sub3A {strides = array<i32>} : memref<128x64xf32, #tpu.memory_space<vmem>>, vector<128x64xf32>,
    %get3A_7 = arith.constant 0 : index
    %get3A_8 = arith.constant 0 : index
    %get3A_9 = vector.load %arg3[%get3A_7, %get3A_8] : memref<64x8192xf32, #tpu.memory_space<vmem>>, vector<64x8192xf32>
    %dot_general3A = arith.constant dense<0.000000e+00> : vector<128x8192xf32>
    %dot_general3A_10 = tpu.matmul %sub3A, %get3A_9, %dot_general3A {dimension_numbers = #tpu.dot_dimension_numbers<[1], [0], [0], [1], [0, 0, 1, 1], [], []>, transpose_lhs_hint = false} : vector<128x64xf32>, vector<64x8192xf32>, vector<128x8192xf32> -> vector<128x8192xf32>
    %mul3A = arith.mulf %sub3A, %sub3A : vector<128x64xf32>
    %reduce_sum3A = arith.constant dense<0.000000e+00> : vector<128xf32>
    %reduce_sum3A_11 = vector.multi_reduction <add>, %mul3A, %reduce_sum3A [1] : vector<128x64xf32> to vector<128xf32>
    %broadcast_in_dim3A = vector.shape_cast %reduce_sum3A_11 : vector<128xf32> to vector<128x1xf32>
    %get3A_12 = arith.constant 0 : index
    %get3A_13 = arith.constant 0 : index
    %get3A_14 = vector.load %arg4[%get3A_12, %get3A_13] : memref<1x8192xf32, #tpu.memory_space<vmem>>, vector<1x8192xf32>
    %slice3A = vector.extract_strided_slice %get3A_14 {offsets = [0, 0], sizes = [1, 128], strides = [1, 1]} : vector<1x8192xf32> to vector<1x128xf32>
    %add3A = vector.broadcast %slice3A : vector<1x128xf32> to vector<128x128xf32>
    %add3A_15 = vector.broadcast %broadcast_in_dim3A : vector<128x1xf32> to vector<128x128xf32>
    %add3A_16 = arith.addf %add3A, %add3A_15 : vector<128x128xf32>
    %slice3A_17 = vector.extract_strided_slice %dot_general3A_10 {offsets = [0, 0], sizes = [128, 128], strides = [1, 1]} : vector<128x8192xf32> to vector<128x128xf32>
    %add3A_18 = arith.addf %add3A_16, %slice3A_17 : vector<128x128xf32>
    %broadcast_in_dim3A_19 = arith.constant 0.000000e+00 : f32
    %broadcast_in_dim3A_20 = vector.broadcast %broadcast_in_dim3A_19 : f32 to vector<128x128xf32>
    %slice3A_21 = vector.extract_strided_slice %get3A_14 {offsets = [0, 128], sizes = [1, 128], strides = [1, 1]} : vector<1x8192xf32> to vector<1x128xf32>
    %add3A_22 = vector.broadcast %slice3A_21 : vector<1x128xf32> to vector<128x128xf32>
    %add3A_23 = vector.broadcast %broadcast_in_dim3A : vector<128x1xf32> to vector<128x128xf32>
    %add3A_24 = arith.addf %add3A_22, %add3A_23 : vector<128x128xf32>
    %slice3A_25 = vector.extract_strided_slice %dot_general3A_10 {offsets = [0, 128], sizes = [128, 128], strides = [1, 1]} : vector<128x8192xf32> to vector<128x128xf32>
    %add3A_26 = arith.addf %add3A_24, %slice3A_25 : vector<128x128xf32>
    %lt3A = arith.cmpf olt, %add3A_26, %add3A_18 : vector<128x128xf32>
    %jit3A = arith.constant 1.000000e+00 : f32
    %broadcast_in_dim3A_27 = vector.broadcast %jit3A : f32 to vector<128x128xf32>
    %select_n3A = arith.select %lt3A, %broadcast_in_dim3A_27, %broadcast_in_dim3A_20 : vector<128x128xi1>, vector<128x128xf32>
    %select_n3A_28 = arith.select %lt3A, %add3A_26, %add3A_18 : vector<128x128xi1>, vector<128x128xf32>
    %slice3A_29 = vector.extract_strided_slice %get3A_14 {offsets = [0, 256], sizes = [1, 128], strides = [1, 1]} : vector<1x8192xf32> to vector<1x128xf32>
    %add3A_30 = vector.broadcast %slice3A_29 : vector<1x128xf32> to vector<128x128xf32>
    %add3A_31 = vector.broadcast %broadcast_in_dim3A : vector<128x1xf32> to vector<128x128xf32>
    %add3A_32 = arith.addf %add3A_30, %add3A_31 : vector<128x128xf32>
    %slice3A_33 = vector.extract_strided_slice %dot_general3A_10 {offsets = [0, 256], sizes = [128, 128], strides = [1, 1]} : vector<128x8192xf32> to vector<128x128xf32>
    %add3A_34 = arith.addf %add3A_32, %slice3A_33 : vector<128x128xf32>
    %lt3A_35 = arith.cmpf olt, %add3A_34, %select_n3A_28 : vector<128x128xf32>
    %jit3A_36 = arith.constant 2.000000e+00 : f32
    %broadcast_in_dim3A_37 = vector.broadcast %jit3A_36 : f32 to vector<128x128xf32>
    %select_n3A_38 = arith.select %lt3A_35, %broadcast_in_dim3A_37, %select_n3A : vector<128x128xi1>, vector<128x128xf32>
    %select_n3A_39 = arith.select %lt3A_35, %add3A_34, %select_n3A_28 : vector<128x128xi1>, vector<128x128xf32>
    %slice3A_40 = vector.extract_strided_slice %get3A_14 {offsets = [0, 384], sizes = [1, 128], strides = [1, 1]} : vector<1x8192xf32> to vector<1x128xf32>
    %add3A_41 = vector.broadcast %slice3A_40 : vector<1x128xf32> to vector<128x128xf32>
    %add3A_42 = vector.broadcast %broadcast_in_dim3A : vector<128x1xf32> to vector<128x128xf32>
    %add3A_43 = arith.addf %add3A_41, %add3A_42 : vector<128x128xf32>
    %slice3A_44 = vector.extract_strided_slice %dot_general3A_10 {offsets = [0, 384], sizes = [128, 128], strides = [1, 1]} : vector<128x8192xf32> to vector<128x128xf32>
    %add3A_45 = arith.addf %add3A_43, %slice3A_44 : vector<128x128xf32>
    %lt3A_46 = arith.cmpf olt, %add3A_45, %select_n3A_39 : vector<128x128xf32>
    %jit3A_47 = arith.constant 3.000000e+00 : f32
    %broadcast_in_dim3A_48 = vector.broadcast %jit3A_47 : f32 to vector<128x128xf32>
    %select_n3A_49 = arith.select %lt3A_46, %broadcast_in_dim3A_48, %select_n3A_38 : vector<128x128xi1>, vector<128x128xf32>
    %select_n3A_50 = arith.select %lt3A_46, %add3A_45, %select_n3A_39 : vector<128x128xi1>, vector<128x128xf32>
    %slice3A_51 = vector.extract_strided_slice %get3A_14 {offsets = [0, 512], sizes = [1, 128], strides = [1, 1]} : vector<1x8192xf32> to vector<1x128xf32>
    %add3A_52 = vector.broadcast %slice3A_51 : vector<1x128xf32> to vector<128x128xf32>
    %add3A_53 = vector.broadcast %broadcast_in_dim3A : vector<128x1xf32> to vector<128x128xf32>
    %add3A_54 = arith.addf %add3A_52, %add3A_53 : vector<128x128xf32>
    %slice3A_55 = vector.extract_strided_slice %dot_general3A_10 {offsets = [0, 512], sizes = [128, 128], strides = [1, 1]} : vector<128x8192xf32> to vector<128x128xf32>
    %add3A_56 = arith.addf %add3A_54, %slice3A_55 : vector<128x128xf32>
    %lt3A_57 = arith.cmpf olt, %add3A_56, %select_n3A_50 : vector<128x128xf32>
    %jit3A_58 = arith.constant 4.000000e+00 : f32
    %broadcast_in_dim3A_59 = vector.broadcast %jit3A_58 : f32 to vector<128x128xf32>
    %select_n3A_60 = arith.select %lt3A_57, %broadcast_in_dim3A_59, %select_n3A_49 : vector<128x128xi1>, vector<128x128xf32>
    %select_n3A_61 = arith.select %lt3A_57, %add3A_56, %select_n3A_50 : vector<128x128xi1>, vector<128x128xf32>
    %slice3A_62 = vector.extract_strided_slice %get3A_14 {offsets = [0, 640], sizes = [1, 128], strides = [1, 1]} : vector<1x8192xf32> to vector<1x128xf32>
    %add3A_63 = vector.broadcast %slice3A_62 : vector<1x128xf32> to vector<128x128xf32>
    %add3A_64 = vector.broadcast %broadcast_in_dim3A : vector<128x1xf32> to vector<128x128xf32>
    %add3A_65 = arith.addf %add3A_63, %add3A_64 : vector<128x128xf32>
    %slice3A_66 = vector.extract_strided_slice %dot_general3A_10 {offsets = [0, 640], sizes = [128, 128], strides = [1, 1]} : vector<128x8192xf32> to vector<128x128xf32>
    %add3A_67 = arith.addf %add3A_65, %slice3A_66 : vector<128x128xf32>
    %lt3A_68 = arith.cmpf olt, %add3A_67, %select_n3A_61 : vector<128x128xf32>
    %jit3A_69 = arith.constant 5.000000e+00 : f32
    %broadcast_in_dim3A_70 = vector.broadcast %jit3A_69 : f32 to vector<128x128xf32>
    %select_n3A_71 = arith.select %lt3A_68, %broadcast_in_dim3A_70, %select_n3A_60 : vector<128x128xi1>, vector<128x128xf32>
    %select_n3A_72 = arith.select %lt3A_68, %add3A_67, %select_n3A_61 : vector<128x128xi1>, vector<128x128xf32>
    %slice3A_73 = vector.extract_strided_slice %get3A_14 {offsets = [0, 768], sizes = [1, 128], strides = [1, 1]} : vector<1x8192xf32> to vector<1x128xf32>
    %add3A_74 = vector.broadcast %slice3A_73 : vector<1x128xf32> to vector<128x128xf32>
    %add3A_75 = vector.broadcast %broadcast_in_dim3A : vector<128x1xf32> to vector<128x128xf32>
    %add3A_76 = arith.addf %add3A_74, %add3A_75 : vector<128x128xf32>
    %slice3A_77 = vector.extract_strided_slice %dot_general3A_10 {offsets = [0, 768], sizes = [128, 128], strides = [1, 1]} : vector<128x8192xf32> to vector<128x128xf32>
    %add3A_78 = arith.addf %add3A_76, %slice3A_77 : vector<128x128xf32>
    %lt3A_79 = arith.cmpf olt, %add3A_78, %select_n3A_72 : vector<128x128xf32>
    %jit3A_80 = arith.constant 6.000000e+00 : f32
    %broadcast_in_dim3A_81 = vector.broadcast %jit3A_80 : f32 to vector<128x128xf32>
    %select_n3A_82 = arith.select %lt3A_79, %broadcast_in_dim3A_81, %select_n3A_71 : vector<128x128xi1>, vector<128x128xf32>
    %select_n3A_83 = arith.select %lt3A_79, %add3A_78, %select_n3A_72 : vector<128x128xi1>, vector<128x128xf32>
    %slice3A_84 = vector.extract_strided_slice %get3A_14 {offsets = [0, 896], sizes = [1, 128], strides = [1, 1]} : vector<1x8192xf32> to vector<1x128xf32>
    %add3A_85 = vector.broadcast %slice3A_84 : vector<1x128xf32> to vector<128x128xf32>
    %add3A_86 = vector.broadcast %broadcast_in_dim3A : vector<128x1xf32> to vector<128x128xf32>
    %add3A_87 = arith.addf %add3A_85, %add3A_86 : vector<128x128xf32>
    %slice3A_88 = vector.extract_strided_slice %dot_general3A_10 {offsets = [0, 896], sizes = [128, 128], strides = [1, 1]} : vector<128x8192xf32> to vector<128x128xf32>
    %add3A_89 = arith.addf %add3A_87, %slice3A_88 : vector<128x128xf32>
    %lt3A_90 = arith.cmpf olt, %add3A_89, %select_n3A_83 : vector<128x128xf32>
    %jit3A_91 = arith.constant 7.000000e+00 : f32
    %broadcast_in_dim3A_92 = vector.broadcast %jit3A_91 : f32 to vector<128x128xf32>
    %select_n3A_93 = arith.select %lt3A_90, %broadcast_in_dim3A_92, %select_n3A_82 : vector<128x128xi1>, vector<128x128xf32>
    %select_n3A_94 = arith.select %lt3A_90, %add3A_89, %select_n3A_83 : vector<128x128xi1>, vector<128x128xf32>
    %slice3A_95 = vector.extract_strided_slice %get3A_14 {offsets = [0, 1024], sizes = [1, 128], strides = [1, 1]} : vector<1x8192xf32> to vector<1x128xf32>
    %add3A_96 = vector.broadcast %slice3A_95 : vector<1x128xf32> to vector<128x128xf32>
    %add3A_97 = vector.broadcast %broadcast_in_dim3A : vector<128x1xf32> to vector<128x128xf32>
    %add3A_98 = arith.addf %add3A_96, %add3A_97 : vector<128x128xf32>
    %slice3A_99 = vector.extract_strided_slice %dot_general3A_10 {offsets = [0, 1024], sizes = [128, 128], strides = [1, 1]} : vector<128x8192xf32> to vector<128x128xf32>
    %add3A_100 = arith.addf %add3A_98, %slice3A_99 : vector<128x128xf32>
    %lt3A_101 = arith.cmpf olt, %add3A_100, %select_n3A_94 : vector<128x128xf32>
    %jit3A_102 = arith.constant 8.000000e+00 : f32
    %broadcast_in_dim3A_103 = vector.broadcast %jit3A_102 : f32 to vector<128x128xf32>
    %select_n3A_104 = arith.select %lt3A_101, %broadcast_in_dim3A_103, %select_n3A_93 : vector<128x128xi1>, vector<128x128xf32>
    %select_n3A_105 = arith.select %lt3A_101, %add3A_100, %select_n3A_94 : vector<128x128xi1>, vector<128x128xf32>
    %slice3A_106 = vector.extract_strided_slice %get3A_14 {offsets = [0, 1152], sizes = [1, 128], strides = [1, 1]} : vector<1x8192xf32> to vector<1x128xf32>
    %add3A_107 = vector.broadcast %slice3A_106 : vector<1x128xf32> to vector<128x128xf32>
    %add3A_108 = vector.broadcast %broadcast_in_dim3A : vector<128x1xf32> to vector<128x128xf32>
    %add3A_109 = arith.addf %add3A_107, %add3A_108 : vector<128x128xf32>
    %slice3A_110 = vector.extract_strided_slice %dot_general3A_10 {offsets = [0, 1152], sizes = [128, 128], strides = [1, 1]} : vector<128x8192xf32> to vector<128x128xf32>
    %add3A_111 = arith.addf %add3A_109, %slice3A_110 : vector<128x128xf32>
    %lt3A_112 = arith.cmpf olt, %add3A_111, %select_n3A_105 : vector<128x128xf32>
    %jit3A_113 = arith.constant 9.000000e+00 : f32
    %broadcast_in_dim3A_114 = vector.broadcast %jit3A_113 : f32 to vector<128x128xf32>
    %select_n3A_115 = arith.select %lt3A_112, %broadcast_in_dim3A_114, %select_n3A_104 : vector<128x128xi1>, vector<128x128xf32>
    %select_n3A_116 = arith.select %lt3A_112, %add3A_111, %select_n3A_105 : vector<128x128xi1>, vector<128x128xf32>
    %slice3A_117 = vector.extract_strided_slice %get3A_14 {offsets = [0, 1280], sizes = [1, 128], strides = [1, 1]} : vector<1x8192xf32> to vector<1x128xf32>
    %add3A_118 = vector.broadcast %slice3A_117 : vector<1x128xf32> to vector<128x128xf32>
    %add3A_119 = vector.broadcast %broadcast_in_dim3A : vector<128x1xf32> to vector<128x128xf32>
    %add3A_120 = arith.addf %add3A_118, %add3A_119 : vector<128x128xf32>
    %slice3A_121 = vector.extract_strided_slice %dot_general3A_10 {offsets = [0, 1280], sizes = [128, 128], strides = [1, 1]} : vector<128x8192xf32> to vector<128x128xf32>
    %add3A_122 = arith.addf %add3A_120, %slice3A_121 : vector<128x128xf32>
    %lt3A_123 = arith.cmpf olt, %add3A_122, %select_n3A_116 : vector<128x128xf32>
    %jit3A_124 = arith.constant 1.000000e+01 : f32
    %broadcast_in_dim3A_125 = vector.broadcast %jit3A_124 : f32 to vector<128x128xf32>
    %select_n3A_126 = arith.select %lt3A_123, %broadcast_in_dim3A_125, %select_n3A_115 : vector<128x128xi1>, vector<128x128xf32>
    %select_n3A_127 = arith.select %lt3A_123, %add3A_122, %select_n3A_116 : vector<128x128xi1>, vector<128x128xf32>
    %slice3A_128 = vector.extract_strided_slice %get3A_14 {offsets = [0, 1408], sizes = [1, 128], strides = [1, 1]} : vector<1x8192xf32> to vector<1x128xf32>
    %add3A_129 = vector.broadcast %slice3A_128 : vector<1x128xf32> to vector<128x128xf32>
    %add3A_130 = vector.broadcast %broadcast_in_dim3A : vector<128x1xf32> to vector<128x128xf32>
    %add3A_131 = arith.addf %add3A_129, %add3A_130 : vector<128x128xf32>
    %slice3A_132 = vector.extract_strided_slice %dot_general3A_10 {offsets = [0, 1408], sizes = [128, 128], strides = [1, 1]} : vector<128x8192xf32> to vector<128x128xf32>
    %add3A_133 = arith.addf %add3A_131, %slice3A_132 : vector<128x128xf32>
    %lt3A_134 = arith.cmpf olt, %add3A_133, %select_n3A_127 : vector<128x128xf32>
    %jit3A_135 = arith.constant 1.100000e+01 : f32
    %broadcast_in_dim3A_136 = vector.broadcast %jit3A_135 : f32 to vector<128x128xf32>
    %select_n3A_137 = arith.select %lt3A_134, %broadcast_in_dim3A_136, %select_n3A_126 : vector<128x128xi1>, vector<128x128xf32>
    %select_n3A_138 = arith.select %lt3A_134, %add3A_133, %select_n3A_127 : vector<128x128xi1>, vector<128x128xf32>
    %slice3A_139 = vector.extract_strided_slice %get3A_14 {offsets = [0, 1536], sizes = [1, 128], strides = [1, 1]} : vector<1x8192xf32> to vector<1x128xf32>
    %add3A_140 = vector.broadcast %slice3A_139 : vector<1x128xf32> to vector<128x128xf32>
    %add3A_141 = vector.broadcast %broadcast_in_dim3A : vector<128x1xf32> to vector<128x128xf32>
    %add3A_142 = arith.addf %add3A_140, %add3A_141 : vector<128x128xf32>
    %slice3A_143 = vector.extract_strided_slice %dot_general3A_10 {offsets = [0, 1536], sizes = [128, 128], strides = [1, 1]} : vector<128x8192xf32> to vector<128x128xf32>
    %add3A_144 = arith.addf %add3A_142, %slice3A_143 : vector<128x128xf32>
    %lt3A_145 = arith.cmpf olt, %add3A_144, %select_n3A_138 : vector<128x128xf32>
    %jit3A_146 = arith.constant 1.200000e+01 : f32
    %broadcast_in_dim3A_147 = vector.broadcast %jit3A_146 : f32 to vector<128x128xf32>
    %select_n3A_148 = arith.select %lt3A_145, %broadcast_in_dim3A_147, %select_n3A_137 : vector<128x128xi1>, vector<128x128xf32>
    %select_n3A_149 = arith.select %lt3A_145, %add3A_144, %select_n3A_138 : vector<128x128xi1>, vector<128x128xf32>
    %slice3A_150 = vector.extract_strided_slice %get3A_14 {offsets = [0, 1664], sizes = [1, 128], strides = [1, 1]} : vector<1x8192xf32> to vector<1x128xf32>
    %add3A_151 = vector.broadcast %slice3A_150 : vector<1x128xf32> to vector<128x128xf32>
    %add3A_152 = vector.broadcast %broadcast_in_dim3A : vector<128x1xf32> to vector<128x128xf32>
    %add3A_153 = arith.addf %add3A_151, %add3A_152 : vector<128x128xf32>
    %slice3A_154 = vector.extract_strided_slice %dot_general3A_10 {offsets = [0, 1664], sizes = [128, 128], strides = [1, 1]} : vector<128x8192xf32> to vector<128x128xf32>
    %add3A_155 = arith.addf %add3A_153, %slice3A_154 : vector<128x128xf32>
    %lt3A_156 = arith.cmpf olt, %add3A_155, %select_n3A_149 : vector<128x128xf32>
    %jit3A_157 = arith.constant 1.300000e+01 : f32
    %broadcast_in_dim3A_158 = vector.broadcast %jit3A_157 : f32 to vector<128x128xf32>
    %select_n3A_159 = arith.select %lt3A_156, %broadcast_in_dim3A_158, %select_n3A_148 : vector<128x128xi1>, vector<128x128xf32>
    %select_n3A_160 = arith.select %lt3A_156, %add3A_155, %select_n3A_149 : vector<128x128xi1>, vector<128x128xf32>
    %slice3A_161 = vector.extract_strided_slice %get3A_14 {offsets = [0, 1792], sizes = [1, 128], strides = [1, 1]} : vector<1x8192xf32> to vector<1x128xf32>
    %add3A_162 = vector.broadcast %slice3A_161 : vector<1x128xf32> to vector<128x128xf32>
    %add3A_163 = vector.broadcast %broadcast_in_dim3A : vector<128x1xf32> to vector<128x128xf32>
    %add3A_164 = arith.addf %add3A_162, %add3A_163 : vector<128x128xf32>
    %slice3A_165 = vector.extract_strided_slice %dot_general3A_10 {offsets = [0, 1792], sizes = [128, 128], strides = [1, 1]} : vector<128x8192xf32> to vector<128x128xf32>
    %add3A_166 = arith.addf %add3A_164, %slice3A_165 : vector<128x128xf32>
    %lt3A_167 = arith.cmpf olt, %add3A_166, %select_n3A_160 : vector<128x128xf32>
    %jit3A_168 = arith.constant 1.400000e+01 : f32
    %broadcast_in_dim3A_169 = vector.broadcast %jit3A_168 : f32 to vector<128x128xf32>
    %select_n3A_170 = arith.select %lt3A_167, %broadcast_in_dim3A_169, %select_n3A_159 : vector<128x128xi1>, vector<128x128xf32>
    %select_n3A_171 = arith.select %lt3A_167, %add3A_166, %select_n3A_160 : vector<128x128xi1>, vector<128x128xf32>
    %slice3A_172 = vector.extract_strided_slice %get3A_14 {offsets = [0, 1920], sizes = [1, 128], strides = [1, 1]} : vector<1x8192xf32> to vector<1x128xf32>
    %add3A_173 = vector.broadcast %slice3A_172 : vector<1x128xf32> to vector<128x128xf32>
    %add3A_174 = vector.broadcast %broadcast_in_dim3A : vector<128x1xf32> to vector<128x128xf32>
    %add3A_175 = arith.addf %add3A_173, %add3A_174 : vector<128x128xf32>
    %slice3A_176 = vector.extract_strided_slice %dot_general3A_10 {offsets = [0, 1920], sizes = [128, 128], strides = [1, 1]} : vector<128x8192xf32> to vector<128x128xf32>
    %add3A_177 = arith.addf %add3A_175, %slice3A_176 : vector<128x128xf32>
    %lt3A_178 = arith.cmpf olt, %add3A_177, %select_n3A_171 : vector<128x128xf32>
    %jit3A_179 = arith.constant 1.500000e+01 : f32
    %broadcast_in_dim3A_180 = vector.broadcast %jit3A_179 : f32 to vector<128x128xf32>
    %select_n3A_181 = arith.select %lt3A_178, %broadcast_in_dim3A_180, %select_n3A_170 : vector<128x128xi1>, vector<128x128xf32>
    %select_n3A_182 = arith.select %lt3A_178, %add3A_177, %select_n3A_171 : vector<128x128xi1>, vector<128x128xf32>
    %slice3A_183 = vector.extract_strided_slice %get3A_14 {offsets = [0, 2048], sizes = [1, 128], strides = [1, 1]} : vector<1x8192xf32> to vector<1x128xf32>
    %add3A_184 = vector.broadcast %slice3A_183 : vector<1x128xf32> to vector<128x128xf32>
    %add3A_185 = vector.broadcast %broadcast_in_dim3A : vector<128x1xf32> to vector<128x128xf32>
    %add3A_186 = arith.addf %add3A_184, %add3A_185 : vector<128x128xf32>
    %slice3A_187 = vector.extract_strided_slice %dot_general3A_10 {offsets = [0, 2048], sizes = [128, 128], strides = [1, 1]} : vector<128x8192xf32> to vector<128x128xf32>
    %add3A_188 = arith.addf %add3A_186, %slice3A_187 : vector<128x128xf32>
    %lt3A_189 = arith.cmpf olt, %add3A_188, %select_n3A_182 : vector<128x128xf32>
    %jit3A_190 = arith.constant 1.600000e+01 : f32
    %broadcast_in_dim3A_191 = vector.broadcast %jit3A_190 : f32 to vector<128x128xf32>
    %select_n3A_192 = arith.select %lt3A_189, %broadcast_in_dim3A_191, %select_n3A_181 : vector<128x128xi1>, vector<128x128xf32>
    %select_n3A_193 = arith.select %lt3A_189, %add3A_188, %select_n3A_182 : vector<128x128xi1>, vector<128x128xf32>
    %slice3A_194 = vector.extract_strided_slice %get3A_14 {offsets = [0, 2176], sizes = [1, 128], strides = [1, 1]} : vector<1x8192xf32> to vector<1x128xf32>
    %add3A_195 = vector.broadcast %slice3A_194 : vector<1x128xf32> to vector<128x128xf32>
    %add3A_196 = vector.broadcast %broadcast_in_dim3A : vector<128x1xf32> to vector<128x128xf32>
    %add3A_197 = arith.addf %add3A_195, %add3A_196 : vector<128x128xf32>
    %slice3A_198 = vector.extract_strided_slice %dot_general3A_10 {offsets = [0, 2176], sizes = [128, 128], strides = [1, 1]} : vector<128x8192xf32> to vector<128x128xf32>
    %add3A_199 = arith.addf %add3A_197, %slice3A_198 : vector<128x128xf32>
    %lt3A_200 = arith.cmpf olt, %add3A_199, %select_n3A_193 : vector<128x128xf32>
    %jit3A_201 = arith.constant 1.700000e+01 : f32
    %broadcast_in_dim3A_202 = vector.broadcast %jit3A_201 : f32 to vector<128x128xf32>
    %select_n3A_203 = arith.select %lt3A_200, %broadcast_in_dim3A_202, %select_n3A_192 : vector<128x128xi1>, vector<128x128xf32>
    %select_n3A_204 = arith.select %lt3A_200, %add3A_199, %select_n3A_193 : vector<128x128xi1>, vector<128x128xf32>
    %slice3A_205 = vector.extract_strided_slice %get3A_14 {offsets = [0, 2304], sizes = [1, 128], strides = [1, 1]} : vector<1x8192xf32> to vector<1x128xf32>
    %add3A_206 = vector.broadcast %slice3A_205 : vector<1x128xf32> to vector<128x128xf32>
    %add3A_207 = vector.broadcast %broadcast_in_dim3A : vector<128x1xf32> to vector<128x128xf32>
    %add3A_208 = arith.addf %add3A_206, %add3A_207 : vector<128x128xf32>
    %slice3A_209 = vector.extract_strided_slice %dot_general3A_10 {offsets = [0, 2304], sizes = [128, 128], strides = [1, 1]} : vector<128x8192xf32> to vector<128x128xf32>
    %add3A_210 = arith.addf %add3A_208, %slice3A_209 : vector<128x128xf32>
    %lt3A_211 = arith.cmpf olt, %add3A_210, %select_n3A_204 : vector<128x128xf32>
    %jit3A_212 = arith.constant 1.800000e+01 : f32
    %broadcast_in_dim3A_213 = vector.broadcast %jit3A_212 : f32 to vector<128x128xf32>
    %select_n3A_214 = arith.select %lt3A_211, %broadcast_in_dim3A_213, %select_n3A_203 : vector<128x128xi1>, vector<128x128xf32>
    %select_n3A_215 = arith.select %lt3A_211, %add3A_210, %select_n3A_204 : vector<128x128xi1>, vector<128x128xf32>
    %slice3A_216 = vector.extract_strided_slice %get3A_14 {offsets = [0, 2432], sizes = [1, 128], strides = [1, 1]} : vector<1x8192xf32> to vector<1x128xf32>
    %add3A_217 = vector.broadcast %slice3A_216 : vector<1x128xf32> to vector<128x128xf32>
    %add3A_218 = vector.broadcast %broadcast_in_dim3A : vector<128x1xf32> to vector<128x128xf32>
    %add3A_219 = arith.addf %add3A_217, %add3A_218 : vector<128x128xf32>
    %slice3A_220 = vector.extract_strided_slice %dot_general3A_10 {offsets = [0, 2432], sizes = [128, 128], strides = [1, 1]} : vector<128x8192xf32> to vector<128x128xf32>
    %add3A_221 = arith.addf %add3A_219, %slice3A_220 : vector<128x128xf32>
    %lt3A_222 = arith.cmpf olt, %add3A_221, %select_n3A_215 : vector<128x128xf32>
    %jit3A_223 = arith.constant 1.900000e+01 : f32
    %broadcast_in_dim3A_224 = vector.broadcast %jit3A_223 : f32 to vector<128x128xf32>
    %select_n3A_225 = arith.select %lt3A_222, %broadcast_in_dim3A_224, %select_n3A_214 : vector<128x128xi1>, vector<128x128xf32>
    %select_n3A_226 = arith.select %lt3A_222, %add3A_221, %select_n3A_215 : vector<128x128xi1>, vector<128x128xf32>
    %slice3A_227 = vector.extract_strided_slice %get3A_14 {offsets = [0, 2560], sizes = [1, 128], strides = [1, 1]} : vector<1x8192xf32> to vector<1x128xf32>
    %add3A_228 = vector.broadcast %slice3A_227 : vector<1x128xf32> to vector<128x128xf32>
    %add3A_229 = vector.broadcast %broadcast_in_dim3A : vector<128x1xf32> to vector<128x128xf32>
    %add3A_230 = arith.addf %add3A_228, %add3A_229 : vector<128x128xf32>
    %slice3A_231 = vector.extract_strided_slice %dot_general3A_10 {offsets = [0, 2560], sizes = [128, 128], strides = [1, 1]} : vector<128x8192xf32> to vector<128x128xf32>
    %add3A_232 = arith.addf %add3A_230, %slice3A_231 : vector<128x128xf32>
    %lt3A_233 = arith.cmpf olt, %add3A_232, %select_n3A_226 : vector<128x128xf32>
    %jit3A_234 = arith.constant 2.000000e+01 : f32
    %broadcast_in_dim3A_235 = vector.broadcast %jit3A_234 : f32 to vector<128x128xf32>
    %select_n3A_236 = arith.select %lt3A_233, %broadcast_in_dim3A_235, %select_n3A_225 : vector<128x128xi1>, vector<128x128xf32>
    %select_n3A_237 = arith.select %lt3A_233, %add3A_232, %select_n3A_226 : vector<128x128xi1>, vector<128x128xf32>
    %slice3A_238 = vector.extract_strided_slice %get3A_14 {offsets = [0, 2688], sizes = [1, 128], strides = [1, 1]} : vector<1x8192xf32> to vector<1x128xf32>
    %add3A_239 = vector.broadcast %slice3A_238 : vector<1x128xf32> to vector<128x128xf32>
    %add3A_240 = vector.broadcast %broadcast_in_dim3A : vector<128x1xf32> to vector<128x128xf32>
    %add3A_241 = arith.addf %add3A_239, %add3A_240 : vector<128x128xf32>
    %slice3A_242 = vector.extract_strided_slice %dot_general3A_10 {offsets = [0, 2688], sizes = [128, 128], strides = [1, 1]} : vector<128x8192xf32> to vector<128x128xf32>
    %add3A_243 = arith.addf %add3A_241, %slice3A_242 : vector<128x128xf32>
    %lt3A_244 = arith.cmpf olt, %add3A_243, %select_n3A_237 : vector<128x128xf32>
    %jit3A_245 = arith.constant 2.100000e+01 : f32
    %broadcast_in_dim3A_246 = vector.broadcast %jit3A_245 : f32 to vector<128x128xf32>
    %select_n3A_247 = arith.select %lt3A_244, %broadcast_in_dim3A_246, %select_n3A_236 : vector<128x128xi1>, vector<128x128xf32>
    %select_n3A_248 = arith.select %lt3A_244, %add3A_243, %select_n3A_237 : vector<128x128xi1>, vector<128x128xf32>
    %slice3A_249 = vector.extract_strided_slice %get3A_14 {offsets = [0, 2816], sizes = [1, 128], strides = [1, 1]} : vector<1x8192xf32> to vector<1x128xf32>
    %add3A_250 = vector.broadcast %slice3A_249 : vector<1x128xf32> to vector<128x128xf32>
    %add3A_251 = vector.broadcast %broadcast_in_dim3A : vector<128x1xf32> to vector<128x128xf32>
    %add3A_252 = arith.addf %add3A_250, %add3A_251 : vector<128x128xf32>
    %slice3A_253 = vector.extract_strided_slice %dot_general3A_10 {offsets = [0, 2816], sizes = [128, 128], strides = [1, 1]} : vector<128x8192xf32> to vector<128x128xf32>
    %add3A_254 = arith.addf %add3A_252, %slice3A_253 : vector<128x128xf32>
    %lt3A_255 = arith.cmpf olt, %add3A_254, %select_n3A_248 : vector<128x128xf32>
    %jit3A_256 = arith.constant 2.200000e+01 : f32
    %broadcast_in_dim3A_257 = vector.broadcast %jit3A_256 : f32 to vector<128x128xf32>
    %select_n3A_258 = arith.select %lt3A_255, %broadcast_in_dim3A_257, %select_n3A_247 : vector<128x128xi1>, vector<128x128xf32>
    %select_n3A_259 = arith.select %lt3A_255, %add3A_254, %select_n3A_248 : vector<128x128xi1>, vector<128x128xf32>
    %slice3A_260 = vector.extract_strided_slice %get3A_14 {offsets = [0, 2944], sizes = [1, 128], strides = [1, 1]} : vector<1x8192xf32> to vector<1x128xf32>
    %add3A_261 = vector.broadcast %slice3A_260 : vector<1x128xf32> to vector<128x128xf32>
    %add3A_262 = vector.broadcast %broadcast_in_dim3A : vector<128x1xf32> to vector<128x128xf32>
    %add3A_263 = arith.addf %add3A_261, %add3A_262 : vector<128x128xf32>
    %slice3A_264 = vector.extract_strided_slice %dot_general3A_10 {offsets = [0, 2944], sizes = [128, 128], strides = [1, 1]} : vector<128x8192xf32> to vector<128x128xf32>
    %add3A_265 = arith.addf %add3A_263, %slice3A_264 : vector<128x128xf32>
    %lt3A_266 = arith.cmpf olt, %add3A_265, %select_n3A_259 : vector<128x128xf32>
    %jit3A_267 = arith.constant 2.300000e+01 : f32
    %broadcast_in_dim3A_268 = vector.broadcast %jit3A_267 : f32 to vector<128x128xf32>
    %select_n3A_269 = arith.select %lt3A_266, %broadcast_in_dim3A_268, %select_n3A_258 : vector<128x128xi1>, vector<128x128xf32>
    %select_n3A_270 = arith.select %lt3A_266, %add3A_265, %select_n3A_259 : vector<128x128xi1>, vector<128x128xf32>
    %slice3A_271 = vector.extract_strided_slice %get3A_14 {offsets = [0, 3072], sizes = [1, 128], strides = [1, 1]} : vector<1x8192xf32> to vector<1x128xf32>
    %add3A_272 = vector.broadcast %slice3A_271 : vector<1x128xf32> to vector<128x128xf32>
    %add3A_273 = vector.broadcast %broadcast_in_dim3A : vector<128x1xf32> to vector<128x128xf32>
    %add3A_274 = arith.addf %add3A_272, %add3A_273 : vector<128x128xf32>
    %slice3A_275 = vector.extract_strided_slice %dot_general3A_10 {offsets = [0, 3072], sizes = [128, 128], strides = [1, 1]} : vector<128x8192xf32> to vector<128x128xf32>
    %add3A_276 = arith.addf %add3A_274, %slice3A_275 : vector<128x128xf32>
    %lt3A_277 = arith.cmpf olt, %add3A_276, %select_n3A_270 : vector<128x128xf32>
    %jit3A_278 = arith.constant 2.400000e+01 : f32
    %broadcast_in_dim3A_279 = vector.broadcast %jit3A_278 : f32 to vector<128x128xf32>
    %select_n3A_280 = arith.select %lt3A_277, %broadcast_in_dim3A_279, %select_n3A_269 : vector<128x128xi1>, vector<128x128xf32>
    %select_n3A_281 = arith.select %lt3A_277, %add3A_276, %select_n3A_270 : vector<128x128xi1>, vector<128x128xf32>
    %slice3A_282 = vector.extract_strided_slice %get3A_14 {offsets = [0, 3200], sizes = [1, 128], strides = [1, 1]} : vector<1x8192xf32> to vector<1x128xf32>
    %add3A_283 = vector.broadcast %slice3A_282 : vector<1x128xf32> to vector<128x128xf32>
    %add3A_284 = vector.broadcast %broadcast_in_dim3A : vector<128x1xf32> to vector<128x128xf32>
    %add3A_285 = arith.addf %add3A_283, %add3A_284 : vector<128x128xf32>
    %slice3A_286 = vector.extract_strided_slice %dot_general3A_10 {offsets = [0, 3200], sizes = [128, 128], strides = [1, 1]} : vector<128x8192xf32> to vector<128x128xf32>
    %add3A_287 = arith.addf %add3A_285, %slice3A_286 : vector<128x128xf32>
    %lt3A_288 = arith.cmpf olt, %add3A_287, %select_n3A_281 : vector<128x128xf32>
    %jit3A_289 = arith.constant 2.500000e+01 : f32
    %broadcast_in_dim3A_290 = vector.broadcast %jit3A_289 : f32 to vector<128x128xf32>
    %select_n3A_291 = arith.select %lt3A_288, %broadcast_in_dim3A_290, %select_n3A_280 : vector<128x128xi1>, vector<128x128xf32>
    %select_n3A_292 = arith.select %lt3A_288, %add3A_287, %select_n3A_281 : vector<128x128xi1>, vector<128x128xf32>
    %slice3A_293 = vector.extract_strided_slice %get3A_14 {offsets = [0, 3328], sizes = [1, 128], strides = [1, 1]} : vector<1x8192xf32> to vector<1x128xf32>
    %add3A_294 = vector.broadcast %slice3A_293 : vector<1x128xf32> to vector<128x128xf32>
    %add3A_295 = vector.broadcast %broadcast_in_dim3A : vector<128x1xf32> to vector<128x128xf32>
    %add3A_296 = arith.addf %add3A_294, %add3A_295 : vector<128x128xf32>
    %slice3A_297 = vector.extract_strided_slice %dot_general3A_10 {offsets = [0, 3328], sizes = [128, 128], strides = [1, 1]} : vector<128x8192xf32> to vector<128x128xf32>
    %add3A_298 = arith.addf %add3A_296, %slice3A_297 : vector<128x128xf32>
    %lt3A_299 = arith.cmpf olt, %add3A_298, %select_n3A_292 : vector<128x128xf32>
    %jit3A_300 = arith.constant 2.600000e+01 : f32
    %broadcast_in_dim3A_301 = vector.broadcast %jit3A_300 : f32 to vector<128x128xf32>
    %select_n3A_302 = arith.select %lt3A_299, %broadcast_in_dim3A_301, %select_n3A_291 : vector<128x128xi1>, vector<128x128xf32>
    %select_n3A_303 = arith.select %lt3A_299, %add3A_298, %select_n3A_292 : vector<128x128xi1>, vector<128x128xf32>
    %slice3A_304 = vector.extract_strided_slice %get3A_14 {offsets = [0, 3456], sizes = [1, 128], strides = [1, 1]} : vector<1x8192xf32> to vector<1x128xf32>
    %add3A_305 = vector.broadcast %slice3A_304 : vector<1x128xf32> to vector<128x128xf32>
    %add3A_306 = vector.broadcast %broadcast_in_dim3A : vector<128x1xf32> to vector<128x128xf32>
    %add3A_307 = arith.addf %add3A_305, %add3A_306 : vector<128x128xf32>
    %slice3A_308 = vector.extract_strided_slice %dot_general3A_10 {offsets = [0, 3456], sizes = [128, 128], strides = [1, 1]} : vector<128x8192xf32> to vector<128x128xf32>
    %add3A_309 = arith.addf %add3A_307, %slice3A_308 : vector<128x128xf32>
    %lt3A_310 = arith.cmpf olt, %add3A_309, %select_n3A_303 : vector<128x128xf32>
    %jit3A_311 = arith.constant 2.700000e+01 : f32
    %broadcast_in_dim3A_312 = vector.broadcast %jit3A_311 : f32 to vector<128x128xf32>
    %select_n3A_313 = arith.select %lt3A_310, %broadcast_in_dim3A_312, %select_n3A_302 : vector<128x128xi1>, vector<128x128xf32>
    %select_n3A_314 = arith.select %lt3A_310, %add3A_309, %select_n3A_303 : vector<128x128xi1>, vector<128x128xf32>
    %slice3A_315 = vector.extract_strided_slice %get3A_14 {offsets = [0, 3584], sizes = [1, 128], strides = [1, 1]} : vector<1x8192xf32> to vector<1x128xf32>
    %add3A_316 = vector.broadcast %slice3A_315 : vector<1x128xf32> to vector<128x128xf32>
    %add3A_317 = vector.broadcast %broadcast_in_dim3A : vector<128x1xf32> to vector<128x128xf32>
    %add3A_318 = arith.addf %add3A_316, %add3A_317 : vector<128x128xf32>
    %slice3A_319 = vector.extract_strided_slice %dot_general3A_10 {offsets = [0, 3584], sizes = [128, 128], strides = [1, 1]} : vector<128x8192xf32> to vector<128x128xf32>
    %add3A_320 = arith.addf %add3A_318, %slice3A_319 : vector<128x128xf32>
    %lt3A_321 = arith.cmpf olt, %add3A_320, %select_n3A_314 : vector<128x128xf32>
    %jit3A_322 = arith.constant 2.800000e+01 : f32
    %broadcast_in_dim3A_323 = vector.broadcast %jit3A_322 : f32 to vector<128x128xf32>
    %select_n3A_324 = arith.select %lt3A_321, %broadcast_in_dim3A_323, %select_n3A_313 : vector<128x128xi1>, vector<128x128xf32>
    %select_n3A_325 = arith.select %lt3A_321, %add3A_320, %select_n3A_314 : vector<128x128xi1>, vector<128x128xf32>
    %slice3A_326 = vector.extract_strided_slice %get3A_14 {offsets = [0, 3712], sizes = [1, 128], strides = [1, 1]} : vector<1x8192xf32> to vector<1x128xf32>
    %add3A_327 = vector.broadcast %slice3A_326 : vector<1x128xf32> to vector<128x128xf32>
    %add3A_328 = vector.broadcast %broadcast_in_dim3A : vector<128x1xf32> to vector<128x128xf32>
    %add3A_329 = arith.addf %add3A_327, %add3A_328 : vector<128x128xf32>
    %slice3A_330 = vector.extract_strided_slice %dot_general3A_10 {offsets = [0, 3712], sizes = [128, 128], strides = [1, 1]} : vector<128x8192xf32> to vector<128x128xf32>
    %add3A_331 = arith.addf %add3A_329, %slice3A_330 : vector<128x128xf32>
    %lt3A_332 = arith.cmpf olt, %add3A_331, %select_n3A_325 : vector<128x128xf32>
    %jit3A_333 = arith.constant 2.900000e+01 : f32
    %broadcast_in_dim3A_334 = vector.broadcast %jit3A_333 : f32 to vector<128x128xf32>
    %select_n3A_335 = arith.select %lt3A_332, %broadcast_in_dim3A_334, %select_n3A_324 : vector<128x128xi1>, vector<128x128xf32>
    %select_n3A_336 = arith.select %lt3A_332, %add3A_331, %select_n3A_325 : vector<128x128xi1>, vector<128x128xf32>
    %slice3A_337 = vector.extract_strided_slice %get3A_14 {offsets = [0, 3840], sizes = [1, 128], strides = [1, 1]} : vector<1x8192xf32> to vector<1x128xf32>
    %add3A_338 = vector.broadcast %slice3A_337 : vector<1x128xf32> to vector<128x128xf32>
    %add3A_339 = vector.broadcast %broadcast_in_dim3A : vector<128x1xf32> to vector<128x128xf32>
    %add3A_340 = arith.addf %add3A_338, %add3A_339 : vector<128x128xf32>
    %slice3A_341 = vector.extract_strided_slice %dot_general3A_10 {offsets = [0, 3840], sizes = [128, 128], strides = [1, 1]} : vector<128x8192xf32> to vector<128x128xf32>
    %add3A_342 = arith.addf %add3A_340, %slice3A_341 : vector<128x128xf32>
    %lt3A_343 = arith.cmpf olt, %add3A_342, %select_n3A_336 : vector<128x128xf32>
    %jit3A_344 = arith.constant 3.000000e+01 : f32
    %broadcast_in_dim3A_345 = vector.broadcast %jit3A_344 : f32 to vector<128x128xf32>
    %select_n3A_346 = arith.select %lt3A_343, %broadcast_in_dim3A_345, %select_n3A_335 : vector<128x128xi1>, vector<128x128xf32>
    %select_n3A_347 = arith.select %lt3A_343, %add3A_342, %select_n3A_336 : vector<128x128xi1>, vector<128x128xf32>
    %slice3A_348 = vector.extract_strided_slice %get3A_14 {offsets = [0, 3968], sizes = [1, 128], strides = [1, 1]} : vector<1x8192xf32> to vector<1x128xf32>
    %add3A_349 = vector.broadcast %slice3A_348 : vector<1x128xf32> to vector<128x128xf32>
    %add3A_350 = vector.broadcast %broadcast_in_dim3A : vector<128x1xf32> to vector<128x128xf32>
    %add3A_351 = arith.addf %add3A_349, %add3A_350 : vector<128x128xf32>
    %slice3A_352 = vector.extract_strided_slice %dot_general3A_10 {offsets = [0, 3968], sizes = [128, 128], strides = [1, 1]} : vector<128x8192xf32> to vector<128x128xf32>
    %add3A_353 = arith.addf %add3A_351, %slice3A_352 : vector<128x128xf32>
    %lt3A_354 = arith.cmpf olt, %add3A_353, %select_n3A_347 : vector<128x128xf32>
    %jit3A_355 = arith.constant 3.100000e+01 : f32
    %broadcast_in_dim3A_356 = vector.broadcast %jit3A_355 : f32 to vector<128x128xf32>
    %select_n3A_357 = arith.select %lt3A_354, %broadcast_in_dim3A_356, %select_n3A_346 : vector<128x128xi1>, vector<128x128xf32>
    %select_n3A_358 = arith.select %lt3A_354, %add3A_353, %select_n3A_347 : vector<128x128xi1>, vector<128x128xf32>
    %slice3A_359 = vector.extract_strided_slice %get3A_14 {offsets = [0, 4096], sizes = [1, 128], strides = [1, 1]} : vector<1x8192xf32> to vector<1x128xf32>
    %add3A_360 = vector.broadcast %slice3A_359 : vector<1x128xf32> to vector<128x128xf32>
    %add3A_361 = vector.broadcast %broadcast_in_dim3A : vector<128x1xf32> to vector<128x128xf32>
    %add3A_362 = arith.addf %add3A_360, %add3A_361 : vector<128x128xf32>
    %slice3A_363 = vector.extract_strided_slice %dot_general3A_10 {offsets = [0, 4096], sizes = [128, 128], strides = [1, 1]} : vector<128x8192xf32> to vector<128x128xf32>
    %add3A_364 = arith.addf %add3A_362, %slice3A_363 : vector<128x128xf32>
    %lt3A_365 = arith.cmpf olt, %add3A_364, %select_n3A_358 : vector<128x128xf32>
    %jit3A_366 = arith.constant 3.200000e+01 : f32
    %broadcast_in_dim3A_367 = vector.broadcast %jit3A_366 : f32 to vector<128x128xf32>
    %select_n3A_368 = arith.select %lt3A_365, %broadcast_in_dim3A_367, %select_n3A_357 : vector<128x128xi1>, vector<128x128xf32>
    %select_n3A_369 = arith.select %lt3A_365, %add3A_364, %select_n3A_358 : vector<128x128xi1>, vector<128x128xf32>
    %slice3A_370 = vector.extract_strided_slice %get3A_14 {offsets = [0, 4224], sizes = [1, 128], strides = [1, 1]} : vector<1x8192xf32> to vector<1x128xf32>
    %add3A_371 = vector.broadcast %slice3A_370 : vector<1x128xf32> to vector<128x128xf32>
    %add3A_372 = vector.broadcast %broadcast_in_dim3A : vector<128x1xf32> to vector<128x128xf32>
    %add3A_373 = arith.addf %add3A_371, %add3A_372 : vector<128x128xf32>
    %slice3A_374 = vector.extract_strided_slice %dot_general3A_10 {offsets = [0, 4224], sizes = [128, 128], strides = [1, 1]} : vector<128x8192xf32> to vector<128x128xf32>
    %add3A_375 = arith.addf %add3A_373, %slice3A_374 : vector<128x128xf32>
    %lt3A_376 = arith.cmpf olt, %add3A_375, %select_n3A_369 : vector<128x128xf32>
    %jit3A_377 = arith.constant 3.300000e+01 : f32
    %broadcast_in_dim3A_378 = vector.broadcast %jit3A_377 : f32 to vector<128x128xf32>
    %select_n3A_379 = arith.select %lt3A_376, %broadcast_in_dim3A_378, %select_n3A_368 : vector<128x128xi1>, vector<128x128xf32>
    %select_n3A_380 = arith.select %lt3A_376, %add3A_375, %select_n3A_369 : vector<128x128xi1>, vector<128x128xf32>
    %slice3A_381 = vector.extract_strided_slice %get3A_14 {offsets = [0, 4352], sizes = [1, 128], strides = [1, 1]} : vector<1x8192xf32> to vector<1x128xf32>
    %add3A_382 = vector.broadcast %slice3A_381 : vector<1x128xf32> to vector<128x128xf32>
    %add3A_383 = vector.broadcast %broadcast_in_dim3A : vector<128x1xf32> to vector<128x128xf32>
    %add3A_384 = arith.addf %add3A_382, %add3A_383 : vector<128x128xf32>
    %slice3A_385 = vector.extract_strided_slice %dot_general3A_10 {offsets = [0, 4352], sizes = [128, 128], strides = [1, 1]} : vector<128x8192xf32> to vector<128x128xf32>
    %add3A_386 = arith.addf %add3A_384, %slice3A_385 : vector<128x128xf32>
    %lt3A_387 = arith.cmpf olt, %add3A_386, %select_n3A_380 : vector<128x128xf32>
    %jit3A_388 = arith.constant 3.400000e+01 : f32
    %broadcast_in_dim3A_389 = vector.broadcast %jit3A_388 : f32 to vector<128x128xf32>
    %select_n3A_390 = arith.select %lt3A_387, %broadcast_in_dim3A_389, %select_n3A_379 : vector<128x128xi1>, vector<128x128xf32>
    %select_n3A_391 = arith.select %lt3A_387, %add3A_386, %select_n3A_380 : vector<128x128xi1>, vector<128x128xf32>
    %slice3A_392 = vector.extract_strided_slice %get3A_14 {offsets = [0, 4480], sizes = [1, 128], strides = [1, 1]} : vector<1x8192xf32> to vector<1x128xf32>
    %add3A_393 = vector.broadcast %slice3A_392 : vector<1x128xf32> to vector<128x128xf32>
    %add3A_394 = vector.broadcast %broadcast_in_dim3A : vector<128x1xf32> to vector<128x128xf32>
    %add3A_395 = arith.addf %add3A_393, %add3A_394 : vector<128x128xf32>
    %slice3A_396 = vector.extract_strided_slice %dot_general3A_10 {offsets = [0, 4480], sizes = [128, 128], strides = [1, 1]} : vector<128x8192xf32> to vector<128x128xf32>
    %add3A_397 = arith.addf %add3A_395, %slice3A_396 : vector<128x128xf32>
    %lt3A_398 = arith.cmpf olt, %add3A_397, %select_n3A_391 : vector<128x128xf32>
    %jit3A_399 = arith.constant 3.500000e+01 : f32
    %broadcast_in_dim3A_400 = vector.broadcast %jit3A_399 : f32 to vector<128x128xf32>
    %select_n3A_401 = arith.select %lt3A_398, %broadcast_in_dim3A_400, %select_n3A_390 : vector<128x128xi1>, vector<128x128xf32>
    %select_n3A_402 = arith.select %lt3A_398, %add3A_397, %select_n3A_391 : vector<128x128xi1>, vector<128x128xf32>
    %slice3A_403 = vector.extract_strided_slice %get3A_14 {offsets = [0, 4608], sizes = [1, 128], strides = [1, 1]} : vector<1x8192xf32> to vector<1x128xf32>
    %add3A_404 = vector.broadcast %slice3A_403 : vector<1x128xf32> to vector<128x128xf32>
    %add3A_405 = vector.broadcast %broadcast_in_dim3A : vector<128x1xf32> to vector<128x128xf32>
    %add3A_406 = arith.addf %add3A_404, %add3A_405 : vector<128x128xf32>
    %slice3A_407 = vector.extract_strided_slice %dot_general3A_10 {offsets = [0, 4608], sizes = [128, 128], strides = [1, 1]} : vector<128x8192xf32> to vector<128x128xf32>
    %add3A_408 = arith.addf %add3A_406, %slice3A_407 : vector<128x128xf32>
    %lt3A_409 = arith.cmpf olt, %add3A_408, %select_n3A_402 : vector<128x128xf32>
    %jit3A_410 = arith.constant 3.600000e+01 : f32
    %broadcast_in_dim3A_411 = vector.broadcast %jit3A_410 : f32 to vector<128x128xf32>
    %select_n3A_412 = arith.select %lt3A_409, %broadcast_in_dim3A_411, %select_n3A_401 : vector<128x128xi1>, vector<128x128xf32>
    %select_n3A_413 = arith.select %lt3A_409, %add3A_408, %select_n3A_402 : vector<128x128xi1>, vector<128x128xf32>
    %slice3A_414 = vector.extract_strided_slice %get3A_14 {offsets = [0, 4736], sizes = [1, 128], strides = [1, 1]} : vector<1x8192xf32> to vector<1x128xf32>
    %add3A_415 = vector.broadcast %slice3A_414 : vector<1x128xf32> to vector<128x128xf32>
    %add3A_416 = vector.broadcast %broadcast_in_dim3A : vector<128x1xf32> to vector<128x128xf32>
    %add3A_417 = arith.addf %add3A_415, %add3A_416 : vector<128x128xf32>
    %slice3A_418 = vector.extract_strided_slice %dot_general3A_10 {offsets = [0, 4736], sizes = [128, 128], strides = [1, 1]} : vector<128x8192xf32> to vector<128x128xf32>
    %add3A_419 = arith.addf %add3A_417, %slice3A_418 : vector<128x128xf32>
    %lt3A_420 = arith.cmpf olt, %add3A_419, %select_n3A_413 : vector<128x128xf32>
    %jit3A_421 = arith.constant 3.700000e+01 : f32
    %broadcast_in_dim3A_422 = vector.broadcast %jit3A_421 : f32 to vector<128x128xf32>
    %select_n3A_423 = arith.select %lt3A_420, %broadcast_in_dim3A_422, %select_n3A_412 : vector<128x128xi1>, vector<128x128xf32>
    %select_n3A_424 = arith.select %lt3A_420, %add3A_419, %select_n3A_413 : vector<128x128xi1>, vector<128x128xf32>
    %slice3A_425 = vector.extract_strided_slice %get3A_14 {offsets = [0, 4864], sizes = [1, 128], strides = [1, 1]} : vector<1x8192xf32> to vector<1x128xf32>
    %add3A_426 = vector.broadcast %slice3A_425 : vector<1x128xf32> to vector<128x128xf32>
    %add3A_427 = vector.broadcast %broadcast_in_dim3A : vector<128x1xf32> to vector<128x128xf32>
    %add3A_428 = arith.addf %add3A_426, %add3A_427 : vector<128x128xf32>
    %slice3A_429 = vector.extract_strided_slice %dot_general3A_10 {offsets = [0, 4864], sizes = [128, 128], strides = [1, 1]} : vector<128x8192xf32> to vector<128x128xf32>
    %add3A_430 = arith.addf %add3A_428, %slice3A_429 : vector<128x128xf32>
    %lt3A_431 = arith.cmpf olt, %add3A_430, %select_n3A_424 : vector<128x128xf32>
    %jit3A_432 = arith.constant 3.800000e+01 : f32
    %broadcast_in_dim3A_433 = vector.broadcast %jit3A_432 : f32 to vector<128x128xf32>
    %select_n3A_434 = arith.select %lt3A_431, %broadcast_in_dim3A_433, %select_n3A_423 : vector<128x128xi1>, vector<128x128xf32>
    %select_n3A_435 = arith.select %lt3A_431, %add3A_430, %select_n3A_424 : vector<128x128xi1>, vector<128x128xf32>
    %slice3A_436 = vector.extract_strided_slice %get3A_14 {offsets = [0, 4992], sizes = [1, 128], strides = [1, 1]} : vector<1x8192xf32> to vector<1x128xf32>
    %add3A_437 = vector.broadcast %slice3A_436 : vector<1x128xf32> to vector<128x128xf32>
    %add3A_438 = vector.broadcast %broadcast_in_dim3A : vector<128x1xf32> to vector<128x128xf32>
    %add3A_439 = arith.addf %add3A_437, %add3A_438 : vector<128x128xf32>
    %slice3A_440 = vector.extract_strided_slice %dot_general3A_10 {offsets = [0, 4992], sizes = [128, 128], strides = [1, 1]} : vector<128x8192xf32> to vector<128x128xf32>
    %add3A_441 = arith.addf %add3A_439, %slice3A_440 : vector<128x128xf32>
    %lt3A_442 = arith.cmpf olt, %add3A_441, %select_n3A_435 : vector<128x128xf32>
    %jit3A_443 = arith.constant 3.900000e+01 : f32
    %broadcast_in_dim3A_444 = vector.broadcast %jit3A_443 : f32 to vector<128x128xf32>
    %select_n3A_445 = arith.select %lt3A_442, %broadcast_in_dim3A_444, %select_n3A_434 : vector<128x128xi1>, vector<128x128xf32>
    %select_n3A_446 = arith.select %lt3A_442, %add3A_441, %select_n3A_435 : vector<128x128xi1>, vector<128x128xf32>
    %slice3A_447 = vector.extract_strided_slice %get3A_14 {offsets = [0, 5120], sizes = [1, 128], strides = [1, 1]} : vector<1x8192xf32> to vector<1x128xf32>
    %add3A_448 = vector.broadcast %slice3A_447 : vector<1x128xf32> to vector<128x128xf32>
    %add3A_449 = vector.broadcast %broadcast_in_dim3A : vector<128x1xf32> to vector<128x128xf32>
    %add3A_450 = arith.addf %add3A_448, %add3A_449 : vector<128x128xf32>
    %slice3A_451 = vector.extract_strided_slice %dot_general3A_10 {offsets = [0, 5120], sizes = [128, 128], strides = [1, 1]} : vector<128x8192xf32> to vector<128x128xf32>
    %add3A_452 = arith.addf %add3A_450, %slice3A_451 : vector<128x128xf32>
    %lt3A_453 = arith.cmpf olt, %add3A_452, %select_n3A_446 : vector<128x128xf32>
    %jit3A_454 = arith.constant 4.000000e+01 : f32
    %broadcast_in_dim3A_455 = vector.broadcast %jit3A_454 : f32 to vector<128x128xf32>
    %select_n3A_456 = arith.select %lt3A_453, %broadcast_in_dim3A_455, %select_n3A_445 : vector<128x128xi1>, vector<128x128xf32>
    %select_n3A_457 = arith.select %lt3A_453, %add3A_452, %select_n3A_446 : vector<128x128xi1>, vector<128x128xf32>
    %slice3A_458 = vector.extract_strided_slice %get3A_14 {offsets = [0, 5248], sizes = [1, 128], strides = [1, 1]} : vector<1x8192xf32> to vector<1x128xf32>
    %add3A_459 = vector.broadcast %slice3A_458 : vector<1x128xf32> to vector<128x128xf32>
    %add3A_460 = vector.broadcast %broadcast_in_dim3A : vector<128x1xf32> to vector<128x128xf32>
    %add3A_461 = arith.addf %add3A_459, %add3A_460 : vector<128x128xf32>
    %slice3A_462 = vector.extract_strided_slice %dot_general3A_10 {offsets = [0, 5248], sizes = [128, 128], strides = [1, 1]} : vector<128x8192xf32> to vector<128x128xf32>
    %add3A_463 = arith.addf %add3A_461, %slice3A_462 : vector<128x128xf32>
    %lt3A_464 = arith.cmpf olt, %add3A_463, %select_n3A_457 : vector<128x128xf32>
    %jit3A_465 = arith.constant 4.100000e+01 : f32
    %broadcast_in_dim3A_466 = vector.broadcast %jit3A_465 : f32 to vector<128x128xf32>
    %select_n3A_467 = arith.select %lt3A_464, %broadcast_in_dim3A_466, %select_n3A_456 : vector<128x128xi1>, vector<128x128xf32>
    %select_n3A_468 = arith.select %lt3A_464, %add3A_463, %select_n3A_457 : vector<128x128xi1>, vector<128x128xf32>
    %slice3A_469 = vector.extract_strided_slice %get3A_14 {offsets = [0, 5376], sizes = [1, 128], strides = [1, 1]} : vector<1x8192xf32> to vector<1x128xf32>
    %add3A_470 = vector.broadcast %slice3A_469 : vector<1x128xf32> to vector<128x128xf32>
    %add3A_471 = vector.broadcast %broadcast_in_dim3A : vector<128x1xf32> to vector<128x128xf32>
    %add3A_472 = arith.addf %add3A_470, %add3A_471 : vector<128x128xf32>
    %slice3A_473 = vector.extract_strided_slice %dot_general3A_10 {offsets = [0, 5376], sizes = [128, 128], strides = [1, 1]} : vector<128x8192xf32> to vector<128x128xf32>
    %add3A_474 = arith.addf %add3A_472, %slice3A_473 : vector<128x128xf32>
    %lt3A_475 = arith.cmpf olt, %add3A_474, %select_n3A_468 : vector<128x128xf32>
    %jit3A_476 = arith.constant 4.200000e+01 : f32
    %broadcast_in_dim3A_477 = vector.broadcast %jit3A_476 : f32 to vector<128x128xf32>
    %select_n3A_478 = arith.select %lt3A_475, %broadcast_in_dim3A_477, %select_n3A_467 : vector<128x128xi1>, vector<128x128xf32>
    %select_n3A_479 = arith.select %lt3A_475, %add3A_474, %select_n3A_468 : vector<128x128xi1>, vector<128x128xf32>
    %slice3A_480 = vector.extract_strided_slice %get3A_14 {offsets = [0, 5504], sizes = [1, 128], strides = [1, 1]} : vector<1x8192xf32> to vector<1x128xf32>
    %add3A_481 = vector.broadcast %slice3A_480 : vector<1x128xf32> to vector<128x128xf32>
    %add3A_482 = vector.broadcast %broadcast_in_dim3A : vector<128x1xf32> to vector<128x128xf32>
    %add3A_483 = arith.addf %add3A_481, %add3A_482 : vector<128x128xf32>
    %slice3A_484 = vector.extract_strided_slice %dot_general3A_10 {offsets = [0, 5504], sizes = [128, 128], strides = [1, 1]} : vector<128x8192xf32> to vector<128x128xf32>
    %add3A_485 = arith.addf %add3A_483, %slice3A_484 : vector<128x128xf32>
    %lt3A_486 = arith.cmpf olt, %add3A_485, %select_n3A_479 : vector<128x128xf32>
    %jit3A_487 = arith.constant 4.300000e+01 : f32
    %broadcast_in_dim3A_488 = vector.broadcast %jit3A_487 : f32 to vector<128x128xf32>
    %select_n3A_489 = arith.select %lt3A_486, %broadcast_in_dim3A_488, %select_n3A_478 : vector<128x128xi1>, vector<128x128xf32>
    %select_n3A_490 = arith.select %lt3A_486, %add3A_485, %select_n3A_479 : vector<128x128xi1>, vector<128x128xf32>
    %slice3A_491 = vector.extract_strided_slice %get3A_14 {offsets = [0, 5632], sizes = [1, 128], strides = [1, 1]} : vector<1x8192xf32> to vector<1x128xf32>
    %add3A_492 = vector.broadcast %slice3A_491 : vector<1x128xf32> to vector<128x128xf32>
    %add3A_493 = vector.broadcast %broadcast_in_dim3A : vector<128x1xf32> to vector<128x128xf32>
    %add3A_494 = arith.addf %add3A_492, %add3A_493 : vector<128x128xf32>
    %slice3A_495 = vector.extract_strided_slice %dot_general3A_10 {offsets = [0, 5632], sizes = [128, 128], strides = [1, 1]} : vector<128x8192xf32> to vector<128x128xf32>
    %add3A_496 = arith.addf %add3A_494, %slice3A_495 : vector<128x128xf32>
    %lt3A_497 = arith.cmpf olt, %add3A_496, %select_n3A_490 : vector<128x128xf32>
    %jit3A_498 = arith.constant 4.400000e+01 : f32
    %broadcast_in_dim3A_499 = vector.broadcast %jit3A_498 : f32 to vector<128x128xf32>
    %select_n3A_500 = arith.select %lt3A_497, %broadcast_in_dim3A_499, %select_n3A_489 : vector<128x128xi1>, vector<128x128xf32>
    %select_n3A_501 = arith.select %lt3A_497, %add3A_496, %select_n3A_490 : vector<128x128xi1>, vector<128x128xf32>
    %slice3A_502 = vector.extract_strided_slice %get3A_14 {offsets = [0, 5760], sizes = [1, 128], strides = [1, 1]} : vector<1x8192xf32> to vector<1x128xf32>
    %add3A_503 = vector.broadcast %slice3A_502 : vector<1x128xf32> to vector<128x128xf32>
    %add3A_504 = vector.broadcast %broadcast_in_dim3A : vector<128x1xf32> to vector<128x128xf32>
    %add3A_505 = arith.addf %add3A_503, %add3A_504 : vector<128x128xf32>
    %slice3A_506 = vector.extract_strided_slice %dot_general3A_10 {offsets = [0, 5760], sizes = [128, 128], strides = [1, 1]} : vector<128x8192xf32> to vector<128x128xf32>
    %add3A_507 = arith.addf %add3A_505, %slice3A_506 : vector<128x128xf32>
    %lt3A_508 = arith.cmpf olt, %add3A_507, %select_n3A_501 : vector<128x128xf32>
    %jit3A_509 = arith.constant 4.500000e+01 : f32
    %broadcast_in_dim3A_510 = vector.broadcast %jit3A_509 : f32 to vector<128x128xf32>
    %select_n3A_511 = arith.select %lt3A_508, %broadcast_in_dim3A_510, %select_n3A_500 : vector<128x128xi1>, vector<128x128xf32>
    %select_n3A_512 = arith.select %lt3A_508, %add3A_507, %select_n3A_501 : vector<128x128xi1>, vector<128x128xf32>
    %slice3A_513 = vector.extract_strided_slice %get3A_14 {offsets = [0, 5888], sizes = [1, 128], strides = [1, 1]} : vector<1x8192xf32> to vector<1x128xf32>
    %add3A_514 = vector.broadcast %slice3A_513 : vector<1x128xf32> to vector<128x128xf32>
    %add3A_515 = vector.broadcast %broadcast_in_dim3A : vector<128x1xf32> to vector<128x128xf32>
    %add3A_516 = arith.addf %add3A_514, %add3A_515 : vector<128x128xf32>
    %slice3A_517 = vector.extract_strided_slice %dot_general3A_10 {offsets = [0, 5888], sizes = [128, 128], strides = [1, 1]} : vector<128x8192xf32> to vector<128x128xf32>
    %add3A_518 = arith.addf %add3A_516, %slice3A_517 : vector<128x128xf32>
    %lt3A_519 = arith.cmpf olt, %add3A_518, %select_n3A_512 : vector<128x128xf32>
    %jit3A_520 = arith.constant 4.600000e+01 : f32
    %broadcast_in_dim3A_521 = vector.broadcast %jit3A_520 : f32 to vector<128x128xf32>
    %select_n3A_522 = arith.select %lt3A_519, %broadcast_in_dim3A_521, %select_n3A_511 : vector<128x128xi1>, vector<128x128xf32>
    %select_n3A_523 = arith.select %lt3A_519, %add3A_518, %select_n3A_512 : vector<128x128xi1>, vector<128x128xf32>
    %slice3A_524 = vector.extract_strided_slice %get3A_14 {offsets = [0, 6016], sizes = [1, 128], strides = [1, 1]} : vector<1x8192xf32> to vector<1x128xf32>
    %add3A_525 = vector.broadcast %slice3A_524 : vector<1x128xf32> to vector<128x128xf32>
    %add3A_526 = vector.broadcast %broadcast_in_dim3A : vector<128x1xf32> to vector<128x128xf32>
    %add3A_527 = arith.addf %add3A_525, %add3A_526 : vector<128x128xf32>
    %slice3A_528 = vector.extract_strided_slice %dot_general3A_10 {offsets = [0, 6016], sizes = [128, 128], strides = [1, 1]} : vector<128x8192xf32> to vector<128x128xf32>
    %add3A_529 = arith.addf %add3A_527, %slice3A_528 : vector<128x128xf32>
    %lt3A_530 = arith.cmpf olt, %add3A_529, %select_n3A_523 : vector<128x128xf32>
    %jit3A_531 = arith.constant 4.700000e+01 : f32
    %broadcast_in_dim3A_532 = vector.broadcast %jit3A_531 : f32 to vector<128x128xf32>
    %select_n3A_533 = arith.select %lt3A_530, %broadcast_in_dim3A_532, %select_n3A_522 : vector<128x128xi1>, vector<128x128xf32>
    %select_n3A_534 = arith.select %lt3A_530, %add3A_529, %select_n3A_523 : vector<128x128xi1>, vector<128x128xf32>
    %slice3A_535 = vector.extract_strided_slice %get3A_14 {offsets = [0, 6144], sizes = [1, 128], strides = [1, 1]} : vector<1x8192xf32> to vector<1x128xf32>
    %add3A_536 = vector.broadcast %slice3A_535 : vector<1x128xf32> to vector<128x128xf32>
    %add3A_537 = vector.broadcast %broadcast_in_dim3A : vector<128x1xf32> to vector<128x128xf32>
    %add3A_538 = arith.addf %add3A_536, %add3A_537 : vector<128x128xf32>
    %slice3A_539 = vector.extract_strided_slice %dot_general3A_10 {offsets = [0, 6144], sizes = [128, 128], strides = [1, 1]} : vector<128x8192xf32> to vector<128x128xf32>
    %add3A_540 = arith.addf %add3A_538, %slice3A_539 : vector<128x128xf32>
    %lt3A_541 = arith.cmpf olt, %add3A_540, %select_n3A_534 : vector<128x128xf32>
    %jit3A_542 = arith.constant 4.800000e+01 : f32
    %broadcast_in_dim3A_543 = vector.broadcast %jit3A_542 : f32 to vector<128x128xf32>
    %select_n3A_544 = arith.select %lt3A_541, %broadcast_in_dim3A_543, %select_n3A_533 : vector<128x128xi1>, vector<128x128xf32>
    %select_n3A_545 = arith.select %lt3A_541, %add3A_540, %select_n3A_534 : vector<128x128xi1>, vector<128x128xf32>
    %slice3A_546 = vector.extract_strided_slice %get3A_14 {offsets = [0, 6272], sizes = [1, 128], strides = [1, 1]} : vector<1x8192xf32> to vector<1x128xf32>
    %add3A_547 = vector.broadcast %slice3A_546 : vector<1x128xf32> to vector<128x128xf32>
    %add3A_548 = vector.broadcast %broadcast_in_dim3A : vector<128x1xf32> to vector<128x128xf32>
    %add3A_549 = arith.addf %add3A_547, %add3A_548 : vector<128x128xf32>
    %slice3A_550 = vector.extract_strided_slice %dot_general3A_10 {offsets = [0, 6272], sizes = [128, 128], strides = [1, 1]} : vector<128x8192xf32> to vector<128x128xf32>
    %add3A_551 = arith.addf %add3A_549, %slice3A_550 : vector<128x128xf32>
    %lt3A_552 = arith.cmpf olt, %add3A_551, %select_n3A_545 : vector<128x128xf32>
    %jit3A_553 = arith.constant 4.900000e+01 : f32
    %broadcast_in_dim3A_554 = vector.broadcast %jit3A_553 : f32 to vector<128x128xf32>
    %select_n3A_555 = arith.select %lt3A_552, %broadcast_in_dim3A_554, %select_n3A_544 : vector<128x128xi1>, vector<128x128xf32>
    %select_n3A_556 = arith.select %lt3A_552, %add3A_551, %select_n3A_545 : vector<128x128xi1>, vector<128x128xf32>
    %slice3A_557 = vector.extract_strided_slice %get3A_14 {offsets = [0, 6400], sizes = [1, 128], strides = [1, 1]} : vector<1x8192xf32> to vector<1x128xf32>
    %add3A_558 = vector.broadcast %slice3A_557 : vector<1x128xf32> to vector<128x128xf32>
    %add3A_559 = vector.broadcast %broadcast_in_dim3A : vector<128x1xf32> to vector<128x128xf32>
    %add3A_560 = arith.addf %add3A_558, %add3A_559 : vector<128x128xf32>
    %slice3A_561 = vector.extract_strided_slice %dot_general3A_10 {offsets = [0, 6400], sizes = [128, 128], strides = [1, 1]} : vector<128x8192xf32> to vector<128x128xf32>
    %add3A_562 = arith.addf %add3A_560, %slice3A_561 : vector<128x128xf32>
    %lt3A_563 = arith.cmpf olt, %add3A_562, %select_n3A_556 : vector<128x128xf32>
    %jit3A_564 = arith.constant 5.000000e+01 : f32
    %broadcast_in_dim3A_565 = vector.broadcast %jit3A_564 : f32 to vector<128x128xf32>
    %select_n3A_566 = arith.select %lt3A_563, %broadcast_in_dim3A_565, %select_n3A_555 : vector<128x128xi1>, vector<128x128xf32>
    %select_n3A_567 = arith.select %lt3A_563, %add3A_562, %select_n3A_556 : vector<128x128xi1>, vector<128x128xf32>
    %slice3A_568 = vector.extract_strided_slice %get3A_14 {offsets = [0, 6528], sizes = [1, 128], strides = [1, 1]} : vector<1x8192xf32> to vector<1x128xf32>
    %add3A_569 = vector.broadcast %slice3A_568 : vector<1x128xf32> to vector<128x128xf32>
    %add3A_570 = vector.broadcast %broadcast_in_dim3A : vector<128x1xf32> to vector<128x128xf32>
    %add3A_571 = arith.addf %add3A_569, %add3A_570 : vector<128x128xf32>
    %slice3A_572 = vector.extract_strided_slice %dot_general3A_10 {offsets = [0, 6528], sizes = [128, 128], strides = [1, 1]} : vector<128x8192xf32> to vector<128x128xf32>
    %add3A_573 = arith.addf %add3A_571, %slice3A_572 : vector<128x128xf32>
    %lt3A_574 = arith.cmpf olt, %add3A_573, %select_n3A_567 : vector<128x128xf32>
    %jit3A_575 = arith.constant 5.100000e+01 : f32
    %broadcast_in_dim3A_576 = vector.broadcast %jit3A_575 : f32 to vector<128x128xf32>
    %select_n3A_577 = arith.select %lt3A_574, %broadcast_in_dim3A_576, %select_n3A_566 : vector<128x128xi1>, vector<128x128xf32>
    %select_n3A_578 = arith.select %lt3A_574, %add3A_573, %select_n3A_567 : vector<128x128xi1>, vector<128x128xf32>
    %slice3A_579 = vector.extract_strided_slice %get3A_14 {offsets = [0, 6656], sizes = [1, 128], strides = [1, 1]} : vector<1x8192xf32> to vector<1x128xf32>
    %add3A_580 = vector.broadcast %slice3A_579 : vector<1x128xf32> to vector<128x128xf32>
    %add3A_581 = vector.broadcast %broadcast_in_dim3A : vector<128x1xf32> to vector<128x128xf32>
    %add3A_582 = arith.addf %add3A_580, %add3A_581 : vector<128x128xf32>
    %slice3A_583 = vector.extract_strided_slice %dot_general3A_10 {offsets = [0, 6656], sizes = [128, 128], strides = [1, 1]} : vector<128x8192xf32> to vector<128x128xf32>
    %add3A_584 = arith.addf %add3A_582, %slice3A_583 : vector<128x128xf32>
    %lt3A_585 = arith.cmpf olt, %add3A_584, %select_n3A_578 : vector<128x128xf32>
    %jit3A_586 = arith.constant 5.200000e+01 : f32
    %broadcast_in_dim3A_587 = vector.broadcast %jit3A_586 : f32 to vector<128x128xf32>
    %select_n3A_588 = arith.select %lt3A_585, %broadcast_in_dim3A_587, %select_n3A_577 : vector<128x128xi1>, vector<128x128xf32>
    %select_n3A_589 = arith.select %lt3A_585, %add3A_584, %select_n3A_578 : vector<128x128xi1>, vector<128x128xf32>
    %slice3A_590 = vector.extract_strided_slice %get3A_14 {offsets = [0, 6784], sizes = [1, 128], strides = [1, 1]} : vector<1x8192xf32> to vector<1x128xf32>
    %add3A_591 = vector.broadcast %slice3A_590 : vector<1x128xf32> to vector<128x128xf32>
    %add3A_592 = vector.broadcast %broadcast_in_dim3A : vector<128x1xf32> to vector<128x128xf32>
    %add3A_593 = arith.addf %add3A_591, %add3A_592 : vector<128x128xf32>
    %slice3A_594 = vector.extract_strided_slice %dot_general3A_10 {offsets = [0, 6784], sizes = [128, 128], strides = [1, 1]} : vector<128x8192xf32> to vector<128x128xf32>
    %add3A_595 = arith.addf %add3A_593, %slice3A_594 : vector<128x128xf32>
    %lt3A_596 = arith.cmpf olt, %add3A_595, %select_n3A_589 : vector<128x128xf32>
    %jit3A_597 = arith.constant 5.300000e+01 : f32
    %broadcast_in_dim3A_598 = vector.broadcast %jit3A_597 : f32 to vector<128x128xf32>
    %select_n3A_599 = arith.select %lt3A_596, %broadcast_in_dim3A_598, %select_n3A_588 : vector<128x128xi1>, vector<128x128xf32>
    %select_n3A_600 = arith.select %lt3A_596, %add3A_595, %select_n3A_589 : vector<128x128xi1>, vector<128x128xf32>
    %slice3A_601 = vector.extract_strided_slice %get3A_14 {offsets = [0, 6912], sizes = [1, 128], strides = [1, 1]} : vector<1x8192xf32> to vector<1x128xf32>
    %add3A_602 = vector.broadcast %slice3A_601 : vector<1x128xf32> to vector<128x128xf32>
    %add3A_603 = vector.broadcast %broadcast_in_dim3A : vector<128x1xf32> to vector<128x128xf32>
    %add3A_604 = arith.addf %add3A_602, %add3A_603 : vector<128x128xf32>
    %slice3A_605 = vector.extract_strided_slice %dot_general3A_10 {offsets = [0, 6912], sizes = [128, 128], strides = [1, 1]} : vector<128x8192xf32> to vector<128x128xf32>
    %add3A_606 = arith.addf %add3A_604, %slice3A_605 : vector<128x128xf32>
    %lt3A_607 = arith.cmpf olt, %add3A_606, %select_n3A_600 : vector<128x128xf32>
    %jit3A_608 = arith.constant 5.400000e+01 : f32
    %broadcast_in_dim3A_609 = vector.broadcast %jit3A_608 : f32 to vector<128x128xf32>
    %select_n3A_610 = arith.select %lt3A_607, %broadcast_in_dim3A_609, %select_n3A_599 : vector<128x128xi1>, vector<128x128xf32>
    %select_n3A_611 = arith.select %lt3A_607, %add3A_606, %select_n3A_600 : vector<128x128xi1>, vector<128x128xf32>
    %slice3A_612 = vector.extract_strided_slice %get3A_14 {offsets = [0, 7040], sizes = [1, 128], strides = [1, 1]} : vector<1x8192xf32> to vector<1x128xf32>
    %add3A_613 = vector.broadcast %slice3A_612 : vector<1x128xf32> to vector<128x128xf32>
    %add3A_614 = vector.broadcast %broadcast_in_dim3A : vector<128x1xf32> to vector<128x128xf32>
    %add3A_615 = arith.addf %add3A_613, %add3A_614 : vector<128x128xf32>
    %slice3A_616 = vector.extract_strided_slice %dot_general3A_10 {offsets = [0, 7040], sizes = [128, 128], strides = [1, 1]} : vector<128x8192xf32> to vector<128x128xf32>
    %add3A_617 = arith.addf %add3A_615, %slice3A_616 : vector<128x128xf32>
    %lt3A_618 = arith.cmpf olt, %add3A_617, %select_n3A_611 : vector<128x128xf32>
    %jit3A_619 = arith.constant 5.500000e+01 : f32
    %broadcast_in_dim3A_620 = vector.broadcast %jit3A_619 : f32 to vector<128x128xf32>
    %select_n3A_621 = arith.select %lt3A_618, %broadcast_in_dim3A_620, %select_n3A_610 : vector<128x128xi1>, vector<128x128xf32>
    %select_n3A_622 = arith.select %lt3A_618, %add3A_617, %select_n3A_611 : vector<128x128xi1>, vector<128x128xf32>
    %slice3A_623 = vector.extract_strided_slice %get3A_14 {offsets = [0, 7168], sizes = [1, 128], strides = [1, 1]} : vector<1x8192xf32> to vector<1x128xf32>
    %add3A_624 = vector.broadcast %slice3A_623 : vector<1x128xf32> to vector<128x128xf32>
    %add3A_625 = vector.broadcast %broadcast_in_dim3A : vector<128x1xf32> to vector<128x128xf32>
    %add3A_626 = arith.addf %add3A_624, %add3A_625 : vector<128x128xf32>
    %slice3A_627 = vector.extract_strided_slice %dot_general3A_10 {offsets = [0, 7168], sizes = [128, 128], strides = [1, 1]} : vector<128x8192xf32> to vector<128x128xf32>
    %add3A_628 = arith.addf %add3A_626, %slice3A_627 : vector<128x128xf32>
    %lt3A_629 = arith.cmpf olt, %add3A_628, %select_n3A_622 : vector<128x128xf32>
    %jit3A_630 = arith.constant 5.600000e+01 : f32
    %broadcast_in_dim3A_631 = vector.broadcast %jit3A_630 : f32 to vector<128x128xf32>
    %select_n3A_632 = arith.select %lt3A_629, %broadcast_in_dim3A_631, %select_n3A_621 : vector<128x128xi1>, vector<128x128xf32>
    %select_n3A_633 = arith.select %lt3A_629, %add3A_628, %select_n3A_622 : vector<128x128xi1>, vector<128x128xf32>
    %slice3A_634 = vector.extract_strided_slice %get3A_14 {offsets = [0, 7296], sizes = [1, 128], strides = [1, 1]} : vector<1x8192xf32> to vector<1x128xf32>
    %add3A_635 = vector.broadcast %slice3A_634 : vector<1x128xf32> to vector<128x128xf32>
    %add3A_636 = vector.broadcast %broadcast_in_dim3A : vector<128x1xf32> to vector<128x128xf32>
    %add3A_637 = arith.addf %add3A_635, %add3A_636 : vector<128x128xf32>
    %slice3A_638 = vector.extract_strided_slice %dot_general3A_10 {offsets = [0, 7296], sizes = [128, 128], strides = [1, 1]} : vector<128x8192xf32> to vector<128x128xf32>
    %add3A_639 = arith.addf %add3A_637, %slice3A_638 : vector<128x128xf32>
    %lt3A_640 = arith.cmpf olt, %add3A_639, %select_n3A_633 : vector<128x128xf32>
    %jit3A_641 = arith.constant 5.700000e+01 : f32
    %broadcast_in_dim3A_642 = vector.broadcast %jit3A_641 : f32 to vector<128x128xf32>
    %select_n3A_643 = arith.select %lt3A_640, %broadcast_in_dim3A_642, %select_n3A_632 : vector<128x128xi1>, vector<128x128xf32>
    %select_n3A_644 = arith.select %lt3A_640, %add3A_639, %select_n3A_633 : vector<128x128xi1>, vector<128x128xf32>
    %slice3A_645 = vector.extract_strided_slice %get3A_14 {offsets = [0, 7424], sizes = [1, 128], strides = [1, 1]} : vector<1x8192xf32> to vector<1x128xf32>
    %add3A_646 = vector.broadcast %slice3A_645 : vector<1x128xf32> to vector<128x128xf32>
    %add3A_647 = vector.broadcast %broadcast_in_dim3A : vector<128x1xf32> to vector<128x128xf32>
    %add3A_648 = arith.addf %add3A_646, %add3A_647 : vector<128x128xf32>
    %slice3A_649 = vector.extract_strided_slice %dot_general3A_10 {offsets = [0, 7424], sizes = [128, 128], strides = [1, 1]} : vector<128x8192xf32> to vector<128x128xf32>
    %add3A_650 = arith.addf %add3A_648, %slice3A_649 : vector<128x128xf32>
    %lt3A_651 = arith.cmpf olt, %add3A_650, %select_n3A_644 : vector<128x128xf32>
    %jit3A_652 = arith.constant 5.800000e+01 : f32
    %broadcast_in_dim3A_653 = vector.broadcast %jit3A_652 : f32 to vector<128x128xf32>
    %select_n3A_654 = arith.select %lt3A_651, %broadcast_in_dim3A_653, %select_n3A_643 : vector<128x128xi1>, vector<128x128xf32>
    %select_n3A_655 = arith.select %lt3A_651, %add3A_650, %select_n3A_644 : vector<128x128xi1>, vector<128x128xf32>
    %slice3A_656 = vector.extract_strided_slice %get3A_14 {offsets = [0, 7552], sizes = [1, 128], strides = [1, 1]} : vector<1x8192xf32> to vector<1x128xf32>
    %add3A_657 = vector.broadcast %slice3A_656 : vector<1x128xf32> to vector<128x128xf32>
    %add3A_658 = vector.broadcast %broadcast_in_dim3A : vector<128x1xf32> to vector<128x128xf32>
    %add3A_659 = arith.addf %add3A_657, %add3A_658 : vector<128x128xf32>
    %slice3A_660 = vector.extract_strided_slice %dot_general3A_10 {offsets = [0, 7552], sizes = [128, 128], strides = [1, 1]} : vector<128x8192xf32> to vector<128x128xf32>
    %add3A_661 = arith.addf %add3A_659, %slice3A_660 : vector<128x128xf32>
    %lt3A_662 = arith.cmpf olt, %add3A_661, %select_n3A_655 : vector<128x128xf32>
    %jit3A_663 = arith.constant 5.900000e+01 : f32
    %broadcast_in_dim3A_664 = vector.broadcast %jit3A_663 : f32 to vector<128x128xf32>
    %select_n3A_665 = arith.select %lt3A_662, %broadcast_in_dim3A_664, %select_n3A_654 : vector<128x128xi1>, vector<128x128xf32>
    %select_n3A_666 = arith.select %lt3A_662, %add3A_661, %select_n3A_655 : vector<128x128xi1>, vector<128x128xf32>
    %slice3A_667 = vector.extract_strided_slice %get3A_14 {offsets = [0, 7680], sizes = [1, 128], strides = [1, 1]} : vector<1x8192xf32> to vector<1x128xf32>
    %add3A_668 = vector.broadcast %slice3A_667 : vector<1x128xf32> to vector<128x128xf32>
    %add3A_669 = vector.broadcast %broadcast_in_dim3A : vector<128x1xf32> to vector<128x128xf32>
    %add3A_670 = arith.addf %add3A_668, %add3A_669 : vector<128x128xf32>
    %slice3A_671 = vector.extract_strided_slice %dot_general3A_10 {offsets = [0, 7680], sizes = [128, 128], strides = [1, 1]} : vector<128x8192xf32> to vector<128x128xf32>
    %add3A_672 = arith.addf %add3A_670, %slice3A_671 : vector<128x128xf32>
    %lt3A_673 = arith.cmpf olt, %add3A_672, %select_n3A_666 : vector<128x128xf32>
    %jit3A_674 = arith.constant 6.000000e+01 : f32
    %broadcast_in_dim3A_675 = vector.broadcast %jit3A_674 : f32 to vector<128x128xf32>
    %select_n3A_676 = arith.select %lt3A_673, %broadcast_in_dim3A_675, %select_n3A_665 : vector<128x128xi1>, vector<128x128xf32>
    %select_n3A_677 = arith.select %lt3A_673, %add3A_672, %select_n3A_666 : vector<128x128xi1>, vector<128x128xf32>
    %slice3A_678 = vector.extract_strided_slice %get3A_14 {offsets = [0, 7808], sizes = [1, 128], strides = [1, 1]} : vector<1x8192xf32> to vector<1x128xf32>
    %add3A_679 = vector.broadcast %slice3A_678 : vector<1x128xf32> to vector<128x128xf32>
    %add3A_680 = vector.broadcast %broadcast_in_dim3A : vector<128x1xf32> to vector<128x128xf32>
    %add3A_681 = arith.addf %add3A_679, %add3A_680 : vector<128x128xf32>
    %slice3A_682 = vector.extract_strided_slice %dot_general3A_10 {offsets = [0, 7808], sizes = [128, 128], strides = [1, 1]} : vector<128x8192xf32> to vector<128x128xf32>
    %add3A_683 = arith.addf %add3A_681, %slice3A_682 : vector<128x128xf32>
    %lt3A_684 = arith.cmpf olt, %add3A_683, %select_n3A_677 : vector<128x128xf32>
    %jit3A_685 = arith.constant 6.100000e+01 : f32
    %broadcast_in_dim3A_686 = vector.broadcast %jit3A_685 : f32 to vector<128x128xf32>
    %select_n3A_687 = arith.select %lt3A_684, %broadcast_in_dim3A_686, %select_n3A_676 : vector<128x128xi1>, vector<128x128xf32>
    %select_n3A_688 = arith.select %lt3A_684, %add3A_683, %select_n3A_677 : vector<128x128xi1>, vector<128x128xf32>
    %slice3A_689 = vector.extract_strided_slice %get3A_14 {offsets = [0, 7936], sizes = [1, 128], strides = [1, 1]} : vector<1x8192xf32> to vector<1x128xf32>
    %add3A_690 = vector.broadcast %slice3A_689 : vector<1x128xf32> to vector<128x128xf32>
    %add3A_691 = vector.broadcast %broadcast_in_dim3A : vector<128x1xf32> to vector<128x128xf32>
    %add3A_692 = arith.addf %add3A_690, %add3A_691 : vector<128x128xf32>
    %slice3A_693 = vector.extract_strided_slice %dot_general3A_10 {offsets = [0, 7936], sizes = [128, 128], strides = [1, 1]} : vector<128x8192xf32> to vector<128x128xf32>
    %add3A_694 = arith.addf %add3A_692, %slice3A_693 : vector<128x128xf32>
    %lt3A_695 = arith.cmpf olt, %add3A_694, %select_n3A_688 : vector<128x128xf32>
    %jit3A_696 = arith.constant 6.200000e+01 : f32
    %broadcast_in_dim3A_697 = vector.broadcast %jit3A_696 : f32 to vector<128x128xf32>
    %select_n3A_698 = arith.select %lt3A_695, %broadcast_in_dim3A_697, %select_n3A_687 : vector<128x128xi1>, vector<128x128xf32>
    %select_n3A_699 = arith.select %lt3A_695, %add3A_694, %select_n3A_688 : vector<128x128xi1>, vector<128x128xf32>
    %slice3A_700 = vector.extract_strided_slice %get3A_14 {offsets = [0, 8064], sizes = [1, 128], strides = [1, 1]} : vector<1x8192xf32> to vector<1x128xf32>
    %add3A_701 = vector.broadcast %slice3A_700 : vector<1x128xf32> to vector<128x128xf32>
    %add3A_702 = vector.broadcast %broadcast_in_dim3A : vector<128x1xf32> to vector<128x128xf32>
    %add3A_703 = arith.addf %add3A_701, %add3A_702 : vector<128x128xf32>
    %slice3A_704 = vector.extract_strided_slice %dot_general3A_10 {offsets = [0, 8064], sizes = [128, 128], strides = [1, 1]} : vector<128x8192xf32> to vector<128x128xf32>
    %add3A_705 = arith.addf %add3A_703, %slice3A_704 : vector<128x128xf32>
    %lt3A_706 = arith.cmpf olt, %add3A_705, %select_n3A_699 : vector<128x128xf32>
    %jit3A_707 = arith.constant 6.300000e+01 : f32
    %broadcast_in_dim3A_708 = vector.broadcast %jit3A_707 : f32 to vector<128x128xf32>
    %select_n3A_709 = arith.select %lt3A_706, %broadcast_in_dim3A_708, %select_n3A_698 : vector<128x128xi1>, vector<128x128xf32>
    %select_n3A_710 = arith.select %lt3A_706, %add3A_705, %select_n3A_699 : vector<128x128xi1>, vector<128x128xf32>
    %iota3A = tpu.iota {dimensions = array<i32: 1>} : vector<128x128xi32>
    %convert_element_type3A = arith.sitofp %iota3A : vector<128x128xi32> to vector<128x128xf32>
    %mul3A_711 = arith.constant 1.280000e+02 : f32
    %mul3A_712 = vector.broadcast %mul3A_711 : f32 to vector<128x128xf32>
    %mul3A_713 = arith.mulf %select_n3A_709, %mul3A_712 : vector<128x128xf32>
    %add3A_714 = arith.addf %mul3A_713, %convert_element_type3A : vector<128x128xf32>
    %reduce_min3A = arith.constant dense<0x7F800000> : vector<128xf32>
    %reduce_min3A_715 = vector.multi_reduction <minimumf>, %select_n3A_710, %reduce_min3A [1] : vector<128x128xf32> to vector<128xf32>
    %broadcast_in_dim3A_716 = vector.shape_cast %reduce_min3A_715 : vector<128xf32> to vector<128x1xf32>
    %eq3A = vector.broadcast %broadcast_in_dim3A_716 : vector<128x1xf32> to vector<128x128xf32>
    %eq3A_717 = arith.cmpf oeq, %select_n3A_710, %eq3A : vector<128x128xf32>
    %jit3A_718 = arith.constant 8.192000e+03 : f32
    %broadcast_in_dim3A_719 = vector.broadcast %jit3A_718 : f32 to vector<128x128xf32>
    %select_n3A_720 = arith.select %eq3A_717, %add3A_714, %broadcast_in_dim3A_719 : vector<128x128xi1>, vector<128x128xf32>
    %reduce_min3A_721 = arith.constant dense<0x7F800000> : vector<128xf32>
    %reduce_min3A_722 = vector.multi_reduction <minimumf>, %select_n3A_720, %reduce_min3A_721 [1] : vector<128x128xf32> to vector<128xf32>
    %broadcast_in_dim3A_723 = vector.shape_cast %reduce_min3A_722 : vector<128xf32> to vector<128x1xf32>
    %convert_element_type3A_724 = arith.fptosi %broadcast_in_dim3A_723 : vector<128x1xf32> to vector<128x1xi32>
    %transpose3A = tpu.transpose %convert_element_type3A_724, [1, 0] : vector<128x1xi32> -> vector<1x128xi32>
    %reshape3A = vector.shape_cast %transpose3A : vector<1x128xi32> to vector<1x1x128xi32>
    %swap3A_725 = arith.constant 0 : index
    %swap3A_726 = arith.constant 0 : index
    %swap3A_727 = arith.constant 0 : index
    %swap3A_728 = vector.load %arg5[%swap3A_725, %swap3A_726, %swap3A_727] : memref<1x1x128xi32, #tpu.memory_space<vmem>>, vector<1x1x128xi32>
    tpu.vector_store %arg5[%swap3A_725, %swap3A_726, %swap3A_727], %reshape3A {strides = array<i32>} : memref<1x1x128xi32, #tpu.memory_space<vmem>>, vector<1x1x128xi32>,
    return
  }
  func.func @transform_0(%arg0: i32) -> (i32, i32) {
    %c0_i32 = arith.constant 0 : i32
    %c0_i32_0 = arith.constant 0 : i32
    return %arg0, %c0_i32 : i32, i32
  }
  func.func @transform_1(%arg0: i32) -> (i32, i32) {
    %c0_i32 = arith.constant 0 : i32
    %c0_i32_0 = arith.constant 0 : i32
    return %arg0, %c0_i32 : i32, i32
  }
  func.func @transform_2(%arg0: i32) -> (i32, i32) {
    %c0_i32 = arith.constant 0 : i32
    %c0_i32_0 = arith.constant 0 : i32
    %c0_i32_1 = arith.constant 0 : i32
    return %c0_i32, %c0_i32_0 : i32, i32
  }
  func.func @transform_3(%arg0: i32) -> (i32, i32) {
    %c0_i32 = arith.constant 0 : i32
    %c0_i32_0 = arith.constant 0 : i32
    %c0_i32_1 = arith.constant 0 : i32
    return %c0_i32, %c0_i32_0 : i32, i32
  }
  func.func @transform_4(%arg0: i32) -> (i32, i32, i32) {
    %c0_i32 = arith.constant 0 : i32
    %c0_i32_0 = arith.constant 0 : i32
    %c0_i32_1 = arith.constant 0 : i32
    return %arg0, %c0_i32, %c0_i32_0 : i32, i32, i32
  }
  func.func @transform_5(%arg0: i32) -> (i32, i32) {
    %c0_i32 = arith.constant 0 : i32
    %c0_i32_0 = arith.constant 0 : i32
    return %arg0, %c0_i32 : i32, i32
  }
}

module attributes {stable_mosaic.version = 14 : i64} {
  func.func @_final_body(%arg0: i32, %arg1: memref<2048x64xf32, #tpu.memory_space<vmem>>, %arg2: memref<2048x64xf32, #tpu.memory_space<vmem>>, %arg3: memref<2048x64xf32, #tpu.memory_space<vmem>>, %arg4: memref<2048x64xf32, #tpu.memory_space<vmem>>) attributes {dimension_semantics = [#tpu.dimension_semantics<arbitrary>], iteration_bounds = array<i64: 4>, scalar_prefetch = 0 : i64, scratch_operands = 0 : i64, tpu.core_type = #tpu.core_type<tc>, window_params = [{transform_indices = @transform_0, window_bounds = array<i64: 2048, 64>}, {transform_indices = @transform_1, window_bounds = array<i64: 2048, 64>}, {transform_indices = @transform_2, window_bounds = array<i64: 2048, 64>}, {transform_indices = @transform_3, window_bounds = array<i64: 2048, 64>}]} {
    %get3A = arith.constant 0 : index
    %get3A_0 = arith.constant 0 : index
    %get3A_1 = vector.load %arg1[%get3A, %get3A_0] : memref<2048x64xf32, #tpu.memory_space<vmem>>, vector<2048x64xf32>
    %get3A_2 = arith.constant 0 : index
    %get3A_3 = arith.constant 0 : index
    %get3A_4 = vector.load %arg2[%get3A_2, %get3A_3] : memref<2048x64xf32, #tpu.memory_space<vmem>>, vector<2048x64xf32>
    %get3A_5 = arith.constant 0 : index
    %get3A_6 = arith.constant 0 : index
    %get3A_7 = vector.load %arg3[%get3A_5, %get3A_6] : memref<2048x64xf32, #tpu.memory_space<vmem>>, vector<2048x64xf32>
    %sub3A = arith.subf %get3A_4, %get3A_7 : vector<2048x64xf32>
    %sub3A_8 = arith.subf %get3A_1, %sub3A : vector<2048x64xf32>
    %sub3A_9 = arith.subf %sub3A_8, %get3A_1 : vector<2048x64xf32>
    %add3A = arith.addf %get3A_1, %sub3A_9 : vector<2048x64xf32>
    %swap3A = arith.constant 0 : index
    %swap3A_10 = arith.constant 0 : index
    %swap3A_11 = vector.load %arg4[%swap3A, %swap3A_10] : memref<2048x64xf32, #tpu.memory_space<vmem>>, vector<2048x64xf32>
    tpu.vector_store %arg4[%swap3A, %swap3A_10], %add3A {strides = array<i32>} : memref<2048x64xf32, #tpu.memory_space<vmem>>, vector<2048x64xf32>,
    return
  }
  func.func @transform_0(%arg0: i32) -> (i32, i32) {
    %c0_i32 = arith.constant 0 : i32
    %c0_i32_0 = arith.constant 0 : i32
    return %arg0, %c0_i32 : i32, i32
  }
  func.func @transform_1(%arg0: i32) -> (i32, i32) {
    %c0_i32 = arith.constant 0 : i32
    %c0_i32_0 = arith.constant 0 : i32
    return %arg0, %c0_i32 : i32, i32
  }
  func.func @transform_2(%arg0: i32) -> (i32, i32) {
    %c0_i32 = arith.constant 0 : i32
    %c0_i32_0 = arith.constant 0 : i32
    return %arg0, %c0_i32 : i32, i32
  }
  func.func @transform_3(%arg0: i32) -> (i32, i32) {
    %c0_i32 = arith.constant 0 : i32
    %c0_i32_0 = arith.constant 0 : i32
    return %arg0, %c0_i32 : i32, i32
  }
}

</mosaic_0001>

<sc_bundles>
// kernel: _run.11.cloned.1.call-start
scs
__scs_entry_jumppad:
0x0: {  	(pc) =	sbr.rel $0x88, $3  }
0x1: {  	(tag) =	ssettag $0x0;
	lr =	simm.s32 $0x1  }
0x2: {  	[smem:$0x3F9D] =	sst lr;
	_ =	strace $0xD0000000  }
0x3: {  	_ = 	snop  }
0x4: {  	_ = 	snop  }
0x5: {  	_ = 	snop  }
0x6: {  	_ = 	snop  }
0x7: {  	_ = 	snop  }
__scs_overlays_trampoline_lowered:
0x8: {  	[smem:$0x3FAC] =	sst s0  }
0x9: {  	[smem:$0x3FAD] =	sst s1  }
0xa: {  	[smem:$0x3FAE] =	sst s2  }
0xb: {  	[smem:$0x3FAF] =	sst s3  }
0xc: {  	[smem:$0x3FB0] =	sst s4  }
0xd: {  	[smem:$0x3FB1] =	sst s5  }
0xe: {  	[smem:$0x3FB2] =	sst s6  }
0xf: {  	[smem:$0x3FB3] =	sst s7  }
0x10: {  	[smem:$0x3FB4] =	sst s8  }
0x11: {  	[smem:$0x3FB5] =	sst s9;
	s0 =	simm.s32 @!p0 $0x0  }
0x12: {  	s1 =	sld [smem:$0x3F9B];
	s0 =	simm.s32 @p0 $0x1  }
0x13: {  	[smem:$0x3FB6] =	sst s0;
	s0 =	simm.s32 @!p1 $0x0  }
0x14: {  	s2 =	sld [smem:$0x3F9A];
	s0 =	simm.s32 @p1 $0x1  }
0x15: {  	[smem:$0x3FB7] =	sst s0;
	s0 =	simm.s32 @!p2 $0x0  }
0x16: {  	s3 =	sld [smem:$0x3FDB];
	s0 =	simm.s32 @p2 $0x1  }
0x17: {  	s4 =	simm.s32 $0x1BF5;
	[smem:$0x3FB9] =	sst s0  }
0x18: {  	s0 =	sld [smem:$0x3F9C];
	_ =	swait.ge [sflag:s4], $0x0  }
0x19: {  	s7 =	sld [smem:$0x3F9D]  }
0x1a: {  	s8 =	sadd.s32 $0xFFFFE003, lr  }
0x1b: {  	s9 =	sadd.s32 $0xFFFFFEF7, lr;
	s5 =	simm.s32 $0xFFFFFFFF;
	p2 =	slt.u32 s8, $0xFFFFF086  }
0x1c: {  	p1 =	slt.u32 s9, $0xF7A;
	s5 =	simm.s32 @!p2 $0x0  }
0x1d: {  	s5 =	simm.s32 @p1 $0x1;
	p0 =	seq.s32 s7, s2  }
0x1e: {  	s7 =	smul.u32 @!p0 $0xF7A, s2;
	p2 =	seq.s32 @!p0 s5, $0x0  }
0x1f: {  	s9 =	smul.u32 $0xF7A, s1;
	s8 =	simm.s32 @!p0 $0x1BF5;
	p2 =	por !p2, p0  }
0x20: {  	[sflag:s8] =	ssyncset.s32 @!p0 $0xFFFFF086;
	s6 =	sadd.s32 @!p0 s3, s7;
	s7 =	simm.s32 @!p0 $0x108  }
0x21: {  	s3 =	sadd.s32 s3, s9;
	s6 =	sadd.s32 @!p0 $0x88, s6;
	s7 =	simm.s32 @p2 $0x1082  }
0x22: {  	[simem:s7], [sflag:s8] =	dma.local @!p0 [hbm:s6], $0xF7A  }
0x23: {  	s9 =	sor.u32 $0xD0000000, s2;
	s6 =	simm.s32 $0x108;
	_ =	swait.ge @!p0 [sflag:s8], $0x0  }
0x24: {  	s3 =	sadd.s32 $0x88, s3;
	s6 =	simm.s32 @!p1 $0x1082;
	[sflag:s4] =	ssyncset.s32 $0xFFFFF086  }
0x25: {  	[simem:s6], [sflag:s4] =	dma.local [hbm:s3], $0xF7A  }
0x26: {  	[smem:$0x3F9D] =	sst s1;
	(tag) =	ssettag s2;
	_ =	strace s9  }
0x27: {  	s1 =	sld [smem:$0x3FAD]  }
0x28: {  	s2 =	sld [smem:$0x3FAE]  }
0x29: {  	s4 =	sld [smem:$0x3FB0]  }
0x2a: {  	p0 =	seq.s32 s5, $0x0;
	s5 =	sld [smem:$0x3FB1]  }
0x2b: {  	s6 =	sld [smem:$0x3FB2]  }
0x2c: {  	s7 =	sld [smem:$0x3FB3]  }
0x2d: {  	s3 =	simm.s32 $0x108;
	s8 =	sld [smem:$0x3FB4]  }
0x2e: {  	s3 =	simm.s32 @!p0 $0x1082;
	s9 =	sld [smem:$0x3FB5]  }
0x2f: {  	lr =	sadd.s32 s0, s3;
	s0 =	sld [smem:$0x3FAC]  }
0x30: {  	s3 =	sld [smem:$0x3FAF]  }
0x31: {  	[smem:$0x3FB8] =	sst s10  }
0x32: {  	s10 =	sld [smem:$0x3FB6];
	_ =	sdelay $0x3  }
0x33: {  	p0 =	seq.s32 s10, $0x1;
	s10 =	sld [smem:$0x3FB8];
	_ =	sdelay $0x3  }
0x34: {  	[smem:$0x3FB8] =	sst s10  }
0x35: {  	s10 =	sld [smem:$0x3FB7];
	_ =	sdelay $0x3  }
0x36: {  	p1 =	seq.s32 s10, $0x1;
	s10 =	sld [smem:$0x3FB8];
	_ =	sdelay $0x3  }
0x37: {  	[smem:$0x3FB8] =	sst s10  }
0x38: {  	s10 =	sld [smem:$0x3FB9]  }
0x39: {  	_ = 	snop;
	(pc) =	sbr.ind lr, $3  }
0x3a: {  	_ = 	snop  }
0x3b: {  	_ = 	snop  }
0x3c: {  	p2 =	seq.s32 s10, $0x1;
	s10 =	sld [smem:$0x3FB8]  }
0x3d: {  	_ =	shalt  }
0x3e: {  	_ =	shalt  }
0x3f: {  	_ =	shalt  }
0x40: {  	_ =	shalt  }
0x41: {  	_ =	shalt  }
0x42: {  	_ =	shalt  }
0x43: {  	_ =	shalt  }
0x44: {  	_ =	shalt  }
0x45: {  	_ =	shalt  }
0x46: {  	_ =	shalt  }
0x47: {  	_ =	shalt  }
0x48: {  	_ =	shalt  }
0x49: {  	_ =	shalt  }
0x4a: {  	_ =	shalt  }
0x4b: {  	_ =	shalt  }
0x4c: {  	_ =	shalt  }
0x4d: {  	_ =	shalt  }
0x4e: {  	_ =	shalt  }
0x4f: {  	_ =	shalt  }
0x50: {  	_ =	shalt  }
0x51: {  	_ =	shalt  }
0x52: {  	_ =	shalt  }
0x53: {  	_ =	shalt  }
0x54: {  	_ =	shalt  }
0x55: {  	_ =	shalt  }
0x56: {  	_ =	shalt  }
0x57: {  	_ =	shalt  }
0x58: {  	_ =	shalt  }
0x59: {  	_ =	shalt  }
0x5a: {  	_ =	shalt  }
0x5b: {  	_ =	shalt  }
0x5c: {  	_ =	shalt  }
0x5d: {  	_ =	shalt  }
0x5e: {  	_ =	shalt  }
0x5f: {  	_ =	shalt  }
0x60: {  	_ =	shalt  }
0x61: {  	_ =	shalt  }
0x62: {  	_ =	shalt  }
0x63: {  	_ =	shalt  }
0x64: {  	_ =	shalt  }
0x65: {  	_ =	shalt  }
0x66: {  	_ =	shalt  }
0x67: {  	_ =	shalt  }
0x68: {  	_ =	shalt  }
0x69: {  	_ =	shalt  }
0x6a: {  	_ =	shalt  }
0x6b: {  	_ =	shalt  }
0x6c: {  	_ =	shalt  }
0x6d: {  	_ =	shalt  }
0x6e: {  	_ =	shalt  }
0x6f: {  	_ =	shalt  }
0x70: {  	_ =	shalt  }
0x71: {  	_ =	shalt  }
0x72: {  	_ =	shalt  }
0x73: {  	_ =	shalt  }
0x74: {  	_ =	shalt  }
0x75: {  	_ =	shalt  }
0x76: {  	_ =	shalt  }
0x77: {  	_ =	shalt  }
0x78: {  	_ =	shalt  }
0x79: {  	_ =	shalt  }
0x7a: {  	_ =	shalt  }
0x7b: {  	_ =	shalt  }
0x7c: {  	_ =	shalt  }
0x7d: {  	_ =	shalt  }
0x7e: {  	_ =	shalt  }
0x7f: {  	_ =	shalt  }
0x80: {  	_ =	shalt  }
0x81: {  	_ =	shalt  }
0x82: {  	_ =	shalt  }
0x83: {  	_ =	shalt  }
0x84: {  	_ =	shalt  }
0x85: {  	_ =	shalt  }
0x86: {  	_ =	shalt  }
0x87: {  	_ =	shalt  }
.Lfunc_end0:
.L_simem_size_0:
called_computation_lowered:
.L_overlay_start_0:
0x88: {  	s2 =	sld [smem:$0x3FD9]  }
0x89: {  	s3 =	sld [smem:$0x3FFE];
	_ =	sdelay $0x1  }
0x8a: {  	s1 =	srdreg.scid  }
0x8b: {  	s0 =	sand.u32 $0x1, s1  }
0x8c: {  	s14 =	sshll.u32 s0, $0xA;
	s2 =	sadd.s32 s3, s2  }
0x8d: {  	s2 =	sadd.s32 s2, s14  }
0x8e: {  	[smem:$0x3FC4] =	sst s2  }
0x8f: {  	_ = 	snop  }
0x90: {  	s2 =	sld [smem:$0x3FD0];
	_ =	sdelay $0x2  }
0x91: {  	s15 =	simm.s32 $0xA;
	s4 =	simm.s32 $0x10  }
0x92: {  	[smem:s4], [sflag:s15] =	dma.local [hbm:s2], $0x1  }
0x93: {  	_ =	swait.eq [sflag:s15], $0x1  }
0x94: {  	[sflag:s15] =	ssyncset.done $0x0  }
0x95: {  	s16 =	sld [smem:$0x10];
	[sflag:s15] =	ssyncadd.s32 $0xFFFFFFFF  }
0x96: {  	s17 =	sld [smem:$0x11];
	(tm) =	ssettm $0x1  }
0x97: {  	s18 =	sld [smem:$0x3FFB];
	_ =	sdelay $0x3  }
0x98: {  	_ =	strace s18  }
0x99: {  	s4 =	sld [smem:$0x3FFC];
	_ =	sdelay $0x3  }
0x9a: {  	_ =	strace s4  }
0x9b: {  	s4 =	sld [smem:$0x3FFD];
	_ =	sdelay $0x3  }
0x9c: {  	_ =	strace s4  }
0x9d: {  	_ =	strace $0x8FFFFFFF  }
0x9e: {  	s19 =	sld [smem:$0x3FDB];
	_ =	sdelay $0x1  }
0x9f: {  	s5 =	simm.s32 $_scs_section_size  }
0xa0: {  	s6 =	simm.s32 $_size__tile_overlayer_lowered;
	s7 =	simm.s32 $_tile_overlayer_lowered  }
0xa1: {  	s22 =	simm.s32 $0x1BFF;
	s21 =	sshll.u32 s7, $0x1;
	s4 =	sadd.s32 s5, s19  }
0xa2: {  	s8 =	simm.s32 $0x0;
	s20 =	sshll.u32 s6, $0x1;
	s6 =	sadd.s32 s21, s4  }
0xa3: {  	[timem:s8], [sflag:s22] =	dma.local [hbm:s6], s20  }
0xa4: {  	_ =	swait.ge [sflag:s22], s20  }
0xa5: {  	s5 =	ssub.s32 $0x0, s20;
	[sflag:s22] =	ssyncset.done $0x0  }
0xa6: {  	[sflag:s22] =	ssyncadd.s32 s5;
	_ =	sdelay $0x1  }
0xa7: {  	s23 =	simm.s32 $0x1B8B  }
0xa8: {  	_ =	swait.ge [sflag:s23], $0x1  }
0xa9: {  	[sflag:s23] =	ssyncset.done $0x0  }
0xaa: {  	s25 =	simm.s32 $0x1B8E;
	s24 =	sld [smem:$0x3FFE];
	[sflag:s23] =	ssyncadd.s32 $0xFFFFFFFF  }
0xab: {  	s26 =	simm.s32 $execute0_lowered;
	[smem:$0x3FD2] =	sst s25  }
0xac: {  	s6 =	sshll.u32 s26, $0x1;
	_ =	strace $0x80000046;
	[dreg:$0x1] =	wrdreg $0xFFFFFFFF  }
0xad: {  	s28 =	simm.s32 $_size_execute0_lowered;
	s4 =	sadd.s32 s4, s6;
	[dreg:$0x0] =	wrdreg $0x0  }
0xae: {  	s6 =	sshll.u32 s28, $0x1;
	[dreg:$0x2] =	wrdreg s4  }
0xaf: {  	[dreg:$0x3] =	wrdreg s6  }
0xb0: {  	[dreg:$0x4] =	wrdreg $0xC0  }
0xb1: {  	_ =	task [dreg:s8], $0x5FFFF  }
0xb2: {  	[dreg:$0x1] =	wrdreg $0xFFFFFFFF  }
0xb3: {  	[dreg:$0x0] =	wrdreg $0x60  }
0xb4: {  	[dreg:$0x2] =	wrdreg s16  }
0xb5: {  	[dreg:$0x3] =	wrdreg s17  }
0xb6: {  	[dreg:$0x4] =	wrdreg s24  }
0xb7: {  	[dreg:$0x5] =	wrdreg $0x9  }
0xb8: {  	_ =	task.clear_ibuf [dreg:s8], $0x6FFFF;
	_ =	strace $0x90000046  }
0xb9: {  	s29 =	simm.s32 $0x9;
	_ =	strace $0x80000048  }
0xba: {  	_ =	swait.ge [sflag:s29], $0x1  }
0xbb: {  	[sflag:s29] =	ssyncadd.s32 $0xFFFFFFFF  }
0xbc: {  	_ =	strace $0x90000048  }
0xbd: {  	_ =	sfence  }
0xbe: {  	s30 =	sld [smem:$0x0];
	_ =	sdelay $0x2  }
0xbf: {  	s31 =	sshll.u32 s1, $0xD;
	s1 =	sshrl.u32 s1, $0x2  }
0xc0: {  	s3 =	sand.u32 $0x4000, s31;
	s1 =	sadd.s32 s1, s30  }
0xc1: {  	s0 =	sor.u32 s3, s0;
	s1 =	sshll.u32 s1, $0x11  }
0xc2: {  	s0 =	sor.u32 s1, s0  }
0xc3: {  	s0 =	sadd.s32 $0x8F2B, s0  }
0xc4: {  	[sflag:s0] =	ssyncadd.remote.s32 $0x1  }
0xc5: {  	_ =	sfence.sel $0xFFFF  }
0xc6: {  	[dreg:$0x0] =	wrdreg $0xFFFFFFFF;
	(pc) =	sbr.abs _section_cstart, $3  }
0xc7: {  	[dreg:$0x1] =	wrdreg $0xFFFFFFFF  }
0xc8: {  	_ =	task.clear_ibuf [dreg:s8], $0x2FFFF;
	_ =	strace $0x9FFFFFFF  }
0xc9: {  	(tm) =	ssettm $0x7FFFFFFF  }
tec
execute0_lowered:
.L_overlay_start_1:
0x0: {  	(tag) =	ssettag $0x1  }
0x1: {  	s2 =	rddreg [dreg:$0x0]  }
0x2: {  	s4 =	rddreg [dreg:$0x1]  }
0x3: {  	s1 =	srdreg.scid;
	s0 =	stileid.u32  }
0x4: {  	s10 =	rddreg [dreg:$0x2];
	s11 =	sand.u32 $0x1, s1;
	s5 =	sshll.u32 s0, $0x1  }
0x5: {  	s3 =	simm.s32 $0x0;
	s1 =	rddreg [dreg:$0x3];
	s12 =	sor.u32 s11, s5  }
0x6: {  	[smem:$0x7FF] =	sst s3;
	s5 =	sshll.u32 s12, $0x5  }
0x7: {  	_ =	strace $0x80000047;
	s5 =	sadd.s32 s4, s5;
	s4 =	simm.s32 $0x2  }
0x8: {  	[tilespmem:s3], [sflag:$0x2] =	stream.linear.gather [hbm4b:s5+s3], $0x100, $0x38;
	[tilespmem:$0x4100] =	vst v63  }
0x9: {  	_ =	swait.ge [sflag:s4], $0x100  }
0xa: {  	[sflag:s4] =	ssyncset.done $0x0  }
0xb: {  	s6 =	simm.s32 $0x80;
	s7 =	simm.s32 $0x100;
	[sflag:s4] =	ssyncadd.s32 $0xFFFFFF00  }
0xc: {  	[tilespmem:s7], [sflag:$0x1] =	stream.indirect.gather [hbm4b:s2+s6], $0x40, s3, s6, $0xb8;
	[tilespmem:$0x4100] =	vst v63  }
0xd: {  	s8 =	simm.s32 $0x2100;
	s9 =	simm.s32 $0x1;
	s11 =	ssub.s32 $0x2, s11  }
0xe: {  	[tilespmem:s8], [sflag:$0x1] =	stream.indirect.gather [hbm4b:s2+s6], $0x40, s6, s6, $0xb8;
	[tilespmem:$0x4100] =	vst v63  }
0xf: {  	s13 =	sshrl.u32 s11, $0x1;
	_ =	swait.ge [sflag:s9], $0x2000  }
0x10: {  	s11 =	ssub.s32 s11, s13;
	[sflag:s9] =	ssyncset.done $0x0  }
0x11: {  	s11 =	smax.u32 s11, $0x1;
	[sflag:s9] =	ssyncadd.s32 $0xFFFFE000  }
0x12: {  	s12 =	sshll.u32 s12, $0xB;
	p0 =	sne.s32 s11, $0x1;
	_ =	swait.ge [sflag:s9], $0x2000  }
.Ltmp0:
0x13: {  	s10 =	sadd.s32 s12, s10;
	[sflag:s9] =	ssyncset.done $0x0;
	(pc) =	sbr.rel @!p0 .LBB2_2-.Ltmp0, $4  }
0x14: {  	s10 =	sadd.s32 $0x3600, s10;
	[sflag:s9] =	ssyncadd.s32 $0xFFFFE000  }
0x15: {  	[hbm4b:s10+s3] =	stream.linear.scatter [tilespmem:s7], [sflag:$0x2], $0x4000, $0x38;
	[tilespmem:$0x4100] =	vst v63  }
0x16: {  	_ =	swait.ge [sflag:s4], $0x4000  }
0x17: {  	s11 =	sadd.s32 $0xFFFFFFFF, s11;
	[sflag:s4] =	ssyncset.done $0x0  }
.LBB2_1:
0x18: {  	p0 =	sne.s32 s11, $0x1;
	s11 =	sadd.s32 $0xFFFFFFFF, s11;
	[sflag:s4] =	ssyncadd.s32 $0xFFFFC000  }
0x19: {  	[tilespmem:s3], [sflag:$0x2] =	stream.linear.gather [hbm4b:s5+s3], $0x100, $0x38;
	[tilespmem:$0x4100] =	vst v63  }
0x1a: {  	_ =	swait.ge [sflag:s4], $0x100  }
0x1b: {  	[sflag:s4] =	ssyncset.done $0x0  }
0x1c: {  	[sflag:s4] =	ssyncadd.s32 $0xFFFFFF00  }
0x1d: {  	[tilespmem:s7], [sflag:$0x1] =	stream.indirect.gather [hbm4b:s2+s6], $0x40, s3, s6, $0xb8;
	[tilespmem:$0x4100] =	vst v63  }
0x1e: {  	_ = 	snop  }
0x1f: {  	[tilespmem:s8], [sflag:$0x1] =	stream.indirect.gather [hbm4b:s2+s6], $0x40, s6, s6, $0xb8;
	[tilespmem:$0x4100] =	vst v63  }
0x20: {  	_ =	swait.ge [sflag:s9], $0x2000  }
0x21: {  	[sflag:s9] =	ssyncset.done $0x0  }
0x22: {  	[sflag:s9] =	ssyncadd.s32 $0xFFFFE000  }
0x23: {  	_ =	swait.ge [sflag:s9], $0x2000  }
.Ltmp1:
0x24: {  	[sflag:s9] =	ssyncset.done $0x0;
	(pc) =	sbr.rel @p0 .LBB2_1-.Ltmp1, $4  }
0x25: {  	[sflag:s9] =	ssyncadd.s32 $0xFFFFE000  }
0x26: {  	[hbm4b:s10+s3] =	stream.linear.scatter [tilespmem:s7], [sflag:$0x2], $0x4000, $0x38;
	[tilespmem:$0x4100] =	vst v63  }
0x27: {  	_ =	swait.ge [sflag:s4], $0x4000  }
0x28: {  	[sflag:s4] =	ssyncset.done $0x0  }
.LBB2_2:
0x29: {  	[sflag:s4] =	ssyncadd.s32 $0xFFFFC000  }
0x2a: {  	_ =	sfence.sel $0x180000  }
0x2b: {  	[bflag:$0x0] =	sbarrier.arrive $0xFFFF  }
0x2c: {  	p0 =	sne.s32 s0, $0x0;
	_ =	strace $0x90000047  }
0x2d: {  	s0 =	sadd.s32 @!p0 $0x100000, s1;
	[bflag:$0x2] =	sbarrier.arrive $0xFFFF  }
0x2e: {  	[sflag:s0] =	ssyncadd.tile.s32 @!p0 $0x1;
	_ =	shalt  }
.Lfunc_end2:
_tile_overlayer_lowered:
.L_overlay_start_2:
0x2f: {  	(tag) =	ssettag $0x2  }
0x30: {  	s0 =	rddreg [dreg:$0x0];
	s2 =	stileid.u32  }
0x31: {  	s1 =	rddreg [dreg:$0x1];
	p0 =	sne.s32 s2, $0x0  }
0x32: {  	s3 =	rddreg [dreg:$0x2];
	[bflag:$0x3] =	sbarrier.arrive $0xFFFF;
	s2 =	simm.s32 @!p0 $0x1C02  }
0x33: {  	[timem:s3], [sflag:s2] =	dma.local @!p0 [hbm:s0], s1  }
0x34: {  	s0 =	simm.s32 @!p0 $0x2  }
0x35: {  	_ =	swait.ge @!p0 [sflag:s0], s1  }
0x36: {  	s1 =	ssub.s32 @!p0 $0x0, s1;
	[sflag:s0] =	ssyncset.done @!p0 $0x0  }
0x37: {  	[sflag:s0] =	ssyncadd.s32 @!p0 s1  }
0x38: {  	[bflag:$0x3] =	sbarrier.arrive $0xFFFF  }
0x39: {  	_ =	shalt  }

// kernel: _run.14.cloned.1.call-start
scs
__scs_entry_jumppad:
0x0: {  	(pc) =	sbr.rel $0x88, $3  }
0x1: {  	(tag) =	ssettag $0x0;
	lr =	simm.s32 $0x1  }
0x2: {  	[smem:$0x3F9D] =	sst lr;
	_ =	strace $0xD0000000  }
0x3: {  	_ = 	snop  }
0x4: {  	_ = 	snop  }
0x5: {  	_ = 	snop  }
0x6: {  	_ = 	snop  }
0x7: {  	_ = 	snop  }
__scs_overlays_trampoline_lowered:
0x8: {  	[smem:$0x3FAC] =	sst s0  }
0x9: {  	[smem:$0x3FAD] =	sst s1  }
0xa: {  	[smem:$0x3FAE] =	sst s2  }
0xb: {  	[smem:$0x3FAF] =	sst s3  }
0xc: {  	[smem:$0x3FB0] =	sst s4  }
0xd: {  	[smem:$0x3FB1] =	sst s5  }
0xe: {  	[smem:$0x3FB2] =	sst s6  }
0xf: {  	[smem:$0x3FB3] =	sst s7  }
0x10: {  	[smem:$0x3FB4] =	sst s8  }
0x11: {  	[smem:$0x3FB5] =	sst s9;
	s0 =	simm.s32 @!p0 $0x0  }
0x12: {  	s1 =	sld [smem:$0x3F9B];
	s0 =	simm.s32 @p0 $0x1  }
0x13: {  	[smem:$0x3FB6] =	sst s0;
	s0 =	simm.s32 @!p1 $0x0  }
0x14: {  	s2 =	sld [smem:$0x3F9A];
	s0 =	simm.s32 @p1 $0x1  }
0x15: {  	[smem:$0x3FB7] =	sst s0;
	s0 =	simm.s32 @!p2 $0x0  }
0x16: {  	s3 =	sld [smem:$0x3FDB];
	s0 =	simm.s32 @p2 $0x1  }
0x17: {  	s4 =	simm.s32 $0x1BF5;
	[smem:$0x3FB9] =	sst s0  }
0x18: {  	s0 =	sld [smem:$0x3F9C];
	_ =	swait.ge [sflag:s4], $0x0  }
0x19: {  	s7 =	sld [smem:$0x3F9D]  }
0x1a: {  	s8 =	sadd.s32 $0xFFFFE003, lr  }
0x1b: {  	s9 =	sadd.s32 $0xFFFFFEF7, lr;
	s5 =	simm.s32 $0xFFFFFFFF;
	p2 =	slt.u32 s8, $0xFFFFF086  }
0x1c: {  	p1 =	slt.u32 s9, $0xF7A;
	s5 =	simm.s32 @!p2 $0x0  }
0x1d: {  	s5 =	simm.s32 @p1 $0x1;
	p0 =	seq.s32 s7, s2  }
0x1e: {  	s7 =	smul.u32 @!p0 $0xF7A, s2;
	p2 =	seq.s32 @!p0 s5, $0x0  }
0x1f: {  	s9 =	smul.u32 $0xF7A, s1;
	s8 =	simm.s32 @!p0 $0x1BF5;
	p2 =	por !p2, p0  }
0x20: {  	[sflag:s8] =	ssyncset.s32 @!p0 $0xFFFFF086;
	s6 =	sadd.s32 @!p0 s3, s7;
	s7 =	simm.s32 @!p0 $0x108  }
0x21: {  	s3 =	sadd.s32 s3, s9;
	s6 =	sadd.s32 @!p0 $0x88, s6;
	s7 =	simm.s32 @p2 $0x1082  }
0x22: {  	[simem:s7], [sflag:s8] =	dma.local @!p0 [hbm:s6], $0xF7A  }
0x23: {  	s9 =	sor.u32 $0xD0000000, s2;
	s6 =	simm.s32 $0x108;
	_ =	swait.ge @!p0 [sflag:s8], $0x0  }
0x24: {  	s3 =	sadd.s32 $0x88, s3;
	s6 =	simm.s32 @!p1 $0x1082;
	[sflag:s4] =	ssyncset.s32 $0xFFFFF086  }
0x25: {  	[simem:s6], [sflag:s4] =	dma.local [hbm:s3], $0xF7A  }
0x26: {  	[smem:$0x3F9D] =	sst s1;
	(tag) =	ssettag s2;
	_ =	strace s9  }
0x27: {  	s1 =	sld [smem:$0x3FAD]  }
0x28: {  	s2 =	sld [smem:$0x3FAE]  }
0x29: {  	s4 =	sld [smem:$0x3FB0]  }
0x2a: {  	p0 =	seq.s32 s5, $0x0;
	s5 =	sld [smem:$0x3FB1]  }
0x2b: {  	s6 =	sld [smem:$0x3FB2]  }
0x2c: {  	s7 =	sld [smem:$0x3FB3]  }
0x2d: {  	s3 =	simm.s32 $0x108;
	s8 =	sld [smem:$0x3FB4]  }
0x2e: {  	s3 =	simm.s32 @!p0 $0x1082;
	s9 =	sld [smem:$0x3FB5]  }
0x2f: {  	lr =	sadd.s32 s0, s3;
	s0 =	sld [smem:$0x3FAC]  }
0x30: {  	s3 =	sld [smem:$0x3FAF]  }
0x31: {  	[smem:$0x3FB8] =	sst s10  }
0x32: {  	s10 =	sld [smem:$0x3FB6];
	_ =	sdelay $0x3  }
0x33: {  	p0 =	seq.s32 s10, $0x1;
	s10 =	sld [smem:$0x3FB8];
	_ =	sdelay $0x3  }
0x34: {  	[smem:$0x3FB8] =	sst s10  }
0x35: {  	s10 =	sld [smem:$0x3FB7];
	_ =	sdelay $0x3  }
0x36: {  	p1 =	seq.s32 s10, $0x1;
	s10 =	sld [smem:$0x3FB8];
	_ =	sdelay $0x3  }
0x37: {  	[smem:$0x3FB8] =	sst s10  }
0x38: {  	s10 =	sld [smem:$0x3FB9]  }
0x39: {  	_ = 	snop;
	(pc) =	sbr.ind lr, $3  }
0x3a: {  	_ = 	snop  }
0x3b: {  	_ = 	snop  }
0x3c: {  	p2 =	seq.s32 s10, $0x1;
	s10 =	sld [smem:$0x3FB8]  }
0x3d: {  	_ =	shalt  }
0x3e: {  	_ =	shalt  }
0x3f: {  	_ =	shalt  }
0x40: {  	_ =	shalt  }
0x41: {  	_ =	shalt  }
0x42: {  	_ =	shalt  }
0x43: {  	_ =	shalt  }
0x44: {  	_ =	shalt  }
0x45: {  	_ =	shalt  }
0x46: {  	_ =	shalt  }
0x47: {  	_ =	shalt  }
0x48: {  	_ =	shalt  }
0x49: {  	_ =	shalt  }
0x4a: {  	_ =	shalt  }
0x4b: {  	_ =	shalt  }
0x4c: {  	_ =	shalt  }
0x4d: {  	_ =	shalt  }
0x4e: {  	_ =	shalt  }
0x4f: {  	_ =	shalt  }
0x50: {  	_ =	shalt  }
0x51: {  	_ =	shalt  }
0x52: {  	_ =	shalt  }
0x53: {  	_ =	shalt  }
0x54: {  	_ =	shalt  }
0x55: {  	_ =	shalt  }
0x56: {  	_ =	shalt  }
0x57: {  	_ =	shalt  }
0x58: {  	_ =	shalt  }
0x59: {  	_ =	shalt  }
0x5a: {  	_ =	shalt  }
0x5b: {  	_ =	shalt  }
0x5c: {  	_ =	shalt  }
0x5d: {  	_ =	shalt  }
0x5e: {  	_ =	shalt  }
0x5f: {  	_ =	shalt  }
0x60: {  	_ =	shalt  }
0x61: {  	_ =	shalt  }
0x62: {  	_ =	shalt  }
0x63: {  	_ =	shalt  }
0x64: {  	_ =	shalt  }
0x65: {  	_ =	shalt  }
0x66: {  	_ =	shalt  }
0x67: {  	_ =	shalt  }
0x68: {  	_ =	shalt  }
0x69: {  	_ =	shalt  }
0x6a: {  	_ =	shalt  }
0x6b: {  	_ =	shalt  }
0x6c: {  	_ =	shalt  }
0x6d: {  	_ =	shalt  }
0x6e: {  	_ =	shalt  }
0x6f: {  	_ =	shalt  }
0x70: {  	_ =	shalt  }
0x71: {  	_ =	shalt  }
0x72: {  	_ =	shalt  }
0x73: {  	_ =	shalt  }
0x74: {  	_ =	shalt  }
0x75: {  	_ =	shalt  }
0x76: {  	_ =	shalt  }
0x77: {  	_ =	shalt  }
0x78: {  	_ =	shalt  }
0x79: {  	_ =	shalt  }
0x7a: {  	_ =	shalt  }
0x7b: {  	_ =	shalt  }
0x7c: {  	_ =	shalt  }
0x7d: {  	_ =	shalt  }
0x7e: {  	_ =	shalt  }
0x7f: {  	_ =	shalt  }
0x80: {  	_ =	shalt  }
0x81: {  	_ =	shalt  }
0x82: {  	_ =	shalt  }
0x83: {  	_ =	shalt  }
0x84: {  	_ =	shalt  }
0x85: {  	_ =	shalt  }
0x86: {  	_ =	shalt  }
0x87: {  	_ =	shalt  }
.Lfunc_end0:
.L_simem_size_0:
called_computation.1_lowered:
.L_overlay_start_0:
0x88: {  	s2 =	sld [smem:$0x3FD9]  }
0x89: {  	s3 =	sld [smem:$0x3FFE];
	_ =	sdelay $0x1  }
0x8a: {  	s1 =	srdreg.scid  }
0x8b: {  	s0 =	sand.u32 $0x1, s1  }
0x8c: {  	s16 =	sshll.u32 s0, $0xA;
	s2 =	sadd.s32 s3, s2  }
0x8d: {  	s2 =	sadd.s32 s2, s16  }
0x8e: {  	[smem:$0x3FC4] =	sst s2  }
0x8f: {  	_ = 	snop  }
0x90: {  	(tm) =	ssettm $0x1  }
0x91: {  	s17 =	sld [smem:$0x3FFB];
	_ =	sdelay $0x3  }
0x92: {  	_ =	strace s17  }
0x93: {  	s2 =	sld [smem:$0x3FFC];
	_ =	sdelay $0x3  }
0x94: {  	_ =	strace s2  }
0x95: {  	s2 =	sld [smem:$0x3FFD];
	_ =	sdelay $0x3  }
0x96: {  	_ =	strace s2  }
0x97: {  	_ =	strace $0x8FFFFFFF  }
0x98: {  	s18 =	sld [smem:$0x3FDB];
	_ =	sdelay $0x1  }
0x99: {  	s19 =	simm.s32 $_scs_section_size  }
0x9a: {  	s4 =	simm.s32 $_size__tile_overlayer_lowered;
	s5 =	simm.s32 $_tile_overlayer_lowered  }
0x9b: {  	s22 =	simm.s32 $0x1BFF;
	s21 =	sshll.u32 s5, $0x1;
	s2 =	sadd.s32 s19, s18  }
0x9c: {  	s6 =	simm.s32 $0x0;
	s20 =	sshll.u32 s4, $0x1;
	s4 =	sadd.s32 s21, s2  }
0x9d: {  	[timem:s6], [sflag:s22] =	dma.local [hbm:s4], s20  }
0x9e: {  	_ =	swait.ge [sflag:s22], s20  }
0x9f: {  	s3 =	ssub.s32 $0x0, s20;
	[sflag:s22] =	ssyncset.done $0x0  }
0xa0: {  	[sflag:s22] =	ssyncadd.s32 s3;
	_ =	sdelay $0x1  }
0xa1: {  	s23 =	simm.s32 $0x1B8B  }
0xa2: {  	_ =	swait.ge [sflag:s23], $0x1  }
0xa3: {  	[sflag:s23] =	ssyncset.done $0x0  }
0xa4: {  	s25 =	simm.s32 $0x1B8E;
	s24 =	sld [smem:$0x3FFE];
	[sflag:s23] =	ssyncadd.s32 $0xFFFFFFFF  }
0xa5: {  	s26 =	simm.s32 $execute0_lowered;
	[smem:$0x3FD2] =	sst s25  }
0xa6: {  	s4 =	sshll.u32 s26, $0x1;
	_ =	strace $0x80000049;
	[dreg:$0x1] =	wrdreg $0xFFFFFFFF  }
0xa7: {  	s28 =	simm.s32 $_size_execute0_lowered;
	s2 =	sadd.s32 s2, s4;
	[dreg:$0x0] =	wrdreg $0x0  }
0xa8: {  	s4 =	sshll.u32 s28, $0x1;
	[dreg:$0x2] =	wrdreg s2  }
0xa9: {  	[dreg:$0x3] =	wrdreg s4  }
0xaa: {  	[dreg:$0x4] =	wrdreg $0xC0  }
0xab: {  	_ =	task [dreg:s6], $0x5FFFF  }
0xac: {  	[dreg:$0x1] =	wrdreg $0xFFFFFFFF  }
0xad: {  	[dreg:$0x0] =	wrdreg $0x60  }
0xae: {  	[dreg:$0x2] =	wrdreg s24  }
0xaf: {  	[dreg:$0x3] =	wrdreg $0x9  }
0xb0: {  	_ =	task.clear_ibuf [dreg:s6], $0x4FFFF;
	_ =	strace $0x90000049  }
0xb1: {  	s29 =	simm.s32 $0x9;
	_ =	strace $0x8000004B  }
0xb2: {  	_ =	swait.ge [sflag:s29], $0x1  }
0xb3: {  	[sflag:s29] =	ssyncadd.s32 $0xFFFFFFFF  }
0xb4: {  	_ =	strace $0x9000004B  }
0xb5: {  	_ =	sfence  }
0xb6: {  	s30 =	sld [smem:$0x0];
	_ =	sdelay $0x2  }
0xb7: {  	s31 =	sshll.u32 s1, $0xD;
	s1 =	sshrl.u32 s1, $0x2  }
0xb8: {  	s3 =	sand.u32 $0x4000, s31;
	s1 =	sadd.s32 s1, s30  }
0xb9: {  	s0 =	sor.u32 s3, s0;
	s1 =	sshll.u32 s1, $0x11  }
0xba: {  	s0 =	sor.u32 s1, s0  }
0xbb: {  	s0 =	sadd.s32 $0x8F2B, s0  }
0xbc: {  	[sflag:s0] =	ssyncadd.remote.s32 $0x1  }
0xbd: {  	_ =	sfence.sel $0xFFFF  }
0xbe: {  	[dreg:$0x0] =	wrdreg $0xFFFFFFFF;
	(pc) =	sbr.abs _section_cstart, $3  }
0xbf: {  	[dreg:$0x1] =	wrdreg $0xFFFFFFFF  }
0xc0: {  	_ =	task.clear_ibuf [dreg:s6], $0x2FFFF;
	_ =	strace $0x9FFFFFFF  }
0xc1: {  	(tm) =	ssettm $0x7FFFFFFF  }
tec
execute0_lowered:
.L_overlay_start_1:
0x0: {  	(tag) =	ssettag $0x1  }
0x1: {  	s1 =	srdreg.scid;
	s0 =	stileid.u32  }
0x2: {  	s10 =	sand.u32 $0x1, s1;
	s29 =	sshll.u32 s0, $0x1  }
0x3: {  	s11 =	rddreg [dreg:$0x0];
	s12 =	sor.u32 s10, s29  }
0x4: {  	s2 =	simm.s32 $0x0;
	s1 =	rddreg [dreg:$0x1];
	s3 =	sshll.u32 s12, $0x5  }
0x5: {  	[smem:$0x7FF] =	sst s2;
	s3 =	sadd.s32 s3, s11  }
0x6: {  	_ =	strace $0x8000004A;
	s4 =	sadd.s32 $0x3600, s3;
	s3 =	simm.s32 $0x2  }
0x7: {  	[tilespmem:s2], [sflag:$0x2] =	stream.linear.gather [hbm4b:s4+s2], $0x100, $0x38;
	[tilespmem:$0x4100] =	vst v63  }
0x8: {  	_ =	swait.ge [sflag:s3], $0x100  }
0x9: {  	s6 =	simm.s32 $0x80;
	[sflag:s3] =	ssyncset.done $0x0  }
0xa: {  	s7 =	simm.s32 $0x100;
	s5 =	sadd.s32 $0x13600, s11;
	[sflag:s3] =	ssyncadd.s32 $0xFFFFFF00  }
0xb: {  	[tilespmem:s7], [sflag:$0x1] =	stream.indirect.gather [hbm4b:s5+s6], $0x40, s2, s6, $0xb8;
	[tilespmem:$0x4100] =	vst v63  }
0xc: {  	s8 =	simm.s32 $0x2100;
	s9 =	simm.s32 $0x1;
	s10 =	ssub.s32 $0x2, s10  }
0xd: {  	[tilespmem:s8], [sflag:$0x1] =	stream.indirect.gather [hbm4b:s5+s6], $0x40, s6, s6, $0xb8;
	[tilespmem:$0x4100] =	vst v63  }
0xe: {  	s13 =	sshrl.u32 s10, $0x1;
	_ =	swait.ge [sflag:s9], $0x2000  }
0xf: {  	s30 =	ssub.s32 s10, s13;
	[sflag:s9] =	ssyncset.done $0x0  }
0x10: {  	s31 =	smax.u32 s30, $0x1;
	[sflag:s9] =	ssyncadd.s32 $0xFFFFE000  }
0x11: {  	s12 =	sshll.u32 s12, $0xB;
	p0 =	sne.s32 s31, $0x1;
	_ =	swait.ge [sflag:s9], $0x2000  }
.Ltmp0:
0x12: {  	s11 =	sadd.s32 s12, s11;
	[sflag:s9] =	ssyncset.done $0x0;
	(pc) =	sbr.rel @!p0 .LBB2_2-.Ltmp0, $4  }
0x13: {  	s10 =	sadd.s32 $0x23600, s11;
	[sflag:s9] =	ssyncadd.s32 $0xFFFFE000  }
0x14: {  	[hbm4b:s10+s2] =	stream.linear.scatter [tilespmem:s7], [sflag:$0x2], $0x4000, $0x38;
	[tilespmem:$0x4100] =	vst v63  }
0x15: {  	_ =	swait.ge [sflag:s3], $0x4000  }
0x16: {  	s11 =	sadd.s32 $0xFFFFFFFF, s31;
	[sflag:s3] =	ssyncset.done $0x0  }
.LBB2_1:
0x17: {  	p0 =	sne.s32 s11, $0x1;
	s11 =	sadd.s32 $0xFFFFFFFF, s11;
	[sflag:s3] =	ssyncadd.s32 $0xFFFFC000  }
0x18: {  	[tilespmem:s2], [sflag:$0x2] =	stream.linear.gather [hbm4b:s4+s2], $0x100, $0x38;
	[tilespmem:$0x4100] =	vst v63  }
0x19: {  	_ =	swait.ge [sflag:s3], $0x100  }
0x1a: {  	[sflag:s3] =	ssyncset.done $0x0  }
0x1b: {  	[sflag:s3] =	ssyncadd.s32 $0xFFFFFF00  }
0x1c: {  	[tilespmem:s7], [sflag:$0x1] =	stream.indirect.gather [hbm4b:s5+s6], $0x40, s2, s6, $0xb8;
	[tilespmem:$0x4100] =	vst v63  }
0x1d: {  	_ = 	snop  }
0x1e: {  	[tilespmem:s8], [sflag:$0x1] =	stream.indirect.gather [hbm4b:s5+s6], $0x40, s6, s6, $0xb8;
	[tilespmem:$0x4100] =	vst v63  }
0x1f: {  	_ =	swait.ge [sflag:s9], $0x2000  }
0x20: {  	[sflag:s9] =	ssyncset.done $0x0  }
0x21: {  	[sflag:s9] =	ssyncadd.s32 $0xFFFFE000  }
0x22: {  	_ =	swait.ge [sflag:s9], $0x2000  }
.Ltmp1:
0x23: {  	[sflag:s9] =	ssyncset.done $0x0;
	(pc) =	sbr.rel @p0 .LBB2_1-.Ltmp1, $4  }
0x24: {  	[sflag:s9] =	ssyncadd.s32 $0xFFFFE000  }
0x25: {  	[hbm4b:s10+s2] =	stream.linear.scatter [tilespmem:s7], [sflag:$0x2], $0x4000, $0x38;
	[tilespmem:$0x4100] =	vst v63  }
0x26: {  	_ =	swait.ge [sflag:s3], $0x4000  }
0x27: {  	[sflag:s3] =	ssyncset.done $0x0  }
.LBB2_2:
0x28: {  	[sflag:s3] =	ssyncadd.s32 $0xFFFFC000  }
0x29: {  	_ =	sfence.sel $0x180000  }
0x2a: {  	[bflag:$0x0] =	sbarrier.arrive $0xFFFF  }
0x2b: {  	p0 =	sne.s32 s0, $0x0;
	_ =	strace $0x9000004A  }
0x2c: {  	s0 =	sadd.s32 @!p0 $0x100000, s1;
	[bflag:$0x2] =	sbarrier.arrive $0xFFFF  }
0x2d: {  	[sflag:s0] =	ssyncadd.tile.s32 @!p0 $0x1;
	_ =	shalt  }
.Lfunc_end2:
_tile_overlayer_lowered:
.L_overlay_start_2:
0x2e: {  	(tag) =	ssettag $0x2  }
0x2f: {  	s0 =	rddreg [dreg:$0x0];
	s2 =	stileid.u32  }
0x30: {  	s1 =	rddreg [dreg:$0x1];
	p0 =	sne.s32 s2, $0x0  }
0x31: {  	s3 =	rddreg [dreg:$0x2];
	[bflag:$0x3] =	sbarrier.arrive $0xFFFF;
	s2 =	simm.s32 @!p0 $0x1C02  }
0x32: {  	[timem:s3], [sflag:s2] =	dma.local @!p0 [hbm:s0], s1  }
0x33: {  	s0 =	simm.s32 @!p0 $0x2  }
0x34: {  	_ =	swait.ge @!p0 [sflag:s0], s1  }
0x35: {  	s1 =	ssub.s32 @!p0 $0x0, s1;
	[sflag:s0] =	ssyncset.done @!p0 $0x0  }
0x36: {  	[sflag:s0] =	ssyncadd.s32 @!p0 s1  }
0x37: {  	[bflag:$0x3] =	sbarrier.arrive $0xFFFF  }
0x38: {  	_ =	shalt  }

// kernel: _run.17.cloned.1.call-start
scs
__scs_entry_jumppad:
0x0: {  	(pc) =	sbr.rel $0x88, $3  }
0x1: {  	(tag) =	ssettag $0x0;
	lr =	simm.s32 $0x1  }
0x2: {  	[smem:$0x3F9D] =	sst lr;
	_ =	strace $0xD0000000  }
0x3: {  	_ = 	snop  }
0x4: {  	_ = 	snop  }
0x5: {  	_ = 	snop  }
0x6: {  	_ = 	snop  }
0x7: {  	_ = 	snop  }
__scs_overlays_trampoline_lowered:
0x8: {  	[smem:$0x3FAC] =	sst s0  }
0x9: {  	[smem:$0x3FAD] =	sst s1  }
0xa: {  	[smem:$0x3FAE] =	sst s2  }
0xb: {  	[smem:$0x3FAF] =	sst s3  }
0xc: {  	[smem:$0x3FB0] =	sst s4  }
0xd: {  	[smem:$0x3FB1] =	sst s5  }
0xe: {  	[smem:$0x3FB2] =	sst s6  }
0xf: {  	[smem:$0x3FB3] =	sst s7  }
0x10: {  	[smem:$0x3FB4] =	sst s8  }
0x11: {  	[smem:$0x3FB5] =	sst s9;
	s0 =	simm.s32 @!p0 $0x0  }
0x12: {  	s1 =	sld [smem:$0x3F9B];
	s0 =	simm.s32 @p0 $0x1  }
0x13: {  	[smem:$0x3FB6] =	sst s0;
	s0 =	simm.s32 @!p1 $0x0  }
0x14: {  	s2 =	sld [smem:$0x3F9A];
	s0 =	simm.s32 @p1 $0x1  }
0x15: {  	[smem:$0x3FB7] =	sst s0;
	s0 =	simm.s32 @!p2 $0x0  }
0x16: {  	s3 =	sld [smem:$0x3FDB];
	s0 =	simm.s32 @p2 $0x1  }
0x17: {  	s4 =	simm.s32 $0x1BF5;
	[smem:$0x3FB9] =	sst s0  }
0x18: {  	s0 =	sld [smem:$0x3F9C];
	_ =	swait.ge [sflag:s4], $0x0  }
0x19: {  	s7 =	sld [smem:$0x3F9D]  }
0x1a: {  	s8 =	sadd.s32 $0xFFFFE003, lr  }
0x1b: {  	s9 =	sadd.s32 $0xFFFFFEF7, lr;
	s5 =	simm.s32 $0xFFFFFFFF;
	p2 =	slt.u32 s8, $0xFFFFF086  }
0x1c: {  	p1 =	slt.u32 s9, $0xF7A;
	s5 =	simm.s32 @!p2 $0x0  }
0x1d: {  	s5 =	simm.s32 @p1 $0x1;
	p0 =	seq.s32 s7, s2  }
0x1e: {  	s7 =	smul.u32 @!p0 $0xF7A, s2;
	p2 =	seq.s32 @!p0 s5, $0x0  }
0x1f: {  	s9 =	smul.u32 $0xF7A, s1;
	s8 =	simm.s32 @!p0 $0x1BF5;
	p2 =	por !p2, p0  }
0x20: {  	[sflag:s8] =	ssyncset.s32 @!p0 $0xFFFFF086;
	s6 =	sadd.s32 @!p0 s3, s7;
	s7 =	simm.s32 @!p0 $0x108  }
0x21: {  	s3 =	sadd.s32 s3, s9;
	s6 =	sadd.s32 @!p0 $0x88, s6;
	s7 =	simm.s32 @p2 $0x1082  }
0x22: {  	[simem:s7], [sflag:s8] =	dma.local @!p0 [hbm:s6], $0xF7A  }
0x23: {  	s9 =	sor.u32 $0xD0000000, s2;
	s6 =	simm.s32 $0x108;
	_ =	swait.ge @!p0 [sflag:s8], $0x0  }
0x24: {  	s3 =	sadd.s32 $0x88, s3;
	s6 =	simm.s32 @!p1 $0x1082;
	[sflag:s4] =	ssyncset.s32 $0xFFFFF086  }
0x25: {  	[simem:s6], [sflag:s4] =	dma.local [hbm:s3], $0xF7A  }
0x26: {  	[smem:$0x3F9D] =	sst s1;
	(tag) =	ssettag s2;
	_ =	strace s9  }
0x27: {  	s1 =	sld [smem:$0x3FAD]  }
0x28: {  	s2 =	sld [smem:$0x3FAE]  }
0x29: {  	s4 =	sld [smem:$0x3FB0]  }
0x2a: {  	p0 =	seq.s32 s5, $0x0;
	s5 =	sld [smem:$0x3FB1]  }
0x2b: {  	s6 =	sld [smem:$0x3FB2]  }
0x2c: {  	s7 =	sld [smem:$0x3FB3]  }
0x2d: {  	s3 =	simm.s32 $0x108;
	s8 =	sld [smem:$0x3FB4]  }
0x2e: {  	s3 =	simm.s32 @!p0 $0x1082;
	s9 =	sld [smem:$0x3FB5]  }
0x2f: {  	lr =	sadd.s32 s0, s3;
	s0 =	sld [smem:$0x3FAC]  }
0x30: {  	s3 =	sld [smem:$0x3FAF]  }
0x31: {  	[smem:$0x3FB8] =	sst s10  }
0x32: {  	s10 =	sld [smem:$0x3FB6];
	_ =	sdelay $0x3  }
0x33: {  	p0 =	seq.s32 s10, $0x1;
	s10 =	sld [smem:$0x3FB8];
	_ =	sdelay $0x3  }
0x34: {  	[smem:$0x3FB8] =	sst s10  }
0x35: {  	s10 =	sld [smem:$0x3FB7];
	_ =	sdelay $0x3  }
0x36: {  	p1 =	seq.s32 s10, $0x1;
	s10 =	sld [smem:$0x3FB8];
	_ =	sdelay $0x3  }
0x37: {  	[smem:$0x3FB8] =	sst s10  }
0x38: {  	s10 =	sld [smem:$0x3FB9]  }
0x39: {  	_ = 	snop;
	(pc) =	sbr.ind lr, $3  }
0x3a: {  	_ = 	snop  }
0x3b: {  	_ = 	snop  }
0x3c: {  	p2 =	seq.s32 s10, $0x1;
	s10 =	sld [smem:$0x3FB8]  }
0x3d: {  	_ =	shalt  }
0x3e: {  	_ =	shalt  }
0x3f: {  	_ =	shalt  }
0x40: {  	_ =	shalt  }
0x41: {  	_ =	shalt  }
0x42: {  	_ =	shalt  }
0x43: {  	_ =	shalt  }
0x44: {  	_ =	shalt  }
0x45: {  	_ =	shalt  }
0x46: {  	_ =	shalt  }
0x47: {  	_ =	shalt  }
0x48: {  	_ =	shalt  }
0x49: {  	_ =	shalt  }
0x4a: {  	_ =	shalt  }
0x4b: {  	_ =	shalt  }
0x4c: {  	_ =	shalt  }
0x4d: {  	_ =	shalt  }
0x4e: {  	_ =	shalt  }
0x4f: {  	_ =	shalt  }
0x50: {  	_ =	shalt  }
0x51: {  	_ =	shalt  }
0x52: {  	_ =	shalt  }
0x53: {  	_ =	shalt  }
0x54: {  	_ =	shalt  }
0x55: {  	_ =	shalt  }
0x56: {  	_ =	shalt  }
0x57: {  	_ =	shalt  }
0x58: {  	_ =	shalt  }
0x59: {  	_ =	shalt  }
0x5a: {  	_ =	shalt  }
0x5b: {  	_ =	shalt  }
0x5c: {  	_ =	shalt  }
0x5d: {  	_ =	shalt  }
0x5e: {  	_ =	shalt  }
0x5f: {  	_ =	shalt  }
0x60: {  	_ =	shalt  }
0x61: {  	_ =	shalt  }
0x62: {  	_ =	shalt  }
0x63: {  	_ =	shalt  }
0x64: {  	_ =	shalt  }
0x65: {  	_ =	shalt  }
0x66: {  	_ =	shalt  }
0x67: {  	_ =	shalt  }
0x68: {  	_ =	shalt  }
0x69: {  	_ =	shalt  }
0x6a: {  	_ =	shalt  }
0x6b: {  	_ =	shalt  }
0x6c: {  	_ =	shalt  }
0x6d: {  	_ =	shalt  }
0x6e: {  	_ =	shalt  }
0x6f: {  	_ =	shalt  }
0x70: {  	_ =	shalt  }
0x71: {  	_ =	shalt  }
0x72: {  	_ =	shalt  }
0x73: {  	_ =	shalt  }
0x74: {  	_ =	shalt  }
0x75: {  	_ =	shalt  }
0x76: {  	_ =	shalt  }
0x77: {  	_ =	shalt  }
0x78: {  	_ =	shalt  }
0x79: {  	_ =	shalt  }
0x7a: {  	_ =	shalt  }
0x7b: {  	_ =	shalt  }
0x7c: {  	_ =	shalt  }
0x7d: {  	_ =	shalt  }
0x7e: {  	_ =	shalt  }
0x7f: {  	_ =	shalt  }
0x80: {  	_ =	shalt  }
0x81: {  	_ =	shalt  }
0x82: {  	_ =	shalt  }
0x83: {  	_ =	shalt  }
0x84: {  	_ =	shalt  }
0x85: {  	_ =	shalt  }
0x86: {  	_ =	shalt  }
0x87: {  	_ =	shalt  }
.Lfunc_end0:
.L_simem_size_0:
called_computation.2_lowered:
.L_overlay_start_0:
0x88: {  	s2 =	sld [smem:$0x3FD9]  }
0x89: {  	s3 =	sld [smem:$0x3FFE];
	_ =	sdelay $0x1  }
0x8a: {  	s1 =	srdreg.scid  }
0x8b: {  	s0 =	sand.u32 $0x1, s1  }
0x8c: {  	s14 =	sshll.u32 s0, $0xA;
	s2 =	sadd.s32 s3, s2  }
0x8d: {  	s2 =	sadd.s32 s2, s14  }
0x8e: {  	[smem:$0x3FC4] =	sst s2  }
0x8f: {  	_ = 	snop  }
0x90: {  	s2 =	sld [smem:$0x3FD0];
	_ =	sdelay $0x2  }
0x91: {  	s15 =	simm.s32 $0xA;
	s4 =	simm.s32 $0x10  }
0x92: {  	[smem:s4], [sflag:s15] =	dma.local [hbm:s2], $0x1  }
0x93: {  	_ =	swait.eq [sflag:s15], $0x1  }
0x94: {  	[sflag:s15] =	ssyncset.done $0x0  }
0x95: {  	[sflag:s15] =	ssyncadd.s32 $0xFFFFFFFF  }
0x96: {  	s16 =	sld [smem:$0x10];
	(tm) =	ssettm $0x1  }
0x97: {  	s17 =	sld [smem:$0x3FFB];
	_ =	sdelay $0x3  }
0x98: {  	_ =	strace s17  }
0x99: {  	s3 =	sld [smem:$0x3FFC];
	_ =	sdelay $0x3  }
0x9a: {  	_ =	strace s3  }
0x9b: {  	s3 =	sld [smem:$0x3FFD];
	_ =	sdelay $0x3  }
0x9c: {  	_ =	strace s3  }
0x9d: {  	_ =	strace $0x8FFFFFFF  }
0x9e: {  	s18 =	sld [smem:$0x3FDB];
	_ =	sdelay $0x1  }
0x9f: {  	s19 =	simm.s32 $_scs_section_size  }
0xa0: {  	s5 =	simm.s32 $_size__tile_overlayer_lowered;
	s6 =	simm.s32 $_tile_overlayer_lowered  }
0xa1: {  	s22 =	simm.s32 $0x1BFF;
	s21 =	sshll.u32 s6, $0x1;
	s3 =	sadd.s32 s19, s18  }
0xa2: {  	s7 =	simm.s32 $0x0;
	s20 =	sshll.u32 s5, $0x1;
	s5 =	sadd.s32 s21, s3  }
0xa3: {  	[timem:s7], [sflag:s22] =	dma.local [hbm:s5], s20  }
0xa4: {  	_ =	swait.ge [sflag:s22], s20  }
0xa5: {  	s4 =	ssub.s32 $0x0, s20;
	[sflag:s22] =	ssyncset.done $0x0  }
0xa6: {  	[sflag:s22] =	ssyncadd.s32 s4;
	_ =	sdelay $0x1  }
0xa7: {  	s23 =	simm.s32 $0x1B8B  }
0xa8: {  	_ =	swait.ge [sflag:s23], $0x1  }
0xa9: {  	[sflag:s23] =	ssyncset.done $0x0  }
0xaa: {  	s25 =	simm.s32 $0x1B8E;
	s24 =	sld [smem:$0x3FFE];
	[sflag:s23] =	ssyncadd.s32 $0xFFFFFFFF  }
0xab: {  	s26 =	simm.s32 $execute0_lowered;
	[smem:$0x3FD2] =	sst s25  }
0xac: {  	s5 =	sshll.u32 s26, $0x1;
	_ =	strace $0x8000004C;
	[dreg:$0x1] =	wrdreg $0xFFFFFFFF  }
0xad: {  	s28 =	simm.s32 $_size_execute0_lowered;
	s3 =	sadd.s32 s3, s5;
	[dreg:$0x0] =	wrdreg $0x0  }
0xae: {  	s5 =	sshll.u32 s28, $0x1;
	[dreg:$0x2] =	wrdreg s3  }
0xaf: {  	[dreg:$0x3] =	wrdreg s5  }
0xb0: {  	[dreg:$0x4] =	wrdreg $0xC0  }
0xb1: {  	_ =	task [dreg:s7], $0x5FFFF  }
0xb2: {  	[dreg:$0x1] =	wrdreg $0xFFFFFFFF  }
0xb3: {  	[dreg:$0x0] =	wrdreg $0x60  }
0xb4: {  	[dreg:$0x2] =	wrdreg s16  }
0xb5: {  	[dreg:$0x3] =	wrdreg s24  }
0xb6: {  	[dreg:$0x4] =	wrdreg $0x9  }
0xb7: {  	_ =	task.clear_ibuf [dreg:s7], $0x5FFFF;
	_ =	strace $0x9000004C  }
0xb8: {  	s29 =	simm.s32 $0x9;
	_ =	strace $0x8000004E  }
0xb9: {  	_ =	swait.ge [sflag:s29], $0x1  }
0xba: {  	[sflag:s29] =	ssyncadd.s32 $0xFFFFFFFF  }
0xbb: {  	_ =	strace $0x9000004E  }
0xbc: {  	_ =	sfence  }
0xbd: {  	s30 =	sld [smem:$0x0];
	_ =	sdelay $0x2  }
0xbe: {  	s31 =	sshll.u32 s1, $0xD;
	s1 =	sshrl.u32 s1, $0x2  }
0xbf: {  	s3 =	sand.u32 $0x4000, s31;
	s1 =	sadd.s32 s1, s30  }
0xc0: {  	s0 =	sor.u32 s3, s0;
	s1 =	sshll.u32 s1, $0x11  }
0xc1: {  	s0 =	sor.u32 s1, s0  }
0xc2: {  	s0 =	sadd.s32 $0x8F2B, s0  }
0xc3: {  	[sflag:s0] =	ssyncadd.remote.s32 $0x1  }
0xc4: {  	_ =	sfence.sel $0xFFFF  }
0xc5: {  	[dreg:$0x0] =	wrdreg $0xFFFFFFFF;
	(pc) =	sbr.abs _section_cstart, $3  }
0xc6: {  	[dreg:$0x1] =	wrdreg $0xFFFFFFFF  }
0xc7: {  	_ =	task.clear_ibuf [dreg:s7], $0x2FFFF;
	_ =	strace $0x9FFFFFFF  }
0xc8: {  	(tm) =	ssettm $0x7FFFFFFF  }
0xc9: {  	_ =	shalt  }
tec
execute0_lowered:
.L_overlay_start_1:
0x0: {  	(tag) =	ssettag $0x1  }
0x1: {  	s1 =	srdreg.scid;
	s0 =	stileid.u32  }
0x2: {  	s2 =	rddreg [dreg:$0x0];
	s10 =	sand.u32 $0x1, s1;
	s29 =	sshll.u32 s0, $0x1  }
0x3: {  	s11 =	rddreg [dreg:$0x1];
	s12 =	sor.u32 s10, s29  }
0x4: {  	s3 =	simm.s32 $0x0;
	s1 =	rddreg [dreg:$0x2];
	s4 =	sshll.u32 s12, $0x5  }
0x5: {  	[smem:$0x7FF] =	sst s3;
	s4 =	sadd.s32 s4, s11  }
0x6: {  	_ =	strace $0x8000004D;
	s5 =	sadd.s32 $0x3A00, s4;
	s4 =	simm.s32 $0x2  }
0x7: {  	[tilespmem:s3], [sflag:$0x2] =	stream.linear.gather [hbm4b:s5+s3], $0x100, $0x38;
	[tilespmem:$0x4100] =	vst v63  }
0x8: {  	_ =	swait.ge [sflag:s4], $0x100  }
0x9: {  	[sflag:s4] =	ssyncset.done $0x0  }
0xa: {  	s6 =	simm.s32 $0x80;
	s7 =	simm.s32 $0x100;
	[sflag:s4] =	ssyncadd.s32 $0xFFFFFF00  }
0xb: {  	[tilespmem:s7], [sflag:$0x1] =	stream.indirect.gather [hbm4b:s2+s6], $0x40, s3, s6, $0xb8;
	[tilespmem:$0x4100] =	vst v63  }
0xc: {  	s8 =	simm.s32 $0x2100;
	s9 =	simm.s32 $0x1;
	s10 =	ssub.s32 $0x2, s10  }
0xd: {  	[tilespmem:s8], [sflag:$0x1] =	stream.indirect.gather [hbm4b:s2+s6], $0x40, s6, s6, $0xb8;
	[tilespmem:$0x4100] =	vst v63  }
0xe: {  	s13 =	sshrl.u32 s10, $0x1;
	_ =	swait.ge [sflag:s9], $0x2000  }
0xf: {  	s30 =	ssub.s32 s10, s13;
	[sflag:s9] =	ssyncset.done $0x0  }
0x10: {  	s31 =	smax.u32 s30, $0x1;
	[sflag:s9] =	ssyncadd.s32 $0xFFFFE000  }
0x11: {  	s12 =	sshll.u32 s12, $0xB;
	p0 =	sne.s32 s31, $0x1;
	_ =	swait.ge [sflag:s9], $0x2000  }
.Ltmp0:
0x12: {  	s11 =	sadd.s32 s12, s11;
	[sflag:s9] =	ssyncset.done $0x0;
	(pc) =	sbr.rel @!p0 .LBB2_2-.Ltmp0, $4  }
0x13: {  	s10 =	sadd.s32 $0x3E00, s11;
	[sflag:s9] =	ssyncadd.s32 $0xFFFFE000  }
0x14: {  	[hbm4b:s10+s3] =	stream.linear.scatter [tilespmem:s7], [sflag:$0x2], $0x4000, $0x38;
	[tilespmem:$0x4100] =	vst v63  }
0x15: {  	_ =	swait.ge [sflag:s4], $0x4000  }
0x16: {  	s11 =	sadd.s32 $0xFFFFFFFF, s31;
	[sflag:s4] =	ssyncset.done $0x0  }
.LBB2_1:
0x17: {  	p0 =	sne.s32 s11, $0x1;
	s11 =	sadd.s32 $0xFFFFFFFF, s11;
	[sflag:s4] =	ssyncadd.s32 $0xFFFFC000  }
0x18: {  	[tilespmem:s3], [sflag:$0x2] =	stream.linear.gather [hbm4b:s5+s3], $0x100, $0x38;
	[tilespmem:$0x4100] =	vst v63  }
0x19: {  	_ =	swait.ge [sflag:s4], $0x100  }
0x1a: {  	[sflag:s4] =	ssyncset.done $0x0  }
0x1b: {  	[sflag:s4] =	ssyncadd.s32 $0xFFFFFF00  }
0x1c: {  	[tilespmem:s7], [sflag:$0x1] =	stream.indirect.gather [hbm4b:s2+s6], $0x40, s3, s6, $0xb8;
	[tilespmem:$0x4100] =	vst v63  }
0x1d: {  	_ = 	snop  }
0x1e: {  	[tilespmem:s8], [sflag:$0x1] =	stream.indirect.gather [hbm4b:s2+s6], $0x40, s6, s6, $0xb8;
	[tilespmem:$0x4100] =	vst v63  }
0x1f: {  	_ =	swait.ge [sflag:s9], $0x2000  }
0x20: {  	[sflag:s9] =	ssyncset.done $0x0  }
0x21: {  	[sflag:s9] =	ssyncadd.s32 $0xFFFFE000  }
0x22: {  	_ =	swait.ge [sflag:s9], $0x2000  }
.Ltmp1:
0x23: {  	[sflag:s9] =	ssyncset.done $0x0;
	(pc) =	sbr.rel @p0 .LBB2_1-.Ltmp1, $4  }
0x24: {  	[sflag:s9] =	ssyncadd.s32 $0xFFFFE000  }
0x25: {  	[hbm4b:s10+s3] =	stream.linear.scatter [tilespmem:s7], [sflag:$0x2], $0x4000, $0x38;
	[tilespmem:$0x4100] =	vst v63  }
0x26: {  	_ =	swait.ge [sflag:s4], $0x4000  }
0x27: {  	[sflag:s4] =	ssyncset.done $0x0  }
.LBB2_2:
0x28: {  	[sflag:s4] =	ssyncadd.s32 $0xFFFFC000  }
0x29: {  	_ =	sfence.sel $0x180000  }
0x2a: {  	[bflag:$0x0] =	sbarrier.arrive $0xFFFF  }
0x2b: {  	p0 =	sne.s32 s0, $0x0;
	_ =	strace $0x9000004D  }
0x2c: {  	s0 =	sadd.s32 @!p0 $0x100000, s1;
	[bflag:$0x2] =	sbarrier.arrive $0xFFFF  }
0x2d: {  	[sflag:s0] =	ssyncadd.tile.s32 @!p0 $0x1;
	_ =	shalt  }
.Lfunc_end2:
_tile_overlayer_lowered:
.L_overlay_start_2:
0x2e: {  	(tag) =	ssettag $0x2  }
0x2f: {  	s0 =	rddreg [dreg:$0x0];
	s2 =	stileid.u32  }
0x30: {  	s1 =	rddreg [dreg:$0x1];
	p0 =	sne.s32 s2, $0x0  }
0x31: {  	s3 =	rddreg [dreg:$0x2];
	[bflag:$0x3] =	sbarrier.arrive $0xFFFF;
	s2 =	simm.s32 @!p0 $0x1C02  }
0x32: {  	[timem:s3], [sflag:s2] =	dma.local @!p0 [hbm:s0], s1  }
0x33: {  	s0 =	simm.s32 @!p0 $0x2  }
0x34: {  	_ =	swait.ge @!p0 [sflag:s0], s1  }
0x35: {  	s1 =	ssub.s32 @!p0 $0x0, s1;
	[sflag:s0] =	ssyncset.done @!p0 $0x0  }
0x36: {  	[sflag:s0] =	ssyncadd.s32 @!p0 s1  }
0x37: {  	[bflag:$0x3] =	sbarrier.arrive $0xFFFF  }
0x38: {  	_ =	shalt  }

// kernel: _run.20.cloned.1.call-start
scs
__scs_entry_jumppad:
0x0: {  	(pc) =	sbr.rel $0x88, $3  }
0x1: {  	(tag) =	ssettag $0x0;
	lr =	simm.s32 $0x1  }
0x2: {  	[smem:$0x3F9D] =	sst lr;
	_ =	strace $0xD0000000  }
0x3: {  	_ = 	snop  }
0x4: {  	_ = 	snop  }
0x5: {  	_ = 	snop  }
0x6: {  	_ = 	snop  }
0x7: {  	_ = 	snop  }
__scs_overlays_trampoline_lowered:
0x8: {  	[smem:$0x3FAC] =	sst s0  }
0x9: {  	[smem:$0x3FAD] =	sst s1  }
0xa: {  	[smem:$0x3FAE] =	sst s2  }
0xb: {  	[smem:$0x3FAF] =	sst s3  }
0xc: {  	[smem:$0x3FB0] =	sst s4  }
0xd: {  	[smem:$0x3FB1] =	sst s5  }
0xe: {  	[smem:$0x3FB2] =	sst s6  }
0xf: {  	[smem:$0x3FB3] =	sst s7  }
0x10: {  	[smem:$0x3FB4] =	sst s8  }
0x11: {  	[smem:$0x3FB5] =	sst s9;
	s0 =	simm.s32 @!p0 $0x0  }
0x12: {  	s1 =	sld [smem:$0x3F9B];
	s0 =	simm.s32 @p0 $0x1  }
0x13: {  	[smem:$0x3FB6] =	sst s0;
	s0 =	simm.s32 @!p1 $0x0  }
0x14: {  	s2 =	sld [smem:$0x3F9A];
	s0 =	simm.s32 @p1 $0x1  }
0x15: {  	[smem:$0x3FB7] =	sst s0;
	s0 =	simm.s32 @!p2 $0x0  }
0x16: {  	s3 =	sld [smem:$0x3FDB];
	s0 =	simm.s32 @p2 $0x1  }
0x17: {  	s4 =	simm.s32 $0x1BF5;
	[smem:$0x3FB9] =	sst s0  }
0x18: {  	s0 =	sld [smem:$0x3F9C];
	_ =	swait.ge [sflag:s4], $0x0  }
0x19: {  	s7 =	sld [smem:$0x3F9D]  }
0x1a: {  	s8 =	sadd.s32 $0xFFFFE003, lr  }
0x1b: {  	s9 =	sadd.s32 $0xFFFFFEF7, lr;
	s5 =	simm.s32 $0xFFFFFFFF;
	p2 =	slt.u32 s8, $0xFFFFF086  }
0x1c: {  	p1 =	slt.u32 s9, $0xF7A;
	s5 =	simm.s32 @!p2 $0x0  }
0x1d: {  	s5 =	simm.s32 @p1 $0x1;
	p0 =	seq.s32 s7, s2  }
0x1e: {  	s7 =	smul.u32 @!p0 $0xF7A, s2;
	p2 =	seq.s32 @!p0 s5, $0x0  }
0x1f: {  	s9 =	smul.u32 $0xF7A, s1;
	s8 =	simm.s32 @!p0 $0x1BF5;
	p2 =	por !p2, p0  }
0x20: {  	[sflag:s8] =	ssyncset.s32 @!p0 $0xFFFFF086;
	s6 =	sadd.s32 @!p0 s3, s7;
	s7 =	simm.s32 @!p0 $0x108  }
0x21: {  	s3 =	sadd.s32 s3, s9;
	s6 =	sadd.s32 @!p0 $0x88, s6;
	s7 =	simm.s32 @p2 $0x1082  }
0x22: {  	[simem:s7], [sflag:s8] =	dma.local @!p0 [hbm:s6], $0xF7A  }
0x23: {  	s9 =	sor.u32 $0xD0000000, s2;
	s6 =	simm.s32 $0x108;
	_ =	swait.ge @!p0 [sflag:s8], $0x0  }
0x24: {  	s3 =	sadd.s32 $0x88, s3;
	s6 =	simm.s32 @!p1 $0x1082;
	[sflag:s4] =	ssyncset.s32 $0xFFFFF086  }
0x25: {  	[simem:s6], [sflag:s4] =	dma.local [hbm:s3], $0xF7A  }
0x26: {  	[smem:$0x3F9D] =	sst s1;
	(tag) =	ssettag s2;
	_ =	strace s9  }
0x27: {  	s1 =	sld [smem:$0x3FAD]  }
0x28: {  	s2 =	sld [smem:$0x3FAE]  }
0x29: {  	s4 =	sld [smem:$0x3FB0]  }
0x2a: {  	p0 =	seq.s32 s5, $0x0;
	s5 =	sld [smem:$0x3FB1]  }
0x2b: {  	s6 =	sld [smem:$0x3FB2]  }
0x2c: {  	s7 =	sld [smem:$0x3FB3]  }
0x2d: {  	s3 =	simm.s32 $0x108;
	s8 =	sld [smem:$0x3FB4]  }
0x2e: {  	s3 =	simm.s32 @!p0 $0x1082;
	s9 =	sld [smem:$0x3FB5]  }
0x2f: {  	lr =	sadd.s32 s0, s3;
	s0 =	sld [smem:$0x3FAC]  }
0x30: {  	s3 =	sld [smem:$0x3FAF]  }
0x31: {  	[smem:$0x3FB8] =	sst s10  }
0x32: {  	s10 =	sld [smem:$0x3FB6];
	_ =	sdelay $0x3  }
0x33: {  	p0 =	seq.s32 s10, $0x1;
	s10 =	sld [smem:$0x3FB8];
	_ =	sdelay $0x3  }
0x34: {  	[smem:$0x3FB8] =	sst s10  }
0x35: {  	s10 =	sld [smem:$0x3FB7];
	_ =	sdelay $0x3  }
0x36: {  	p1 =	seq.s32 s10, $0x1;
	s10 =	sld [smem:$0x3FB8];
	_ =	sdelay $0x3  }
0x37: {  	[smem:$0x3FB8] =	sst s10  }
0x38: {  	s10 =	sld [smem:$0x3FB9]  }
0x39: {  	_ = 	snop;
	(pc) =	sbr.ind lr, $3  }
0x3a: {  	_ = 	snop  }
0x3b: {  	_ = 	snop  }
0x3c: {  	p2 =	seq.s32 s10, $0x1;
	s10 =	sld [smem:$0x3FB8]  }
0x3d: {  	_ =	shalt  }
0x3e: {  	_ =	shalt  }
0x3f: {  	_ =	shalt  }
0x40: {  	_ =	shalt  }
0x41: {  	_ =	shalt  }
0x42: {  	_ =	shalt  }
0x43: {  	_ =	shalt  }
0x44: {  	_ =	shalt  }
0x45: {  	_ =	shalt  }
0x46: {  	_ =	shalt  }
0x47: {  	_ =	shalt  }
0x48: {  	_ =	shalt  }
0x49: {  	_ =	shalt  }
0x4a: {  	_ =	shalt  }
0x4b: {  	_ =	shalt  }
0x4c: {  	_ =	shalt  }
0x4d: {  	_ =	shalt  }
0x4e: {  	_ =	shalt  }
0x4f: {  	_ =	shalt  }
0x50: {  	_ =	shalt  }
0x51: {  	_ =	shalt  }
0x52: {  	_ =	shalt  }
0x53: {  	_ =	shalt  }
0x54: {  	_ =	shalt  }
0x55: {  	_ =	shalt  }
0x56: {  	_ =	shalt  }
0x57: {  	_ =	shalt  }
0x58: {  	_ =	shalt  }
0x59: {  	_ =	shalt  }
0x5a: {  	_ =	shalt  }
0x5b: {  	_ =	shalt  }
0x5c: {  	_ =	shalt  }
0x5d: {  	_ =	shalt  }
0x5e: {  	_ =	shalt  }
0x5f: {  	_ =	shalt  }
0x60: {  	_ =	shalt  }
0x61: {  	_ =	shalt  }
0x62: {  	_ =	shalt  }
0x63: {  	_ =	shalt  }
0x64: {  	_ =	shalt  }
0x65: {  	_ =	shalt  }
0x66: {  	_ =	shalt  }
0x67: {  	_ =	shalt  }
0x68: {  	_ =	shalt  }
0x69: {  	_ =	shalt  }
0x6a: {  	_ =	shalt  }
0x6b: {  	_ =	shalt  }
0x6c: {  	_ =	shalt  }
0x6d: {  	_ =	shalt  }
0x6e: {  	_ =	shalt  }
0x6f: {  	_ =	shalt  }
0x70: {  	_ =	shalt  }
0x71: {  	_ =	shalt  }
0x72: {  	_ =	shalt  }
0x73: {  	_ =	shalt  }
0x74: {  	_ =	shalt  }
0x75: {  	_ =	shalt  }
0x76: {  	_ =	shalt  }
0x77: {  	_ =	shalt  }
0x78: {  	_ =	shalt  }
0x79: {  	_ =	shalt  }
0x7a: {  	_ =	shalt  }
0x7b: {  	_ =	shalt  }
0x7c: {  	_ =	shalt  }
0x7d: {  	_ =	shalt  }
0x7e: {  	_ =	shalt  }
0x7f: {  	_ =	shalt  }
0x80: {  	_ =	shalt  }
0x81: {  	_ =	shalt  }
0x82: {  	_ =	shalt  }
0x83: {  	_ =	shalt  }
0x84: {  	_ =	shalt  }
0x85: {  	_ =	shalt  }
0x86: {  	_ =	shalt  }
0x87: {  	_ =	shalt  }
.Lfunc_end0:
.L_simem_size_0:
called_computation.3_lowered:
.L_overlay_start_0:
0x88: {  	s2 =	sld [smem:$0x3FD9]  }
0x89: {  	s3 =	sld [smem:$0x3FFE];
	_ =	sdelay $0x1  }
0x8a: {  	s1 =	srdreg.scid  }
0x8b: {  	s0 =	sand.u32 $0x1, s1  }
0x8c: {  	s14 =	sshll.u32 s0, $0xA;
	s2 =	sadd.s32 s3, s2  }
0x8d: {  	s2 =	sadd.s32 s2, s14  }
0x8e: {  	[smem:$0x3FC4] =	sst s2  }
0x8f: {  	_ = 	snop  }
0x90: {  	s2 =	sld [smem:$0x3FD0];
	_ =	sdelay $0x2  }
0x91: {  	s15 =	simm.s32 $0xA;
	s4 =	simm.s32 $0x10  }
0x92: {  	[smem:s4], [sflag:s15] =	dma.local [hbm:s2], $0x1  }
0x93: {  	_ =	swait.eq [sflag:s15], $0x1  }
0x94: {  	[sflag:s15] =	ssyncset.done $0x0  }
0x95: {  	[sflag:s15] =	ssyncadd.s32 $0xFFFFFFFF  }
0x96: {  	s16 =	sld [smem:$0x10];
	(tm) =	ssettm $0x1  }
0x97: {  	s17 =	sld [smem:$0x3FFB];
	_ =	sdelay $0x3  }
0x98: {  	_ =	strace s17  }
0x99: {  	s3 =	sld [smem:$0x3FFC];
	_ =	sdelay $0x3  }
0x9a: {  	_ =	strace s3  }
0x9b: {  	s3 =	sld [smem:$0x3FFD];
	_ =	sdelay $0x3  }
0x9c: {  	_ =	strace s3  }
0x9d: {  	_ =	strace $0x8FFFFFFF  }
0x9e: {  	s18 =	sld [smem:$0x3FDB];
	_ =	sdelay $0x1  }
0x9f: {  	s19 =	simm.s32 $_scs_section_size  }
0xa0: {  	s5 =	simm.s32 $_size__tile_overlayer_lowered;
	s6 =	simm.s32 $_tile_overlayer_lowered  }
0xa1: {  	s22 =	simm.s32 $0x1BFF;
	s21 =	sshll.u32 s6, $0x1;
	s3 =	sadd.s32 s19, s18  }
0xa2: {  	s7 =	simm.s32 $0x0;
	s20 =	sshll.u32 s5, $0x1;
	s5 =	sadd.s32 s21, s3  }
0xa3: {  	[timem:s7], [sflag:s22] =	dma.local [hbm:s5], s20  }
0xa4: {  	_ =	swait.ge [sflag:s22], s20  }
0xa5: {  	s4 =	ssub.s32 $0x0, s20;
	[sflag:s22] =	ssyncset.done $0x0  }
0xa6: {  	[sflag:s22] =	ssyncadd.s32 s4;
	_ =	sdelay $0x1  }
0xa7: {  	s23 =	simm.s32 $0x1B8B  }
0xa8: {  	_ =	swait.ge [sflag:s23], $0x1  }
0xa9: {  	[sflag:s23] =	ssyncset.done $0x0  }
0xaa: {  	s25 =	simm.s32 $0x1B8E;
	s24 =	sld [smem:$0x3FFE];
	[sflag:s23] =	ssyncadd.s32 $0xFFFFFFFF  }
0xab: {  	s26 =	simm.s32 $execute0_lowered;
	[smem:$0x3FD2] =	sst s25  }
0xac: {  	s5 =	sshll.u32 s26, $0x1;
	_ =	strace $0x8000004F;
	[dreg:$0x1] =	wrdreg $0xFFFFFFFF  }
0xad: {  	s28 =	simm.s32 $_size_execute0_lowered;
	s3 =	sadd.s32 s3, s5;
	[dreg:$0x0] =	wrdreg $0x0  }
0xae: {  	s5 =	sshll.u32 s28, $0x1;
	[dreg:$0x2] =	wrdreg s3  }
0xaf: {  	[dreg:$0x3] =	wrdreg s5  }
0xb0: {  	[dreg:$0x4] =	wrdreg $0xC0  }
0xb1: {  	_ =	task [dreg:s7], $0x5FFFF  }
0xb2: {  	[dreg:$0x1] =	wrdreg $0xFFFFFFFF  }
0xb3: {  	[dreg:$0x0] =	wrdreg $0x60  }
0xb4: {  	[dreg:$0x2] =	wrdreg s24  }
0xb5: {  	[dreg:$0x3] =	wrdreg s16  }
0xb6: {  	[dreg:$0x4] =	wrdreg $0x9  }
0xb7: {  	_ =	task.clear_ibuf [dreg:s7], $0x5FFFF;
	_ =	strace $0x9000004F  }
0xb8: {  	s29 =	simm.s32 $0x9;
	_ =	strace $0x80000051  }
0xb9: {  	_ =	swait.ge [sflag:s29], $0x1  }
0xba: {  	[sflag:s29] =	ssyncadd.s32 $0xFFFFFFFF  }
0xbb: {  	_ =	strace $0x90000051  }
0xbc: {  	_ =	sfence  }
0xbd: {  	s30 =	sld [smem:$0x0];
	_ =	sdelay $0x2  }
0xbe: {  	s31 =	sshll.u32 s1, $0xD;
	s1 =	sshrl.u32 s1, $0x2  }
0xbf: {  	s3 =	sand.u32 $0x4000, s31;
	s1 =	sadd.s32 s1, s30  }
0xc0: {  	s0 =	sor.u32 s3, s0;
	s1 =	sshll.u32 s1, $0x11  }
0xc1: {  	s0 =	sor.u32 s1, s0  }
0xc2: {  	s0 =	sadd.s32 $0x8F2B, s0  }
0xc3: {  	[sflag:s0] =	ssyncadd.remote.s32 $0x1  }
0xc4: {  	_ =	sfence.sel $0xFFFF  }
0xc5: {  	[dreg:$0x0] =	wrdreg $0xFFFFFFFF;
	(pc) =	sbr.abs _section_cstart, $3  }
0xc6: {  	[dreg:$0x1] =	wrdreg $0xFFFFFFFF  }
0xc7: {  	_ =	task.clear_ibuf [dreg:s7], $0x2FFFF;
	_ =	strace $0x9FFFFFFF  }
0xc8: {  	(tm) =	ssettm $0x7FFFFFFF  }
0xc9: {  	_ =	shalt  }
tec
execute0_lowered:
.L_overlay_start_1:
0x0: {  	(tag) =	ssettag $0x1  }
0x1: {  	s1 =	srdreg.scid;
	s0 =	stileid.u32  }
0x2: {  	s5 =	rddreg [dreg:$0x0];
	s10 =	sand.u32 $0x1, s1;
	s29 =	sshll.u32 s0, $0x1  }
0x3: {  	s11 =	rddreg [dreg:$0x1];
	s12 =	sor.u32 s10, s29  }
0x4: {  	s2 =	simm.s32 $0x0;
	s1 =	rddreg [dreg:$0x2];
	s3 =	sshll.u32 s12, $0x5  }
0x5: {  	[smem:$0x7FF] =	sst s2;
	s3 =	sadd.s32 s3, s5  }
0x6: {  	_ =	strace $0x80000050;
	s4 =	sadd.s32 $0x3E00, s3;
	s3 =	simm.s32 $0x2  }
0x7: {  	[tilespmem:s2], [sflag:$0x2] =	stream.linear.gather [hbm4b:s4+s2], $0x100, $0x38;
	[tilespmem:$0x4100] =	vst v63  }
0x8: {  	_ =	swait.ge [sflag:s3], $0x100  }
0x9: {  	s6 =	simm.s32 $0x80;
	[sflag:s3] =	ssyncset.done $0x0  }
0xa: {  	s7 =	simm.s32 $0x100;
	s5 =	sadd.s32 $0x13E00, s5;
	[sflag:s3] =	ssyncadd.s32 $0xFFFFFF00  }
0xb: {  	[tilespmem:s7], [sflag:$0x1] =	stream.indirect.gather [hbm4b:s5+s6], $0x40, s2, s6, $0xb8;
	[tilespmem:$0x4100] =	vst v63  }
0xc: {  	s8 =	simm.s32 $0x2100;
	s9 =	simm.s32 $0x1;
	s10 =	ssub.s32 $0x2, s10  }
0xd: {  	[tilespmem:s8], [sflag:$0x1] =	stream.indirect.gather [hbm4b:s5+s6], $0x40, s6, s6, $0xb8;
	[tilespmem:$0x4100] =	vst v63  }
0xe: {  	s13 =	sshrl.u32 s10, $0x1;
	_ =	swait.ge [sflag:s9], $0x2000  }
0xf: {  	s13 =	ssub.s32 s10, s13;
	[sflag:s9] =	ssyncset.done $0x0  }
0x10: {  	s31 =	smax.u32 s13, $0x1;
	[sflag:s9] =	ssyncadd.s32 $0xFFFFE000  }
0x11: {  	p0 =	sne.s32 s31, $0x1;
	_ =	swait.ge [sflag:s9], $0x2000  }
.Ltmp0:
0x12: {  	s30 =	sshll.u32 s12, $0xB;
	[sflag:s9] =	ssyncset.done $0x0;
	(pc) =	sbr.rel @!p0 .LBB2_2-.Ltmp0, $4  }
0x13: {  	s10 =	sadd.s32 s11, s30;
	[sflag:s9] =	ssyncadd.s32 $0xFFFFE000  }
0x14: {  	[hbm4b:s10+s2] =	stream.linear.scatter [tilespmem:s7], [sflag:$0x2], $0x4000, $0x38;
	[tilespmem:$0x4100] =	vst v63  }
0x15: {  	_ =	swait.ge [sflag:s3], $0x4000  }
0x16: {  	s11 =	sadd.s32 $0xFFFFFFFF, s31;
	[sflag:s3] =	ssyncset.done $0x0  }
.LBB2_1:
0x17: {  	p0 =	sne.s32 s11, $0x1;
	s11 =	sadd.s32 $0xFFFFFFFF, s11;
	[sflag:s3] =	ssyncadd.s32 $0xFFFFC000  }
0x18: {  	[tilespmem:s2], [sflag:$0x2] =	stream.linear.gather [hbm4b:s4+s2], $0x100, $0x38;
	[tilespmem:$0x4100] =	vst v63  }
0x19: {  	_ =	swait.ge [sflag:s3], $0x100  }
0x1a: {  	[sflag:s3] =	ssyncset.done $0x0  }
0x1b: {  	[sflag:s3] =	ssyncadd.s32 $0xFFFFFF00  }
0x1c: {  	[tilespmem:s7], [sflag:$0x1] =	stream.indirect.gather [hbm4b:s5+s6], $0x40, s2, s6, $0xb8;
	[tilespmem:$0x4100] =	vst v63  }
0x1d: {  	_ = 	snop  }
0x1e: {  	[tilespmem:s8], [sflag:$0x1] =	stream.indirect.gather [hbm4b:s5+s6], $0x40, s6, s6, $0xb8;
	[tilespmem:$0x4100] =	vst v63  }
0x1f: {  	_ =	swait.ge [sflag:s9], $0x2000  }
0x20: {  	[sflag:s9] =	ssyncset.done $0x0  }
0x21: {  	[sflag:s9] =	ssyncadd.s32 $0xFFFFE000  }
0x22: {  	_ =	swait.ge [sflag:s9], $0x2000  }
.Ltmp1:
0x23: {  	[sflag:s9] =	ssyncset.done $0x0;
	(pc) =	sbr.rel @p0 .LBB2_1-.Ltmp1, $4  }
0x24: {  	[sflag:s9] =	ssyncadd.s32 $0xFFFFE000  }
0x25: {  	[hbm4b:s10+s2] =	stream.linear.scatter [tilespmem:s7], [sflag:$0x2], $0x4000, $0x38;
	[tilespmem:$0x4100] =	vst v63  }
0x26: {  	_ =	swait.ge [sflag:s3], $0x4000  }
0x27: {  	[sflag:s3] =	ssyncset.done $0x0  }
.LBB2_2:
0x28: {  	[sflag:s3] =	ssyncadd.s32 $0xFFFFC000  }
0x29: {  	_ =	sfence.sel $0x180000  }
0x2a: {  	[bflag:$0x0] =	sbarrier.arrive $0xFFFF  }
0x2b: {  	p0 =	sne.s32 s0, $0x0;
	_ =	strace $0x90000050  }
0x2c: {  	s0 =	sadd.s32 @!p0 $0x100000, s1;
	[bflag:$0x2] =	sbarrier.arrive $0xFFFF  }
0x2d: {  	[sflag:s0] =	ssyncadd.tile.s32 @!p0 $0x1;
	_ =	shalt  }
.Lfunc_end2:
_tile_overlayer_lowered:
.L_overlay_start_2:
0x2e: {  	(tag) =	ssettag $0x2  }
0x2f: {  	s0 =	rddreg [dreg:$0x0];
	s2 =	stileid.u32  }
0x30: {  	s1 =	rddreg [dreg:$0x1];
	p0 =	sne.s32 s2, $0x0  }
0x31: {  	s3 =	rddreg [dreg:$0x2];
	[bflag:$0x3] =	sbarrier.arrive $0xFFFF;
	s2 =	simm.s32 @!p0 $0x1C02  }
0x32: {  	[timem:s3], [sflag:s2] =	dma.local @!p0 [hbm:s0], s1  }
0x33: {  	s0 =	simm.s32 @!p0 $0x2  }
0x34: {  	_ =	swait.ge @!p0 [sflag:s0], s1  }
0x35: {  	s1 =	ssub.s32 @!p0 $0x0, s1;
	[sflag:s0] =	ssyncset.done @!p0 $0x0  }
0x36: {  	[sflag:s0] =	ssyncadd.s32 @!p0 s1  }
0x37: {  	[bflag:$0x3] =	sbarrier.arrive $0xFFFF  }
0x38: {  	_ =	shalt  }

</sc_bundles>
